<compile_context>
chip_gen: v7x
topology: tpu7x:2x2x1
jax: 0.10.2.dev20260603
libtpu: 0.0.44.dev20260713+nightly
codegen_flags: <defaults>
</compile_context>

<pallas_src>
import functools

import jax
import jax.numpy as jnp
from jax import lax
from jax.experimental import pallas as pl
from jax.experimental.pallas import tpu as pltpu
from jax.experimental.pallas import tpu_sc as plsc

_SEQ = 15
_NN = 3
_NE = 9
_FIN = 512
_HID = 32



def _sc_norm_body(ew_hbm, ei_hbm, a_hbm, ew_v, ei_v, a_v):
    pltpu.sync_copy(ew_hbm, ew_v)
    pltpu.sync_copy(ei_hbm, ei_v)

    slots = [3 * ei_v[1, e] + ei_v[0, e] for e in range(_NE)]

    for j in range(_NE):
        for t in range(16):
            a_v[j, t] = jnp.float32(0.0)
    for t in range(_SEQ):
        for e in range(_NE):
            a_v[slots[e], t] = a_v[slots[e], t] + ew_v[t, e]
    pltpu.sync_copy(a_v, a_hbm)


@functools.cache
def _get_sc_norm():
    return functools.partial(
        pl.kernel,
        out_type=jax.ShapeDtypeStruct((_NE, 16), jnp.float32),
        mesh=plsc.ScalarSubcoreMesh(axis_name="c", num_cores=1),
        scratch_types=[
            pltpu.SMEM((_SEQ, _NE), jnp.float32),
            pltpu.SMEM((2, _NE), jnp.int32),
            pltpu.SMEM((_NE, 16), jnp.float32),
        ],
    )(_sc_norm_body)



def _tc_body(xn_ref, wz_ref, wh_ref, wlz_ref, wlh_ref, bz_ref, bh_ref,
             blz_ref, blh_ref, a_ref, wlin_ref, blin_ref, out_ref):
    X = xn_ref[...].transpose(1, 0, 2).reshape(_NN * _SEQ, _FIN)
    W = jnp.concatenate([wz_ref[...], wh_ref[...]], axis=1)
    XW = jnp.dot(X, W, preferred_element_type=jnp.float32)

    B = a_ref[...]
    deg = jnp.concatenate(
        [B[3 * c:3 * c + 1, :] + B[3 * c + 1:3 * c + 2, :]
         + B[3 * c + 2:3 * c + 3, :] for c in range(_NN)], axis=0)
    dinv = lax.rsqrt(deg + 1.0)
    arows = []
    for cn in range(_NN):
        for r in range(_NN):
            ar = dinv[cn:cn + 1, :] * dinv[r:r + 1, :] \
                * B[3 * cn + r:3 * cn + r + 1, :]
            if cn == r:
                ar = ar + dinv[cn:cn + 1, :] * dinv[cn:cn + 1, :]
            arows.append(ar)
    A = jnp.concatenate(arows, axis=0)[:, :_SEQ].T

    parts = []
    for cn in range(_NN):
        acc = (A[:, 3 * cn + 0:3 * cn + 1] * XW[0:15, :]
               + A[:, 3 * cn + 1:3 * cn + 2] * XW[15:30, :]
               + A[:, 3 * cn + 2:3 * cn + 3] * XW[30:45, :])
        parts.append(acc)
    G = jnp.concatenate(parts, axis=0)

    Gz = G[:, 0:_HID] + bz_ref[...]
    Gh = G[:, _HID:2 * _HID] + bh_ref[...]
    Z = jax.nn.sigmoid(
        jnp.dot(Gz, wlz_ref[0:_HID, :], preferred_element_type=jnp.float32)
        + blz_ref[...])
    Ht = jnp.tanh(
        jnp.dot(Gh, wlh_ref[0:_HID, :], preferred_element_type=jnp.float32)
        + blh_ref[...])
    h = jnp.maximum((1.0 - Z) * Ht, 0.0)

    fi = lax.broadcasted_iota(jnp.int32, (_HID, _NN * _HID), 0)
    li = lax.broadcasted_iota(jnp.int32, (_HID, _NN * _HID), 1)
    q = jnp.zeros((1, _NN * _HID), jnp.float32)
    for n in range(_NN):
        pn = jnp.sum(h[_SEQ * n:_SEQ * (n + 1), :], axis=0, keepdims=True) \
            * (1.0 / _SEQ)
        sel = jnp.where(li == _NN * fi + n, 1.0, 0.0)
        q = q + jnp.dot(pn, sel, preferred_element_type=jnp.float32)
    out_ref[...] = jnp.dot(q, wlin_ref[...],
                           preferred_element_type=jnp.float32) + blin_ref[...]


_tc_core = pl.pallas_call(
    _tc_body,
    out_shape=jax.ShapeDtypeStruct((1, 2), jnp.float32),
)


def kernel(x, edge_index, edge_weight, Wz, bz, Wlz, blz, Wr, br, Wlr, blr,
           Wh, bh, Wlh, blh, Wlin, blin):
    A_t = _get_sc_norm()(edge_weight, edge_index.astype(jnp.int32))

    out = _tc_core(x, Wz, Wh, Wlz, Wlh,
                   bz.reshape(1, _HID), bh.reshape(1, _HID),
                   blz.reshape(1, _HID), blh.reshape(1, _HID),
                   A_t, Wlin, blin.reshape(1, -1))
    return out.reshape(-1)

# --- scband reference (transcript-rebuilt; emitter-appended) ---
"""Pipeline reference for scband-stgcn-16286515986725 (READ-ONLY COPY).

The authoritative reference and input builder live on the scoring server;
editing this copy changes nothing except your own understanding.
"""

import jax, jax.numpy as jnp
import numpy as np

SEQ_LEN = 15
NUM_NODES = 3
HIDDEN = 32
CLASSES = 2
F_IN = 512
N_EDGES = 9


def _gcn_conv(x, row, col, ew, W, b):
    # PyG GCNConv: add self-loops (weight 1), symmetric normalization, x @ W, scatter-add, + bias
    N = x.shape[0]
    loop = jnp.arange(N)
    row = jnp.concatenate([row, loop])
    col = jnp.concatenate([col, loop])
    ew = jnp.concatenate([ew, jnp.ones((N,), ew.dtype)])
    deg = jnp.zeros((N,), ew.dtype).at[col].add(ew)
    dinv = jnp.where(deg > 0, 1.0 / jnp.sqrt(deg), 0.0)
    norm = dinv[row] * ew * dinv[col]
    xw = x @ W
    out = jnp.zeros((N, W.shape[1]), xw.dtype).at[col].add(norm[:, None] * xw[row])
    return out + b


def _tgcn_step(x, row, col, ew, Wz, bz, Wlz, blz, Wr, br, Wlr, blr, Wh, bh, Wlh, blh):
    # torch_geometric_temporal TGCN cell with H initialized to zeros (no state carried in this model)
    H = jnp.zeros((x.shape[0], HIDDEN), x.dtype)
    Z = jax.nn.sigmoid(jnp.concatenate([_gcn_conv(x, row, col, ew, Wz, bz), H], axis=1) @ Wlz + blz)
    R = jax.nn.sigmoid(jnp.concatenate([_gcn_conv(x, row, col, ew, Wr, br), H], axis=1) @ Wlr + blr)
    H_tilde = jnp.tanh(jnp.concatenate([_gcn_conv(x, row, col, ew, Wh, bh), H * R], axis=1) @ Wlh + blh)
    return Z * H + (1.0 - Z) * H_tilde


def setup_inputs(seed: int = 0):
    key = jax.random.key(seed)
    ks = jax.random.split(key, 12)
    inp = {}
    inp['x'] = jax.random.normal(ks[0], (SEQ_LEN, NUM_NODES, F_IN), dtype=jnp.float32)
    inp['edge_index'] = jax.random.randint(ks[1], (2, N_EDGES), 0, NUM_NODES)
    inp['edge_weight'] = jax.random.uniform(ks[2], (SEQ_LEN, N_EDGES), dtype=jnp.float32)
    inp['Wz'] = jax.random.normal(ks[3], (F_IN, HIDDEN), dtype=jnp.float32) * 0.05
    inp['bz'] = jnp.zeros((HIDDEN,), jnp.float32)
    inp['Wlz'] = jax.random.normal(ks[4], (2 * HIDDEN, HIDDEN), dtype=jnp.float32) * 0.1
    inp['blz'] = jnp.zeros((HIDDEN,), jnp.float32)
    inp['Wr'] = jax.random.normal(ks[5], (F_IN, HIDDEN), dtype=jnp.float32) * 0.05
    inp['br'] = jnp.zeros((HIDDEN,), jnp.float32)
    inp['Wlr'] = jax.random.normal(ks[6], (2 * HIDDEN, HIDDEN), dtype=jnp.float32) * 0.1
    inp['blr'] = jnp.zeros((HIDDEN,), jnp.float32)
    inp['Wh'] = jax.random.normal(ks[7], (F_IN, HIDDEN), dtype=jnp.float32) * 0.05
    inp['bh'] = jnp.zeros((HIDDEN,), jnp.float32)
    inp['Wlh'] = jax.random.normal(ks[8], (2 * HIDDEN, HIDDEN), dtype=jnp.float32) * 0.1
    inp['blh'] = jnp.zeros((HIDDEN,), jnp.float32)
    inp['Wlin'] = jax.random.normal(ks[9], (HIDDEN * NUM_NODES, CLASSES), dtype=jnp.float32) * 0.1
    inp['blin'] = jnp.zeros((CLASSES,), jnp.float32)
    return inp


def reference(x, edge_index, edge_weight, Wz, bz, Wlz, blz, Wr, br, Wlr, blr, Wh, bh, Wlh, blh, Wlin, blin):
    row, col = edge_index[0], edge_index[1]
    outs = []
    for i in range(SEQ_LEN):
        h = jax.nn.relu(_tgcn_step(x[i], row, col, edge_weight[i], Wz, bz, Wlz, blz, Wr, br, Wlr, blr, Wh, bh, Wlh, blh))
        # h.t().unsqueeze(1) then flatten -> row-major flatten of h.T
        outs.append(h.T.reshape(-1))
    out = jnp.stack(outs)  # [SEQ_LEN, HIDDEN*NUM_NODES]
    # out.t() -> [HIDDEN*N, SEQ_LEN]; AvgPool1d(kernel=SEQ_LEN) -> mean over time
    pooled = out.T.mean(axis=1)  # [HIDDEN*NUM_NODES]
    return pooled @ Wlin + blin  # [CLASSES]

if __name__ == "__main__":
    import jax
    _d = setup_inputs()
    print(jax.jit(kernel)(*tuple(_d.values())))

</pallas_src>

<mosaic_0001>
#map = affine_map<(d0) -> (0, 0)>
module attributes {stable_mosaic.version = 14 : i64} {
  func.func @_sc_norm_body(%arg0: i32, %arg1: memref<15x9xf32, #tpu.memory_space<hbm>>, %arg2: memref<2x9xi32, #tpu.memory_space<hbm>>, %arg3: memref<9x16xf32, #tpu.memory_space<hbm>>, %arg4: memref<15x9xf32, #tpu.memory_space<smem>>, %arg5: memref<2x9xi32, #tpu.memory_space<smem>>, %arg6: memref<9x16xf32, #tpu.memory_space<smem>>) attributes {dimension_semantics = [#tpu.dimension_semantics<core_parallel>], iteration_bounds = array<i64: 1>, scalar_prefetch = 0 : i64, scratch_operands = 3 : i64, tpu.core_type = #tpu.core_type<sc_scalar_subcore>, window_params = [{transform_indices = #map}, {transform_indices = #map}, {transform_indices = #map}]} {
    "tpu.region"() ({
      %run_scoped3A = tpu.sem_alloc : memref<!tpu.dma_semaphore, #tpu.memory_space<semaphore_mem>>
      tpu.enqueue_dma source(%arg1 : memref<15x9xf32, #tpu.memory_space<hbm>>) target(%arg4 : memref<15x9xf32, #tpu.memory_space<smem>>) target_semaphore(%run_scoped3A : memref<!tpu.dma_semaphore, #tpu.memory_space<semaphore_mem>>)
      tpu.wait_dma2 semaphore(%run_scoped3A : memref<!tpu.dma_semaphore, #tpu.memory_space<semaphore_mem>>) src(%arg1 : memref<15x9xf32, #tpu.memory_space<hbm>>) dst(%arg4 : memref<15x9xf32, #tpu.memory_space<smem>>)
      tpu.yield
    }) : () -> ()
    "tpu.region"() ({
      %run_scoped3A = tpu.sem_alloc : memref<!tpu.dma_semaphore, #tpu.memory_space<semaphore_mem>>
      tpu.enqueue_dma source(%arg2 : memref<2x9xi32, #tpu.memory_space<hbm>>) target(%arg5 : memref<2x9xi32, #tpu.memory_space<smem>>) target_semaphore(%run_scoped3A : memref<!tpu.dma_semaphore, #tpu.memory_space<semaphore_mem>>)
      tpu.wait_dma2 semaphore(%run_scoped3A : memref<!tpu.dma_semaphore, #tpu.memory_space<semaphore_mem>>) src(%arg2 : memref<2x9xi32, #tpu.memory_space<hbm>>) dst(%arg5 : memref<2x9xi32, #tpu.memory_space<smem>>)
      tpu.yield
    }) : () -> ()
    %get3A = arith.constant 1 : i32
    %get3A_0 = arith.constant 0 : i32
    %get3A_1 = arith.index_cast %get3A : i32 to index
    %get3A_2 = arith.index_cast %get3A_0 : i32 to index
    %get3A_3 = memref.load %arg5[%get3A_1, %get3A_2] : memref<2x9xi32, #tpu.memory_space<smem>>
    %mul3A = arith.constant 3 : i32
    %mul3A_4 = arith.muli %mul3A, %get3A_3 : i32
    %get3A_5 = arith.constant 0 : i32
    %get3A_6 = arith.constant 0 : i32
    %get3A_7 = arith.index_cast %get3A_5 : i32 to index
    %get3A_8 = arith.index_cast %get3A_6 : i32 to index
    %get3A_9 = memref.load %arg5[%get3A_7, %get3A_8] : memref<2x9xi32, #tpu.memory_space<smem>>
    %add3A = arith.addi %mul3A_4, %get3A_9 : i32
    %get3A_10 = arith.constant 1 : i32
    %get3A_11 = arith.constant 1 : i32
    %get3A_12 = arith.index_cast %get3A_10 : i32 to index
    %get3A_13 = arith.index_cast %get3A_11 : i32 to index
    %get3A_14 = memref.load %arg5[%get3A_12, %get3A_13] : memref<2x9xi32, #tpu.memory_space<smem>>
    %mul3A_15 = arith.constant 3 : i32
    %mul3A_16 = arith.muli %mul3A_15, %get3A_14 : i32
    %get3A_17 = arith.constant 0 : i32
    %get3A_18 = arith.constant 1 : i32
    %get3A_19 = arith.index_cast %get3A_17 : i32 to index
    %get3A_20 = arith.index_cast %get3A_18 : i32 to index
    %get3A_21 = memref.load %arg5[%get3A_19, %get3A_20] : memref<2x9xi32, #tpu.memory_space<smem>>
    %add3A_22 = arith.addi %mul3A_16, %get3A_21 : i32
    %get3A_23 = arith.constant 1 : i32
    %get3A_24 = arith.constant 2 : i32
    %get3A_25 = arith.index_cast %get3A_23 : i32 to index
    %get3A_26 = arith.index_cast %get3A_24 : i32 to index
    %get3A_27 = memref.load %arg5[%get3A_25, %get3A_26] : memref<2x9xi32, #tpu.memory_space<smem>>
    %mul3A_28 = arith.constant 3 : i32
    %mul3A_29 = arith.muli %mul3A_28, %get3A_27 : i32
    %get3A_30 = arith.constant 0 : i32
    %get3A_31 = arith.constant 2 : i32
    %get3A_32 = arith.index_cast %get3A_30 : i32 to index
    %get3A_33 = arith.index_cast %get3A_31 : i32 to index
    %get3A_34 = memref.load %arg5[%get3A_32, %get3A_33] : memref<2x9xi32, #tpu.memory_space<smem>>
    %add3A_35 = arith.addi %mul3A_29, %get3A_34 : i32
    %get3A_36 = arith.constant 1 : i32
    %get3A_37 = arith.constant 3 : i32
    %get3A_38 = arith.index_cast %get3A_36 : i32 to index
    %get3A_39 = arith.index_cast %get3A_37 : i32 to index
    %get3A_40 = memref.load %arg5[%get3A_38, %get3A_39] : memref<2x9xi32, #tpu.memory_space<smem>>
    %mul3A_41 = arith.constant 3 : i32
    %mul3A_42 = arith.muli %mul3A_41, %get3A_40 : i32
    %get3A_43 = arith.constant 0 : i32
    %get3A_44 = arith.constant 3 : i32
    %get3A_45 = arith.index_cast %get3A_43 : i32 to index
    %get3A_46 = arith.index_cast %get3A_44 : i32 to index
    %get3A_47 = memref.load %arg5[%get3A_45, %get3A_46] : memref<2x9xi32, #tpu.memory_space<smem>>
    %add3A_48 = arith.addi %mul3A_42, %get3A_47 : i32
    %get3A_49 = arith.constant 1 : i32
    %get3A_50 = arith.constant 4 : i32
    %get3A_51 = arith.index_cast %get3A_49 : i32 to index
    %get3A_52 = arith.index_cast %get3A_50 : i32 to index
    %get3A_53 = memref.load %arg5[%get3A_51, %get3A_52] : memref<2x9xi32, #tpu.memory_space<smem>>
    %mul3A_54 = arith.constant 3 : i32
    %mul3A_55 = arith.muli %mul3A_54, %get3A_53 : i32
    %get3A_56 = arith.constant 0 : i32
    %get3A_57 = arith.constant 4 : i32
    %get3A_58 = arith.index_cast %get3A_56 : i32 to index
    %get3A_59 = arith.index_cast %get3A_57 : i32 to index
    %get3A_60 = memref.load %arg5[%get3A_58, %get3A_59] : memref<2x9xi32, #tpu.memory_space<smem>>
    %add3A_61 = arith.addi %mul3A_55, %get3A_60 : i32
    %get3A_62 = arith.constant 1 : i32
    %get3A_63 = arith.constant 5 : i32
    %get3A_64 = arith.index_cast %get3A_62 : i32 to index
    %get3A_65 = arith.index_cast %get3A_63 : i32 to index
    %get3A_66 = memref.load %arg5[%get3A_64, %get3A_65] : memref<2x9xi32, #tpu.memory_space<smem>>
    %mul3A_67 = arith.constant 3 : i32
    %mul3A_68 = arith.muli %mul3A_67, %get3A_66 : i32
    %get3A_69 = arith.constant 0 : i32
    %get3A_70 = arith.constant 5 : i32
    %get3A_71 = arith.index_cast %get3A_69 : i32 to index
    %get3A_72 = arith.index_cast %get3A_70 : i32 to index
    %get3A_73 = memref.load %arg5[%get3A_71, %get3A_72] : memref<2x9xi32, #tpu.memory_space<smem>>
    %add3A_74 = arith.addi %mul3A_68, %get3A_73 : i32
    %get3A_75 = arith.constant 1 : i32
    %get3A_76 = arith.constant 6 : i32
    %get3A_77 = arith.index_cast %get3A_75 : i32 to index
    %get3A_78 = arith.index_cast %get3A_76 : i32 to index
    %get3A_79 = memref.load %arg5[%get3A_77, %get3A_78] : memref<2x9xi32, #tpu.memory_space<smem>>
    %mul3A_80 = arith.constant 3 : i32
    %mul3A_81 = arith.muli %mul3A_80, %get3A_79 : i32
    %get3A_82 = arith.constant 0 : i32
    %get3A_83 = arith.constant 6 : i32
    %get3A_84 = arith.index_cast %get3A_82 : i32 to index
    %get3A_85 = arith.index_cast %get3A_83 : i32 to index
    %get3A_86 = memref.load %arg5[%get3A_84, %get3A_85] : memref<2x9xi32, #tpu.memory_space<smem>>
    %add3A_87 = arith.addi %mul3A_81, %get3A_86 : i32
    %get3A_88 = arith.constant 1 : i32
    %get3A_89 = arith.constant 7 : i32
    %get3A_90 = arith.index_cast %get3A_88 : i32 to index
    %get3A_91 = arith.index_cast %get3A_89 : i32 to index
    %get3A_92 = memref.load %arg5[%get3A_90, %get3A_91] : memref<2x9xi32, #tpu.memory_space<smem>>
    %mul3A_93 = arith.constant 3 : i32
    %mul3A_94 = arith.muli %mul3A_93, %get3A_92 : i32
    %get3A_95 = arith.constant 0 : i32
    %get3A_96 = arith.constant 7 : i32
    %get3A_97 = arith.index_cast %get3A_95 : i32 to index
    %get3A_98 = arith.index_cast %get3A_96 : i32 to index
    %get3A_99 = memref.load %arg5[%get3A_97, %get3A_98] : memref<2x9xi32, #tpu.memory_space<smem>>
    %add3A_100 = arith.addi %mul3A_94, %get3A_99 : i32
    %get3A_101 = arith.constant 1 : i32
    %get3A_102 = arith.constant 8 : i32
    %get3A_103 = arith.index_cast %get3A_101 : i32 to index
    %get3A_104 = arith.index_cast %get3A_102 : i32 to index
    %get3A_105 = memref.load %arg5[%get3A_103, %get3A_104] : memref<2x9xi32, #tpu.memory_space<smem>>
    %mul3A_106 = arith.constant 3 : i32
    %mul3A_107 = arith.muli %mul3A_106, %get3A_105 : i32
    %get3A_108 = arith.constant 0 : i32
    %get3A_109 = arith.constant 8 : i32
    %get3A_110 = arith.index_cast %get3A_108 : i32 to index
    %get3A_111 = arith.index_cast %get3A_109 : i32 to index
    %get3A_112 = memref.load %arg5[%get3A_110, %get3A_111] : memref<2x9xi32, #tpu.memory_space<smem>>
    %add3A_113 = arith.addi %mul3A_107, %get3A_112 : i32
    %swap3A = arith.constant 0.000000e+00 : f32
    %swap3A_114 = arith.constant 0 : i32
    %swap3A_115 = arith.constant 0 : i32
    %swap3A_116 = arith.index_cast %swap3A_114 : i32 to index
    %swap3A_117 = arith.index_cast %swap3A_115 : i32 to index
    %swap3A_118 = memref.load %arg6[%swap3A_116, %swap3A_117] : memref<9x16xf32, #tpu.memory_space<smem>>
    memref.store %swap3A, %arg6[%swap3A_116, %swap3A_117] : memref<9x16xf32, #tpu.memory_space<smem>>
    %swap3A_119 = arith.constant 0.000000e+00 : f32
    %swap3A_120 = arith.constant 0 : i32
    %swap3A_121 = arith.constant 1 : i32
    %swap3A_122 = arith.index_cast %swap3A_120 : i32 to index
    %swap3A_123 = arith.index_cast %swap3A_121 : i32 to index
    %swap3A_124 = memref.load %arg6[%swap3A_122, %swap3A_123] : memref<9x16xf32, #tpu.memory_space<smem>>
    memref.store %swap3A_119, %arg6[%swap3A_122, %swap3A_123] : memref<9x16xf32, #tpu.memory_space<smem>>
    %swap3A_125 = arith.constant 0.000000e+00 : f32
    %swap3A_126 = arith.constant 0 : i32
    %swap3A_127 = arith.constant 2 : i32
    %swap3A_128 = arith.index_cast %swap3A_126 : i32 to index
    %swap3A_129 = arith.index_cast %swap3A_127 : i32 to index
    %swap3A_130 = memref.load %arg6[%swap3A_128, %swap3A_129] : memref<9x16xf32, #tpu.memory_space<smem>>
    memref.store %swap3A_125, %arg6[%swap3A_128, %swap3A_129] : memref<9x16xf32, #tpu.memory_space<smem>>
    %swap3A_131 = arith.constant 0.000000e+00 : f32
    %swap3A_132 = arith.constant 0 : i32
    %swap3A_133 = arith.constant 3 : i32
    %swap3A_134 = arith.index_cast %swap3A_132 : i32 to index
    %swap3A_135 = arith.index_cast %swap3A_133 : i32 to index
    %swap3A_136 = memref.load %arg6[%swap3A_134, %swap3A_135] : memref<9x16xf32, #tpu.memory_space<smem>>
    memref.store %swap3A_131, %arg6[%swap3A_134, %swap3A_135] : memref<9x16xf32, #tpu.memory_space<smem>>
    %swap3A_137 = arith.constant 0.000000e+00 : f32
    %swap3A_138 = arith.constant 0 : i32
    %swap3A_139 = arith.constant 4 : i32
    %swap3A_140 = arith.index_cast %swap3A_138 : i32 to index
    %swap3A_141 = arith.index_cast %swap3A_139 : i32 to index
    %swap3A_142 = memref.load %arg6[%swap3A_140, %swap3A_141] : memref<9x16xf32, #tpu.memory_space<smem>>
    memref.store %swap3A_137, %arg6[%swap3A_140, %swap3A_141] : memref<9x16xf32, #tpu.memory_space<smem>>
    %swap3A_143 = arith.constant 0.000000e+00 : f32
    %swap3A_144 = arith.constant 0 : i32
    %swap3A_145 = arith.constant 5 : i32
    %swap3A_146 = arith.index_cast %swap3A_144 : i32 to index
    %swap3A_147 = arith.index_cast %swap3A_145 : i32 to index
    %swap3A_148 = memref.load %arg6[%swap3A_146, %swap3A_147] : memref<9x16xf32, #tpu.memory_space<smem>>
    memref.store %swap3A_143, %arg6[%swap3A_146, %swap3A_147] : memref<9x16xf32, #tpu.memory_space<smem>>
    %swap3A_149 = arith.constant 0.000000e+00 : f32
    %swap3A_150 = arith.constant 0 : i32
    %swap3A_151 = arith.constant 6 : i32
    %swap3A_152 = arith.index_cast %swap3A_150 : i32 to index
    %swap3A_153 = arith.index_cast %swap3A_151 : i32 to index
    %swap3A_154 = memref.load %arg6[%swap3A_152, %swap3A_153] : memref<9x16xf32, #tpu.memory_space<smem>>
    memref.store %swap3A_149, %arg6[%swap3A_152, %swap3A_153] : memref<9x16xf32, #tpu.memory_space<smem>>
    %swap3A_155 = arith.constant 0.000000e+00 : f32
    %swap3A_156 = arith.constant 0 : i32
    %swap3A_157 = arith.constant 7 : i32
    %swap3A_158 = arith.index_cast %swap3A_156 : i32 to index
    %swap3A_159 = arith.index_cast %swap3A_157 : i32 to index
    %swap3A_160 = memref.load %arg6[%swap3A_158, %swap3A_159] : memref<9x16xf32, #tpu.memory_space<smem>>
    memref.store %swap3A_155, %arg6[%swap3A_158, %swap3A_159] : memref<9x16xf32, #tpu.memory_space<smem>>
    %swap3A_161 = arith.constant 0.000000e+00 : f32
    %swap3A_162 = arith.constant 0 : i32
    %swap3A_163 = arith.constant 8 : i32
    %swap3A_164 = arith.index_cast %swap3A_162 : i32 to index
    %swap3A_165 = arith.index_cast %swap3A_163 : i32 to index
    %swap3A_166 = memref.load %arg6[%swap3A_164, %swap3A_165] : memref<9x16xf32, #tpu.memory_space<smem>>
    memref.store %swap3A_161, %arg6[%swap3A_164, %swap3A_165] : memref<9x16xf32, #tpu.memory_space<smem>>
    %swap3A_167 = arith.constant 0.000000e+00 : f32
    %swap3A_168 = arith.constant 0 : i32
    %swap3A_169 = arith.constant 9 : i32
    %swap3A_170 = arith.index_cast %swap3A_168 : i32 to index
    %swap3A_171 = arith.index_cast %swap3A_169 : i32 to index
    %swap3A_172 = memref.load %arg6[%swap3A_170, %swap3A_171] : memref<9x16xf32, #tpu.memory_space<smem>>
    memref.store %swap3A_167, %arg6[%swap3A_170, %swap3A_171] : memref<9x16xf32, #tpu.memory_space<smem>>
    %swap3A_173 = arith.constant 0.000000e+00 : f32
    %swap3A_174 = arith.constant 0 : i32
    %swap3A_175 = arith.constant 10 : i32
    %swap3A_176 = arith.index_cast %swap3A_174 : i32 to index
    %swap3A_177 = arith.index_cast %swap3A_175 : i32 to index
    %swap3A_178 = memref.load %arg6[%swap3A_176, %swap3A_177] : memref<9x16xf32, #tpu.memory_space<smem>>
    memref.store %swap3A_173, %arg6[%swap3A_176, %swap3A_177] : memref<9x16xf32, #tpu.memory_space<smem>>
    %swap3A_179 = arith.constant 0.000000e+00 : f32
    %swap3A_180 = arith.constant 0 : i32
    %swap3A_181 = arith.constant 11 : i32
    %swap3A_182 = arith.index_cast %swap3A_180 : i32 to index
    %swap3A_183 = arith.index_cast %swap3A_181 : i32 to index
    %swap3A_184 = memref.load %arg6[%swap3A_182, %swap3A_183] : memref<9x16xf32, #tpu.memory_space<smem>>
    memref.store %swap3A_179, %arg6[%swap3A_182, %swap3A_183] : memref<9x16xf32, #tpu.memory_space<smem>>
    %swap3A_185 = arith.constant 0.000000e+00 : f32
    %swap3A_186 = arith.constant 0 : i32
    %swap3A_187 = arith.constant 12 : i32
    %swap3A_188 = arith.index_cast %swap3A_186 : i32 to index
    %swap3A_189 = arith.index_cast %swap3A_187 : i32 to index
    %swap3A_190 = memref.load %arg6[%swap3A_188, %swap3A_189] : memref<9x16xf32, #tpu.memory_space<smem>>
    memref.store %swap3A_185, %arg6[%swap3A_188, %swap3A_189] : memref<9x16xf32, #tpu.memory_space<smem>>
    %swap3A_191 = arith.constant 0.000000e+00 : f32
    %swap3A_192 = arith.constant 0 : i32
    %swap3A_193 = arith.constant 13 : i32
    %swap3A_194 = arith.index_cast %swap3A_192 : i32 to index
    %swap3A_195 = arith.index_cast %swap3A_193 : i32 to index
    %swap3A_196 = memref.load %arg6[%swap3A_194, %swap3A_195] : memref<9x16xf32, #tpu.memory_space<smem>>
    memref.store %swap3A_191, %arg6[%swap3A_194, %swap3A_195] : memref<9x16xf32, #tpu.memory_space<smem>>
    %swap3A_197 = arith.constant 0.000000e+00 : f32
    %swap3A_198 = arith.constant 0 : i32
    %swap3A_199 = arith.constant 14 : i32
    %swap3A_200 = arith.index_cast %swap3A_198 : i32 to index
    %swap3A_201 = arith.index_cast %swap3A_199 : i32 to index
    %swap3A_202 = memref.load %arg6[%swap3A_200, %swap3A_201] : memref<9x16xf32, #tpu.memory_space<smem>>
    memref.store %swap3A_197, %arg6[%swap3A_200, %swap3A_201] : memref<9x16xf32, #tpu.memory_space<smem>>
    %swap3A_203 = arith.constant 0.000000e+00 : f32
    %swap3A_204 = arith.constant 0 : i32
    %swap3A_205 = arith.constant 15 : i32
    %swap3A_206 = arith.index_cast %swap3A_204 : i32 to index
    %swap3A_207 = arith.index_cast %swap3A_205 : i32 to index
    %swap3A_208 = memref.load %arg6[%swap3A_206, %swap3A_207] : memref<9x16xf32, #tpu.memory_space<smem>>
    memref.store %swap3A_203, %arg6[%swap3A_206, %swap3A_207] : memref<9x16xf32, #tpu.memory_space<smem>>
    %swap3A_209 = arith.constant 0.000000e+00 : f32
    %swap3A_210 = arith.constant 1 : i32
    %swap3A_211 = arith.constant 0 : i32
    %swap3A_212 = arith.index_cast %swap3A_210 : i32 to index
    %swap3A_213 = arith.index_cast %swap3A_211 : i32 to index
    %swap3A_214 = memref.load %arg6[%swap3A_212, %swap3A_213] : memref<9x16xf32, #tpu.memory_space<smem>>
    memref.store %swap3A_209, %arg6[%swap3A_212, %swap3A_213] : memref<9x16xf32, #tpu.memory_space<smem>>
    %swap3A_215 = arith.constant 0.000000e+00 : f32
    %swap3A_216 = arith.constant 1 : i32
    %swap3A_217 = arith.constant 1 : i32
    %swap3A_218 = arith.index_cast %swap3A_216 : i32 to index
    %swap3A_219 = arith.index_cast %swap3A_217 : i32 to index
    %swap3A_220 = memref.load %arg6[%swap3A_218, %swap3A_219] : memref<9x16xf32, #tpu.memory_space<smem>>
    memref.store %swap3A_215, %arg6[%swap3A_218, %swap3A_219] : memref<9x16xf32, #tpu.memory_space<smem>>
    %swap3A_221 = arith.constant 0.000000e+00 : f32
    %swap3A_222 = arith.constant 1 : i32
    %swap3A_223 = arith.constant 2 : i32
    %swap3A_224 = arith.index_cast %swap3A_222 : i32 to index
    %swap3A_225 = arith.index_cast %swap3A_223 : i32 to index
    %swap3A_226 = memref.load %arg6[%swap3A_224, %swap3A_225] : memref<9x16xf32, #tpu.memory_space<smem>>
    memref.store %swap3A_221, %arg6[%swap3A_224, %swap3A_225] : memref<9x16xf32, #tpu.memory_space<smem>>
    %swap3A_227 = arith.constant 0.000000e+00 : f32
    %swap3A_228 = arith.constant 1 : i32
    %swap3A_229 = arith.constant 3 : i32
    %swap3A_230 = arith.index_cast %swap3A_228 : i32 to index
    %swap3A_231 = arith.index_cast %swap3A_229 : i32 to index
    %swap3A_232 = memref.load %arg6[%swap3A_230, %swap3A_231] : memref<9x16xf32, #tpu.memory_space<smem>>
    memref.store %swap3A_227, %arg6[%swap3A_230, %swap3A_231] : memref<9x16xf32, #tpu.memory_space<smem>>
    %swap3A_233 = arith.constant 0.000000e+00 : f32
    %swap3A_234 = arith.constant 1 : i32
    %swap3A_235 = arith.constant 4 : i32
    %swap3A_236 = arith.index_cast %swap3A_234 : i32 to index
    %swap3A_237 = arith.index_cast %swap3A_235 : i32 to index
    %swap3A_238 = memref.load %arg6[%swap3A_236, %swap3A_237] : memref<9x16xf32, #tpu.memory_space<smem>>
    memref.store %swap3A_233, %arg6[%swap3A_236, %swap3A_237] : memref<9x16xf32, #tpu.memory_space<smem>>
    %swap3A_239 = arith.constant 0.000000e+00 : f32
    %swap3A_240 = arith.constant 1 : i32
    %swap3A_241 = arith.constant 5 : i32
    %swap3A_242 = arith.index_cast %swap3A_240 : i32 to index
    %swap3A_243 = arith.index_cast %swap3A_241 : i32 to index
    %swap3A_244 = memref.load %arg6[%swap3A_242, %swap3A_243] : memref<9x16xf32, #tpu.memory_space<smem>>
    memref.store %swap3A_239, %arg6[%swap3A_242, %swap3A_243] : memref<9x16xf32, #tpu.memory_space<smem>>
    %swap3A_245 = arith.constant 0.000000e+00 : f32
    %swap3A_246 = arith.constant 1 : i32
    %swap3A_247 = arith.constant 6 : i32
    %swap3A_248 = arith.index_cast %swap3A_246 : i32 to index
    %swap3A_249 = arith.index_cast %swap3A_247 : i32 to index
    %swap3A_250 = memref.load %arg6[%swap3A_248, %swap3A_249] : memref<9x16xf32, #tpu.memory_space<smem>>
    memref.store %swap3A_245, %arg6[%swap3A_248, %swap3A_249] : memref<9x16xf32, #tpu.memory_space<smem>>
    %swap3A_251 = arith.constant 0.000000e+00 : f32
    %swap3A_252 = arith.constant 1 : i32
    %swap3A_253 = arith.constant 7 : i32
    %swap3A_254 = arith.index_cast %swap3A_252 : i32 to index
    %swap3A_255 = arith.index_cast %swap3A_253 : i32 to index
    %swap3A_256 = memref.load %arg6[%swap3A_254, %swap3A_255] : memref<9x16xf32, #tpu.memory_space<smem>>
    memref.store %swap3A_251, %arg6[%swap3A_254, %swap3A_255] : memref<9x16xf32, #tpu.memory_space<smem>>
    %swap3A_257 = arith.constant 0.000000e+00 : f32
    %swap3A_258 = arith.constant 1 : i32
    %swap3A_259 = arith.constant 8 : i32
    %swap3A_260 = arith.index_cast %swap3A_258 : i32 to index
    %swap3A_261 = arith.index_cast %swap3A_259 : i32 to index
    %swap3A_262 = memref.load %arg6[%swap3A_260, %swap3A_261] : memref<9x16xf32, #tpu.memory_space<smem>>
    memref.store %swap3A_257, %arg6[%swap3A_260, %swap3A_261] : memref<9x16xf32, #tpu.memory_space<smem>>
    %swap3A_263 = arith.constant 0.000000e+00 : f32
    %swap3A_264 = arith.constant 1 : i32
    %swap3A_265 = arith.constant 9 : i32
    %swap3A_266 = arith.index_cast %swap3A_264 : i32 to index
    %swap3A_267 = arith.index_cast %swap3A_265 : i32 to index
    %swap3A_268 = memref.load %arg6[%swap3A_266, %swap3A_267] : memref<9x16xf32, #tpu.memory_space<smem>>
    memref.store %swap3A_263, %arg6[%swap3A_266, %swap3A_267] : memref<9x16xf32, #tpu.memory_space<smem>>
    %swap3A_269 = arith.constant 0.000000e+00 : f32
    %swap3A_270 = arith.constant 1 : i32
    %swap3A_271 = arith.constant 10 : i32
    %swap3A_272 = arith.index_cast %swap3A_270 : i32 to index
    %swap3A_273 = arith.index_cast %swap3A_271 : i32 to index
    %swap3A_274 = memref.load %arg6[%swap3A_272, %swap3A_273] : memref<9x16xf32, #tpu.memory_space<smem>>
    memref.store %swap3A_269, %arg6[%swap3A_272, %swap3A_273] : memref<9x16xf32, #tpu.memory_space<smem>>
    %swap3A_275 = arith.constant 0.000000e+00 : f32
    %swap3A_276 = arith.constant 1 : i32
    %swap3A_277 = arith.constant 11 : i32
    %swap3A_278 = arith.index_cast %swap3A_276 : i32 to index
    %swap3A_279 = arith.index_cast %swap3A_277 : i32 to index
    %swap3A_280 = memref.load %arg6[%swap3A_278, %swap3A_279] : memref<9x16xf32, #tpu.memory_space<smem>>
    memref.store %swap3A_275, %arg6[%swap3A_278, %swap3A_279] : memref<9x16xf32, #tpu.memory_space<smem>>
    %swap3A_281 = arith.constant 0.000000e+00 : f32
    %swap3A_282 = arith.constant 1 : i32
    %swap3A_283 = arith.constant 12 : i32
    %swap3A_284 = arith.index_cast %swap3A_282 : i32 to index
    %swap3A_285 = arith.index_cast %swap3A_283 : i32 to index
    %swap3A_286 = memref.load %arg6[%swap3A_284, %swap3A_285] : memref<9x16xf32, #tpu.memory_space<smem>>
    memref.store %swap3A_281, %arg6[%swap3A_284, %swap3A_285] : memref<9x16xf32, #tpu.memory_space<smem>>
    %swap3A_287 = arith.constant 0.000000e+00 : f32
    %swap3A_288 = arith.constant 1 : i32
    %swap3A_289 = arith.constant 13 : i32
    %swap3A_290 = arith.index_cast %swap3A_288 : i32 to index
    %swap3A_291 = arith.index_cast %swap3A_289 : i32 to index
    %swap3A_292 = memref.load %arg6[%swap3A_290, %swap3A_291] : memref<9x16xf32, #tpu.memory_space<smem>>
    memref.store %swap3A_287, %arg6[%swap3A_290, %swap3A_291] : memref<9x16xf32, #tpu.memory_space<smem>>
    %swap3A_293 = arith.constant 0.000000e+00 : f32
    %swap3A_294 = arith.constant 1 : i32
    %swap3A_295 = arith.constant 14 : i32
    %swap3A_296 = arith.index_cast %swap3A_294 : i32 to index
    %swap3A_297 = arith.index_cast %swap3A_295 : i32 to index
    %swap3A_298 = memref.load %arg6[%swap3A_296, %swap3A_297] : memref<9x16xf32, #tpu.memory_space<smem>>
    memref.store %swap3A_293, %arg6[%swap3A_296, %swap3A_297] : memref<9x16xf32, #tpu.memory_space<smem>>
    %swap3A_299 = arith.constant 0.000000e+00 : f32
    %swap3A_300 = arith.constant 1 : i32
    %swap3A_301 = arith.constant 15 : i32
    %swap3A_302 = arith.index_cast %swap3A_300 : i32 to index
    %swap3A_303 = arith.index_cast %swap3A_301 : i32 to index
    %swap3A_304 = memref.load %arg6[%swap3A_302, %swap3A_303] : memref<9x16xf32, #tpu.memory_space<smem>>
    memref.store %swap3A_299, %arg6[%swap3A_302, %swap3A_303] : memref<9x16xf32, #tpu.memory_space<smem>>
    %swap3A_305 = arith.constant 0.000000e+00 : f32
    %swap3A_306 = arith.constant 2 : i32
    %swap3A_307 = arith.constant 0 : i32
    %swap3A_308 = arith.index_cast %swap3A_306 : i32 to index
    %swap3A_309 = arith.index_cast %swap3A_307 : i32 to index
    %swap3A_310 = memref.load %arg6[%swap3A_308, %swap3A_309] : memref<9x16xf32, #tpu.memory_space<smem>>
    memref.store %swap3A_305, %arg6[%swap3A_308, %swap3A_309] : memref<9x16xf32, #tpu.memory_space<smem>>
    %swap3A_311 = arith.constant 0.000000e+00 : f32
    %swap3A_312 = arith.constant 2 : i32
    %swap3A_313 = arith.constant 1 : i32
    %swap3A_314 = arith.index_cast %swap3A_312 : i32 to index
    %swap3A_315 = arith.index_cast %swap3A_313 : i32 to index
    %swap3A_316 = memref.load %arg6[%swap3A_314, %swap3A_315] : memref<9x16xf32, #tpu.memory_space<smem>>
    memref.store %swap3A_311, %arg6[%swap3A_314, %swap3A_315] : memref<9x16xf32, #tpu.memory_space<smem>>
    %swap3A_317 = arith.constant 0.000000e+00 : f32
    %swap3A_318 = arith.constant 2 : i32
    %swap3A_319 = arith.constant 2 : i32
    %swap3A_320 = arith.index_cast %swap3A_318 : i32 to index
    %swap3A_321 = arith.index_cast %swap3A_319 : i32 to index
    %swap3A_322 = memref.load %arg6[%swap3A_320, %swap3A_321] : memref<9x16xf32, #tpu.memory_space<smem>>
    memref.store %swap3A_317, %arg6[%swap3A_320, %swap3A_321] : memref<9x16xf32, #tpu.memory_space<smem>>
    %swap3A_323 = arith.constant 0.000000e+00 : f32
    %swap3A_324 = arith.constant 2 : i32
    %swap3A_325 = arith.constant 3 : i32
    %swap3A_326 = arith.index_cast %swap3A_324 : i32 to index
    %swap3A_327 = arith.index_cast %swap3A_325 : i32 to index
    %swap3A_328 = memref.load %arg6[%swap3A_326, %swap3A_327] : memref<9x16xf32, #tpu.memory_space<smem>>
    memref.store %swap3A_323, %arg6[%swap3A_326, %swap3A_327] : memref<9x16xf32, #tpu.memory_space<smem>>
    %swap3A_329 = arith.constant 0.000000e+00 : f32
    %swap3A_330 = arith.constant 2 : i32
    %swap3A_331 = arith.constant 4 : i32
    %swap3A_332 = arith.index_cast %swap3A_330 : i32 to index
    %swap3A_333 = arith.index_cast %swap3A_331 : i32 to index
    %swap3A_334 = memref.load %arg6[%swap3A_332, %swap3A_333] : memref<9x16xf32, #tpu.memory_space<smem>>
    memref.store %swap3A_329, %arg6[%swap3A_332, %swap3A_333] : memref<9x16xf32, #tpu.memory_space<smem>>
    %swap3A_335 = arith.constant 0.000000e+00 : f32
    %swap3A_336 = arith.constant 2 : i32
    %swap3A_337 = arith.constant 5 : i32
    %swap3A_338 = arith.index_cast %swap3A_336 : i32 to index
    %swap3A_339 = arith.index_cast %swap3A_337 : i32 to index
    %swap3A_340 = memref.load %arg6[%swap3A_338, %swap3A_339] : memref<9x16xf32, #tpu.memory_space<smem>>
    memref.store %swap3A_335, %arg6[%swap3A_338, %swap3A_339] : memref<9x16xf32, #tpu.memory_space<smem>>
    %swap3A_341 = arith.constant 0.000000e+00 : f32
    %swap3A_342 = arith.constant 2 : i32
    %swap3A_343 = arith.constant 6 : i32
    %swap3A_344 = arith.index_cast %swap3A_342 : i32 to index
    %swap3A_345 = arith.index_cast %swap3A_343 : i32 to index
    %swap3A_346 = memref.load %arg6[%swap3A_344, %swap3A_345] : memref<9x16xf32, #tpu.memory_space<smem>>
    memref.store %swap3A_341, %arg6[%swap3A_344, %swap3A_345] : memref<9x16xf32, #tpu.memory_space<smem>>
    %swap3A_347 = arith.constant 0.000000e+00 : f32
    %swap3A_348 = arith.constant 2 : i32
    %swap3A_349 = arith.constant 7 : i32
    %swap3A_350 = arith.index_cast %swap3A_348 : i32 to index
    %swap3A_351 = arith.index_cast %swap3A_349 : i32 to index
    %swap3A_352 = memref.load %arg6[%swap3A_350, %swap3A_351] : memref<9x16xf32, #tpu.memory_space<smem>>
    memref.store %swap3A_347, %arg6[%swap3A_350, %swap3A_351] : memref<9x16xf32, #tpu.memory_space<smem>>
    %swap3A_353 = arith.constant 0.000000e+00 : f32
    %swap3A_354 = arith.constant 2 : i32
    %swap3A_355 = arith.constant 8 : i32
    %swap3A_356 = arith.index_cast %swap3A_354 : i32 to index
    %swap3A_357 = arith.index_cast %swap3A_355 : i32 to index
    %swap3A_358 = memref.load %arg6[%swap3A_356, %swap3A_357] : memref<9x16xf32, #tpu.memory_space<smem>>
    memref.store %swap3A_353, %arg6[%swap3A_356, %swap3A_357] : memref<9x16xf32, #tpu.memory_space<smem>>
    %swap3A_359 = arith.constant 0.000000e+00 : f32
    %swap3A_360 = arith.constant 2 : i32
    %swap3A_361 = arith.constant 9 : i32
    %swap3A_362 = arith.index_cast %swap3A_360 : i32 to index
    %swap3A_363 = arith.index_cast %swap3A_361 : i32 to index
    %swap3A_364 = memref.load %arg6[%swap3A_362, %swap3A_363] : memref<9x16xf32, #tpu.memory_space<smem>>
    memref.store %swap3A_359, %arg6[%swap3A_362, %swap3A_363] : memref<9x16xf32, #tpu.memory_space<smem>>
    %swap3A_365 = arith.constant 0.000000e+00 : f32
    %swap3A_366 = arith.constant 2 : i32
    %swap3A_367 = arith.constant 10 : i32
    %swap3A_368 = arith.index_cast %swap3A_366 : i32 to index
    %swap3A_369 = arith.index_cast %swap3A_367 : i32 to index
    %swap3A_370 = memref.load %arg6[%swap3A_368, %swap3A_369] : memref<9x16xf32, #tpu.memory_space<smem>>
    memref.store %swap3A_365, %arg6[%swap3A_368, %swap3A_369] : memref<9x16xf32, #tpu.memory_space<smem>>
    %swap3A_371 = arith.constant 0.000000e+00 : f32
    %swap3A_372 = arith.constant 2 : i32
    %swap3A_373 = arith.constant 11 : i32
    %swap3A_374 = arith.index_cast %swap3A_372 : i32 to index
    %swap3A_375 = arith.index_cast %swap3A_373 : i32 to index
    %swap3A_376 = memref.load %arg6[%swap3A_374, %swap3A_375] : memref<9x16xf32, #tpu.memory_space<smem>>
    memref.store %swap3A_371, %arg6[%swap3A_374, %swap3A_375] : memref<9x16xf32, #tpu.memory_space<smem>>
    %swap3A_377 = arith.constant 0.000000e+00 : f32
    %swap3A_378 = arith.constant 2 : i32
    %swap3A_379 = arith.constant 12 : i32
    %swap3A_380 = arith.index_cast %swap3A_378 : i32 to index
    %swap3A_381 = arith.index_cast %swap3A_379 : i32 to index
    %swap3A_382 = memref.load %arg6[%swap3A_380, %swap3A_381] : memref<9x16xf32, #tpu.memory_space<smem>>
    memref.store %swap3A_377, %arg6[%swap3A_380, %swap3A_381] : memref<9x16xf32, #tpu.memory_space<smem>>
    %swap3A_383 = arith.constant 0.000000e+00 : f32
    %swap3A_384 = arith.constant 2 : i32
    %swap3A_385 = arith.constant 13 : i32
    %swap3A_386 = arith.index_cast %swap3A_384 : i32 to index
    %swap3A_387 = arith.index_cast %swap3A_385 : i32 to index
    %swap3A_388 = memref.load %arg6[%swap3A_386, %swap3A_387] : memref<9x16xf32, #tpu.memory_space<smem>>
    memref.store %swap3A_383, %arg6[%swap3A_386, %swap3A_387] : memref<9x16xf32, #tpu.memory_space<smem>>
    %swap3A_389 = arith.constant 0.000000e+00 : f32
    %swap3A_390 = arith.constant 2 : i32
    %swap3A_391 = arith.constant 14 : i32
    %swap3A_392 = arith.index_cast %swap3A_390 : i32 to index
    %swap3A_393 = arith.index_cast %swap3A_391 : i32 to index
    %swap3A_394 = memref.load %arg6[%swap3A_392, %swap3A_393] : memref<9x16xf32, #tpu.memory_space<smem>>
    memref.store %swap3A_389, %arg6[%swap3A_392, %swap3A_393] : memref<9x16xf32, #tpu.memory_space<smem>>
    %swap3A_395 = arith.constant 0.000000e+00 : f32
    %swap3A_396 = arith.constant 2 : i32
    %swap3A_397 = arith.constant 15 : i32
    %swap3A_398 = arith.index_cast %swap3A_396 : i32 to index
    %swap3A_399 = arith.index_cast %swap3A_397 : i32 to index
    %swap3A_400 = memref.load %arg6[%swap3A_398, %swap3A_399] : memref<9x16xf32, #tpu.memory_space<smem>>
    memref.store %swap3A_395, %arg6[%swap3A_398, %swap3A_399] : memref<9x16xf32, #tpu.memory_space<smem>>
    %swap3A_401 = arith.constant 0.000000e+00 : f32
    %swap3A_402 = arith.constant 3 : i32
    %swap3A_403 = arith.constant 0 : i32
    %swap3A_404 = arith.index_cast %swap3A_402 : i32 to index
    %swap3A_405 = arith.index_cast %swap3A_403 : i32 to index
    %swap3A_406 = memref.load %arg6[%swap3A_404, %swap3A_405] : memref<9x16xf32, #tpu.memory_space<smem>>
    memref.store %swap3A_401, %arg6[%swap3A_404, %swap3A_405] : memref<9x16xf32, #tpu.memory_space<smem>>
    %swap3A_407 = arith.constant 0.000000e+00 : f32
    %swap3A_408 = arith.constant 3 : i32
    %swap3A_409 = arith.constant 1 : i32
    %swap3A_410 = arith.index_cast %swap3A_408 : i32 to index
    %swap3A_411 = arith.index_cast %swap3A_409 : i32 to index
    %swap3A_412 = memref.load %arg6[%swap3A_410, %swap3A_411] : memref<9x16xf32, #tpu.memory_space<smem>>
    memref.store %swap3A_407, %arg6[%swap3A_410, %swap3A_411] : memref<9x16xf32, #tpu.memory_space<smem>>
    %swap3A_413 = arith.constant 0.000000e+00 : f32
    %swap3A_414 = arith.constant 3 : i32
    %swap3A_415 = arith.constant 2 : i32
    %swap3A_416 = arith.index_cast %swap3A_414 : i32 to index
    %swap3A_417 = arith.index_cast %swap3A_415 : i32 to index
    %swap3A_418 = memref.load %arg6[%swap3A_416, %swap3A_417] : memref<9x16xf32, #tpu.memory_space<smem>>
    memref.store %swap3A_413, %arg6[%swap3A_416, %swap3A_417] : memref<9x16xf32, #tpu.memory_space<smem>>
    %swap3A_419 = arith.constant 0.000000e+00 : f32
    %swap3A_420 = arith.constant 3 : i32
    %swap3A_421 = arith.constant 3 : i32
    %swap3A_422 = arith.index_cast %swap3A_420 : i32 to index
    %swap3A_423 = arith.index_cast %swap3A_421 : i32 to index
    %swap3A_424 = memref.load %arg6[%swap3A_422, %swap3A_423] : memref<9x16xf32, #tpu.memory_space<smem>>
    memref.store %swap3A_419, %arg6[%swap3A_422, %swap3A_423] : memref<9x16xf32, #tpu.memory_space<smem>>
    %swap3A_425 = arith.constant 0.000000e+00 : f32
    %swap3A_426 = arith.constant 3 : i32
    %swap3A_427 = arith.constant 4 : i32
    %swap3A_428 = arith.index_cast %swap3A_426 : i32 to index
    %swap3A_429 = arith.index_cast %swap3A_427 : i32 to index
    %swap3A_430 = memref.load %arg6[%swap3A_428, %swap3A_429] : memref<9x16xf32, #tpu.memory_space<smem>>
    memref.store %swap3A_425, %arg6[%swap3A_428, %swap3A_429] : memref<9x16xf32, #tpu.memory_space<smem>>
    %swap3A_431 = arith.constant 0.000000e+00 : f32
    %swap3A_432 = arith.constant 3 : i32
    %swap3A_433 = arith.constant 5 : i32
    %swap3A_434 = arith.index_cast %swap3A_432 : i32 to index
    %swap3A_435 = arith.index_cast %swap3A_433 : i32 to index
    %swap3A_436 = memref.load %arg6[%swap3A_434, %swap3A_435] : memref<9x16xf32, #tpu.memory_space<smem>>
    memref.store %swap3A_431, %arg6[%swap3A_434, %swap3A_435] : memref<9x16xf32, #tpu.memory_space<smem>>
    %swap3A_437 = arith.constant 0.000000e+00 : f32
    %swap3A_438 = arith.constant 3 : i32
    %swap3A_439 = arith.constant 6 : i32
    %swap3A_440 = arith.index_cast %swap3A_438 : i32 to index
    %swap3A_441 = arith.index_cast %swap3A_439 : i32 to index
    %swap3A_442 = memref.load %arg6[%swap3A_440, %swap3A_441] : memref<9x16xf32, #tpu.memory_space<smem>>
    memref.store %swap3A_437, %arg6[%swap3A_440, %swap3A_441] : memref<9x16xf32, #tpu.memory_space<smem>>
    %swap3A_443 = arith.constant 0.000000e+00 : f32
    %swap3A_444 = arith.constant 3 : i32
    %swap3A_445 = arith.constant 7 : i32
    %swap3A_446 = arith.index_cast %swap3A_444 : i32 to index
    %swap3A_447 = arith.index_cast %swap3A_445 : i32 to index
    %swap3A_448 = memref.load %arg6[%swap3A_446, %swap3A_447] : memref<9x16xf32, #tpu.memory_space<smem>>
    memref.store %swap3A_443, %arg6[%swap3A_446, %swap3A_447] : memref<9x16xf32, #tpu.memory_space<smem>>
    %swap3A_449 = arith.constant 0.000000e+00 : f32
    %swap3A_450 = arith.constant 3 : i32
    %swap3A_451 = arith.constant 8 : i32
    %swap3A_452 = arith.index_cast %swap3A_450 : i32 to index
    %swap3A_453 = arith.index_cast %swap3A_451 : i32 to index
    %swap3A_454 = memref.load %arg6[%swap3A_452, %swap3A_453] : memref<9x16xf32, #tpu.memory_space<smem>>
    memref.store %swap3A_449, %arg6[%swap3A_452, %swap3A_453] : memref<9x16xf32, #tpu.memory_space<smem>>
    %swap3A_455 = arith.constant 0.000000e+00 : f32
    %swap3A_456 = arith.constant 3 : i32
    %swap3A_457 = arith.constant 9 : i32
    %swap3A_458 = arith.index_cast %swap3A_456 : i32 to index
    %swap3A_459 = arith.index_cast %swap3A_457 : i32 to index
    %swap3A_460 = memref.load %arg6[%swap3A_458, %swap3A_459] : memref<9x16xf32, #tpu.memory_space<smem>>
    memref.store %swap3A_455, %arg6[%swap3A_458, %swap3A_459] : memref<9x16xf32, #tpu.memory_space<smem>>
    %swap3A_461 = arith.constant 0.000000e+00 : f32
    %swap3A_462 = arith.constant 3 : i32
    %swap3A_463 = arith.constant 10 : i32
    %swap3A_464 = arith.index_cast %swap3A_462 : i32 to index
    %swap3A_465 = arith.index_cast %swap3A_463 : i32 to index
    %swap3A_466 = memref.load %arg6[%swap3A_464, %swap3A_465] : memref<9x16xf32, #tpu.memory_space<smem>>
    memref.store %swap3A_461, %arg6[%swap3A_464, %swap3A_465] : memref<9x16xf32, #tpu.memory_space<smem>>
    %swap3A_467 = arith.constant 0.000000e+00 : f32
    %swap3A_468 = arith.constant 3 : i32
    %swap3A_469 = arith.constant 11 : i32
    %swap3A_470 = arith.index_cast %swap3A_468 : i32 to index
    %swap3A_471 = arith.index_cast %swap3A_469 : i32 to index
    %swap3A_472 = memref.load %arg6[%swap3A_470, %swap3A_471] : memref<9x16xf32, #tpu.memory_space<smem>>
    memref.store %swap3A_467, %arg6[%swap3A_470, %swap3A_471] : memref<9x16xf32, #tpu.memory_space<smem>>
    %swap3A_473 = arith.constant 0.000000e+00 : f32
    %swap3A_474 = arith.constant 3 : i32
    %swap3A_475 = arith.constant 12 : i32
    %swap3A_476 = arith.index_cast %swap3A_474 : i32 to index
    %swap3A_477 = arith.index_cast %swap3A_475 : i32 to index
    %swap3A_478 = memref.load %arg6[%swap3A_476, %swap3A_477] : memref<9x16xf32, #tpu.memory_space<smem>>
    memref.store %swap3A_473, %arg6[%swap3A_476, %swap3A_477] : memref<9x16xf32, #tpu.memory_space<smem>>
    %swap3A_479 = arith.constant 0.000000e+00 : f32
    %swap3A_480 = arith.constant 3 : i32
    %swap3A_481 = arith.constant 13 : i32
    %swap3A_482 = arith.index_cast %swap3A_480 : i32 to index
    %swap3A_483 = arith.index_cast %swap3A_481 : i32 to index
    %swap3A_484 = memref.load %arg6[%swap3A_482, %swap3A_483] : memref<9x16xf32, #tpu.memory_space<smem>>
    memref.store %swap3A_479, %arg6[%swap3A_482, %swap3A_483] : memref<9x16xf32, #tpu.memory_space<smem>>
    %swap3A_485 = arith.constant 0.000000e+00 : f32
    %swap3A_486 = arith.constant 3 : i32
    %swap3A_487 = arith.constant 14 : i32
    %swap3A_488 = arith.index_cast %swap3A_486 : i32 to index
    %swap3A_489 = arith.index_cast %swap3A_487 : i32 to index
    %swap3A_490 = memref.load %arg6[%swap3A_488, %swap3A_489] : memref<9x16xf32, #tpu.memory_space<smem>>
    memref.store %swap3A_485, %arg6[%swap3A_488, %swap3A_489] : memref<9x16xf32, #tpu.memory_space<smem>>
    %swap3A_491 = arith.constant 0.000000e+00 : f32
    %swap3A_492 = arith.constant 3 : i32
    %swap3A_493 = arith.constant 15 : i32
    %swap3A_494 = arith.index_cast %swap3A_492 : i32 to index
    %swap3A_495 = arith.index_cast %swap3A_493 : i32 to index
    %swap3A_496 = memref.load %arg6[%swap3A_494, %swap3A_495] : memref<9x16xf32, #tpu.memory_space<smem>>
    memref.store %swap3A_491, %arg6[%swap3A_494, %swap3A_495] : memref<9x16xf32, #tpu.memory_space<smem>>
    %swap3A_497 = arith.constant 0.000000e+00 : f32
    %swap3A_498 = arith.constant 4 : i32
    %swap3A_499 = arith.constant 0 : i32
    %swap3A_500 = arith.index_cast %swap3A_498 : i32 to index
    %swap3A_501 = arith.index_cast %swap3A_499 : i32 to index
    %swap3A_502 = memref.load %arg6[%swap3A_500, %swap3A_501] : memref<9x16xf32, #tpu.memory_space<smem>>
    memref.store %swap3A_497, %arg6[%swap3A_500, %swap3A_501] : memref<9x16xf32, #tpu.memory_space<smem>>
    %swap3A_503 = arith.constant 0.000000e+00 : f32
    %swap3A_504 = arith.constant 4 : i32
    %swap3A_505 = arith.constant 1 : i32
    %swap3A_506 = arith.index_cast %swap3A_504 : i32 to index
    %swap3A_507 = arith.index_cast %swap3A_505 : i32 to index
    %swap3A_508 = memref.load %arg6[%swap3A_506, %swap3A_507] : memref<9x16xf32, #tpu.memory_space<smem>>
    memref.store %swap3A_503, %arg6[%swap3A_506, %swap3A_507] : memref<9x16xf32, #tpu.memory_space<smem>>
    %swap3A_509 = arith.constant 0.000000e+00 : f32
    %swap3A_510 = arith.constant 4 : i32
    %swap3A_511 = arith.constant 2 : i32
    %swap3A_512 = arith.index_cast %swap3A_510 : i32 to index
    %swap3A_513 = arith.index_cast %swap3A_511 : i32 to index
    %swap3A_514 = memref.load %arg6[%swap3A_512, %swap3A_513] : memref<9x16xf32, #tpu.memory_space<smem>>
    memref.store %swap3A_509, %arg6[%swap3A_512, %swap3A_513] : memref<9x16xf32, #tpu.memory_space<smem>>
    %swap3A_515 = arith.constant 0.000000e+00 : f32
    %swap3A_516 = arith.constant 4 : i32
    %swap3A_517 = arith.constant 3 : i32
    %swap3A_518 = arith.index_cast %swap3A_516 : i32 to index
    %swap3A_519 = arith.index_cast %swap3A_517 : i32 to index
    %swap3A_520 = memref.load %arg6[%swap3A_518, %swap3A_519] : memref<9x16xf32, #tpu.memory_space<smem>>
    memref.store %swap3A_515, %arg6[%swap3A_518, %swap3A_519] : memref<9x16xf32, #tpu.memory_space<smem>>
    %swap3A_521 = arith.constant 0.000000e+00 : f32
    %swap3A_522 = arith.constant 4 : i32
    %swap3A_523 = arith.constant 4 : i32
    %swap3A_524 = arith.index_cast %swap3A_522 : i32 to index
    %swap3A_525 = arith.index_cast %swap3A_523 : i32 to index
    %swap3A_526 = memref.load %arg6[%swap3A_524, %swap3A_525] : memref<9x16xf32, #tpu.memory_space<smem>>
    memref.store %swap3A_521, %arg6[%swap3A_524, %swap3A_525] : memref<9x16xf32, #tpu.memory_space<smem>>
    %swap3A_527 = arith.constant 0.000000e+00 : f32
    %swap3A_528 = arith.constant 4 : i32
    %swap3A_529 = arith.constant 5 : i32
    %swap3A_530 = arith.index_cast %swap3A_528 : i32 to index
    %swap3A_531 = arith.index_cast %swap3A_529 : i32 to index
    %swap3A_532 = memref.load %arg6[%swap3A_530, %swap3A_531] : memref<9x16xf32, #tpu.memory_space<smem>>
    memref.store %swap3A_527, %arg6[%swap3A_530, %swap3A_531] : memref<9x16xf32, #tpu.memory_space<smem>>
    %swap3A_533 = arith.constant 0.000000e+00 : f32
    %swap3A_534 = arith.constant 4 : i32
    %swap3A_535 = arith.constant 6 : i32
    %swap3A_536 = arith.index_cast %swap3A_534 : i32 to index
    %swap3A_537 = arith.index_cast %swap3A_535 : i32 to index
    %swap3A_538 = memref.load %arg6[%swap3A_536, %swap3A_537] : memref<9x16xf32, #tpu.memory_space<smem>>
    memref.store %swap3A_533, %arg6[%swap3A_536, %swap3A_537] : memref<9x16xf32, #tpu.memory_space<smem>>
    %swap3A_539 = arith.constant 0.000000e+00 : f32
    %swap3A_540 = arith.constant 4 : i32
    %swap3A_541 = arith.constant 7 : i32
    %swap3A_542 = arith.index_cast %swap3A_540 : i32 to index
    %swap3A_543 = arith.index_cast %swap3A_541 : i32 to index
    %swap3A_544 = memref.load %arg6[%swap3A_542, %swap3A_543] : memref<9x16xf32, #tpu.memory_space<smem>>
    memref.store %swap3A_539, %arg6[%swap3A_542, %swap3A_543] : memref<9x16xf32, #tpu.memory_space<smem>>
    %swap3A_545 = arith.constant 0.000000e+00 : f32
    %swap3A_546 = arith.constant 4 : i32
    %swap3A_547 = arith.constant 8 : i32
    %swap3A_548 = arith.index_cast %swap3A_546 : i32 to index
    %swap3A_549 = arith.index_cast %swap3A_547 : i32 to index
    %swap3A_550 = memref.load %arg6[%swap3A_548, %swap3A_549] : memref<9x16xf32, #tpu.memory_space<smem>>
    memref.store %swap3A_545, %arg6[%swap3A_548, %swap3A_549] : memref<9x16xf32, #tpu.memory_space<smem>>
    %swap3A_551 = arith.constant 0.000000e+00 : f32
    %swap3A_552 = arith.constant 4 : i32
    %swap3A_553 = arith.constant 9 : i32
    %swap3A_554 = arith.index_cast %swap3A_552 : i32 to index
    %swap3A_555 = arith.index_cast %swap3A_553 : i32 to index
    %swap3A_556 = memref.load %arg6[%swap3A_554, %swap3A_555] : memref<9x16xf32, #tpu.memory_space<smem>>
    memref.store %swap3A_551, %arg6[%swap3A_554, %swap3A_555] : memref<9x16xf32, #tpu.memory_space<smem>>
    %swap3A_557 = arith.constant 0.000000e+00 : f32
    %swap3A_558 = arith.constant 4 : i32
    %swap3A_559 = arith.constant 10 : i32
    %swap3A_560 = arith.index_cast %swap3A_558 : i32 to index
    %swap3A_561 = arith.index_cast %swap3A_559 : i32 to index
    %swap3A_562 = memref.load %arg6[%swap3A_560, %swap3A_561] : memref<9x16xf32, #tpu.memory_space<smem>>
    memref.store %swap3A_557, %arg6[%swap3A_560, %swap3A_561] : memref<9x16xf32, #tpu.memory_space<smem>>
    %swap3A_563 = arith.constant 0.000000e+00 : f32
    %swap3A_564 = arith.constant 4 : i32
    %swap3A_565 = arith.constant 11 : i32
    %swap3A_566 = arith.index_cast %swap3A_564 : i32 to index
    %swap3A_567 = arith.index_cast %swap3A_565 : i32 to index
    %swap3A_568 = memref.load %arg6[%swap3A_566, %swap3A_567] : memref<9x16xf32, #tpu.memory_space<smem>>
    memref.store %swap3A_563, %arg6[%swap3A_566, %swap3A_567] : memref<9x16xf32, #tpu.memory_space<smem>>
    %swap3A_569 = arith.constant 0.000000e+00 : f32
    %swap3A_570 = arith.constant 4 : i32
    %swap3A_571 = arith.constant 12 : i32
    %swap3A_572 = arith.index_cast %swap3A_570 : i32 to index
    %swap3A_573 = arith.index_cast %swap3A_571 : i32 to index
    %swap3A_574 = memref.load %arg6[%swap3A_572, %swap3A_573] : memref<9x16xf32, #tpu.memory_space<smem>>
    memref.store %swap3A_569, %arg6[%swap3A_572, %swap3A_573] : memref<9x16xf32, #tpu.memory_space<smem>>
    %swap3A_575 = arith.constant 0.000000e+00 : f32
    %swap3A_576 = arith.constant 4 : i32
    %swap3A_577 = arith.constant 13 : i32
    %swap3A_578 = arith.index_cast %swap3A_576 : i32 to index
    %swap3A_579 = arith.index_cast %swap3A_577 : i32 to index
    %swap3A_580 = memref.load %arg6[%swap3A_578, %swap3A_579] : memref<9x16xf32, #tpu.memory_space<smem>>
    memref.store %swap3A_575, %arg6[%swap3A_578, %swap3A_579] : memref<9x16xf32, #tpu.memory_space<smem>>
    %swap3A_581 = arith.constant 0.000000e+00 : f32
    %swap3A_582 = arith.constant 4 : i32
    %swap3A_583 = arith.constant 14 : i32
    %swap3A_584 = arith.index_cast %swap3A_582 : i32 to index
    %swap3A_585 = arith.index_cast %swap3A_583 : i32 to index
    %swap3A_586 = memref.load %arg6[%swap3A_584, %swap3A_585] : memref<9x16xf32, #tpu.memory_space<smem>>
    memref.store %swap3A_581, %arg6[%swap3A_584, %swap3A_585] : memref<9x16xf32, #tpu.memory_space<smem>>
    %swap3A_587 = arith.constant 0.000000e+00 : f32
    %swap3A_588 = arith.constant 4 : i32
    %swap3A_589 = arith.constant 15 : i32
    %swap3A_590 = arith.index_cast %swap3A_588 : i32 to index
    %swap3A_591 = arith.index_cast %swap3A_589 : i32 to index
    %swap3A_592 = memref.load %arg6[%swap3A_590, %swap3A_591] : memref<9x16xf32, #tpu.memory_space<smem>>
    memref.store %swap3A_587, %arg6[%swap3A_590, %swap3A_591] : memref<9x16xf32, #tpu.memory_space<smem>>
    %swap3A_593 = arith.constant 0.000000e+00 : f32
    %swap3A_594 = arith.constant 5 : i32
    %swap3A_595 = arith.constant 0 : i32
    %swap3A_596 = arith.index_cast %swap3A_594 : i32 to index
    %swap3A_597 = arith.index_cast %swap3A_595 : i32 to index
    %swap3A_598 = memref.load %arg6[%swap3A_596, %swap3A_597] : memref<9x16xf32, #tpu.memory_space<smem>>
    memref.store %swap3A_593, %arg6[%swap3A_596, %swap3A_597] : memref<9x16xf32, #tpu.memory_space<smem>>
    %swap3A_599 = arith.constant 0.000000e+00 : f32
    %swap3A_600 = arith.constant 5 : i32
    %swap3A_601 = arith.constant 1 : i32
    %swap3A_602 = arith.index_cast %swap3A_600 : i32 to index
    %swap3A_603 = arith.index_cast %swap3A_601 : i32 to index
    %swap3A_604 = memref.load %arg6[%swap3A_602, %swap3A_603] : memref<9x16xf32, #tpu.memory_space<smem>>
    memref.store %swap3A_599, %arg6[%swap3A_602, %swap3A_603] : memref<9x16xf32, #tpu.memory_space<smem>>
    %swap3A_605 = arith.constant 0.000000e+00 : f32
    %swap3A_606 = arith.constant 5 : i32
    %swap3A_607 = arith.constant 2 : i32
    %swap3A_608 = arith.index_cast %swap3A_606 : i32 to index
    %swap3A_609 = arith.index_cast %swap3A_607 : i32 to index
    %swap3A_610 = memref.load %arg6[%swap3A_608, %swap3A_609] : memref<9x16xf32, #tpu.memory_space<smem>>
    memref.store %swap3A_605, %arg6[%swap3A_608, %swap3A_609] : memref<9x16xf32, #tpu.memory_space<smem>>
    %swap3A_611 = arith.constant 0.000000e+00 : f32
    %swap3A_612 = arith.constant 5 : i32
    %swap3A_613 = arith.constant 3 : i32
    %swap3A_614 = arith.index_cast %swap3A_612 : i32 to index
    %swap3A_615 = arith.index_cast %swap3A_613 : i32 to index
    %swap3A_616 = memref.load %arg6[%swap3A_614, %swap3A_615] : memref<9x16xf32, #tpu.memory_space<smem>>
    memref.store %swap3A_611, %arg6[%swap3A_614, %swap3A_615] : memref<9x16xf32, #tpu.memory_space<smem>>
    %swap3A_617 = arith.constant 0.000000e+00 : f32
    %swap3A_618 = arith.constant 5 : i32
    %swap3A_619 = arith.constant 4 : i32
    %swap3A_620 = arith.index_cast %swap3A_618 : i32 to index
    %swap3A_621 = arith.index_cast %swap3A_619 : i32 to index
    %swap3A_622 = memref.load %arg6[%swap3A_620, %swap3A_621] : memref<9x16xf32, #tpu.memory_space<smem>>
    memref.store %swap3A_617, %arg6[%swap3A_620, %swap3A_621] : memref<9x16xf32, #tpu.memory_space<smem>>
    %swap3A_623 = arith.constant 0.000000e+00 : f32
    %swap3A_624 = arith.constant 5 : i32
    %swap3A_625 = arith.constant 5 : i32
    %swap3A_626 = arith.index_cast %swap3A_624 : i32 to index
    %swap3A_627 = arith.index_cast %swap3A_625 : i32 to index
    %swap3A_628 = memref.load %arg6[%swap3A_626, %swap3A_627] : memref<9x16xf32, #tpu.memory_space<smem>>
    memref.store %swap3A_623, %arg6[%swap3A_626, %swap3A_627] : memref<9x16xf32, #tpu.memory_space<smem>>
    %swap3A_629 = arith.constant 0.000000e+00 : f32
    %swap3A_630 = arith.constant 5 : i32
    %swap3A_631 = arith.constant 6 : i32
    %swap3A_632 = arith.index_cast %swap3A_630 : i32 to index
    %swap3A_633 = arith.index_cast %swap3A_631 : i32 to index
    %swap3A_634 = memref.load %arg6[%swap3A_632, %swap3A_633] : memref<9x16xf32, #tpu.memory_space<smem>>
    memref.store %swap3A_629, %arg6[%swap3A_632, %swap3A_633] : memref<9x16xf32, #tpu.memory_space<smem>>
    %swap3A_635 = arith.constant 0.000000e+00 : f32
    %swap3A_636 = arith.constant 5 : i32
    %swap3A_637 = arith.constant 7 : i32
    %swap3A_638 = arith.index_cast %swap3A_636 : i32 to index
    %swap3A_639 = arith.index_cast %swap3A_637 : i32 to index
    %swap3A_640 = memref.load %arg6[%swap3A_638, %swap3A_639] : memref<9x16xf32, #tpu.memory_space<smem>>
    memref.store %swap3A_635, %arg6[%swap3A_638, %swap3A_639] : memref<9x16xf32, #tpu.memory_space<smem>>
    %swap3A_641 = arith.constant 0.000000e+00 : f32
    %swap3A_642 = arith.constant 5 : i32
    %swap3A_643 = arith.constant 8 : i32
    %swap3A_644 = arith.index_cast %swap3A_642 : i32 to index
    %swap3A_645 = arith.index_cast %swap3A_643 : i32 to index
    %swap3A_646 = memref.load %arg6[%swap3A_644, %swap3A_645] : memref<9x16xf32, #tpu.memory_space<smem>>
    memref.store %swap3A_641, %arg6[%swap3A_644, %swap3A_645] : memref<9x16xf32, #tpu.memory_space<smem>>
    %swap3A_647 = arith.constant 0.000000e+00 : f32
    %swap3A_648 = arith.constant 5 : i32
    %swap3A_649 = arith.constant 9 : i32
    %swap3A_650 = arith.index_cast %swap3A_648 : i32 to index
    %swap3A_651 = arith.index_cast %swap3A_649 : i32 to index
    %swap3A_652 = memref.load %arg6[%swap3A_650, %swap3A_651] : memref<9x16xf32, #tpu.memory_space<smem>>
    memref.store %swap3A_647, %arg6[%swap3A_650, %swap3A_651] : memref<9x16xf32, #tpu.memory_space<smem>>
    %swap3A_653 = arith.constant 0.000000e+00 : f32
    %swap3A_654 = arith.constant 5 : i32
    %swap3A_655 = arith.constant 10 : i32
    %swap3A_656 = arith.index_cast %swap3A_654 : i32 to index
    %swap3A_657 = arith.index_cast %swap3A_655 : i32 to index
    %swap3A_658 = memref.load %arg6[%swap3A_656, %swap3A_657] : memref<9x16xf32, #tpu.memory_space<smem>>
    memref.store %swap3A_653, %arg6[%swap3A_656, %swap3A_657] : memref<9x16xf32, #tpu.memory_space<smem>>
    %swap3A_659 = arith.constant 0.000000e+00 : f32
    %swap3A_660 = arith.constant 5 : i32
    %swap3A_661 = arith.constant 11 : i32
    %swap3A_662 = arith.index_cast %swap3A_660 : i32 to index
    %swap3A_663 = arith.index_cast %swap3A_661 : i32 to index
    %swap3A_664 = memref.load %arg6[%swap3A_662, %swap3A_663] : memref<9x16xf32, #tpu.memory_space<smem>>
    memref.store %swap3A_659, %arg6[%swap3A_662, %swap3A_663] : memref<9x16xf32, #tpu.memory_space<smem>>
    %swap3A_665 = arith.constant 0.000000e+00 : f32
    %swap3A_666 = arith.constant 5 : i32
    %swap3A_667 = arith.constant 12 : i32
    %swap3A_668 = arith.index_cast %swap3A_666 : i32 to index
    %swap3A_669 = arith.index_cast %swap3A_667 : i32 to index
    %swap3A_670 = memref.load %arg6[%swap3A_668, %swap3A_669] : memref<9x16xf32, #tpu.memory_space<smem>>
    memref.store %swap3A_665, %arg6[%swap3A_668, %swap3A_669] : memref<9x16xf32, #tpu.memory_space<smem>>
    %swap3A_671 = arith.constant 0.000000e+00 : f32
    %swap3A_672 = arith.constant 5 : i32
    %swap3A_673 = arith.constant 13 : i32
    %swap3A_674 = arith.index_cast %swap3A_672 : i32 to index
    %swap3A_675 = arith.index_cast %swap3A_673 : i32 to index
    %swap3A_676 = memref.load %arg6[%swap3A_674, %swap3A_675] : memref<9x16xf32, #tpu.memory_space<smem>>
    memref.store %swap3A_671, %arg6[%swap3A_674, %swap3A_675] : memref<9x16xf32, #tpu.memory_space<smem>>
    %swap3A_677 = arith.constant 0.000000e+00 : f32
    %swap3A_678 = arith.constant 5 : i32
    %swap3A_679 = arith.constant 14 : i32
    %swap3A_680 = arith.index_cast %swap3A_678 : i32 to index
    %swap3A_681 = arith.index_cast %swap3A_679 : i32 to index
    %swap3A_682 = memref.load %arg6[%swap3A_680, %swap3A_681] : memref<9x16xf32, #tpu.memory_space<smem>>
    memref.store %swap3A_677, %arg6[%swap3A_680, %swap3A_681] : memref<9x16xf32, #tpu.memory_space<smem>>
    %swap3A_683 = arith.constant 0.000000e+00 : f32
    %swap3A_684 = arith.constant 5 : i32
    %swap3A_685 = arith.constant 15 : i32
    %swap3A_686 = arith.index_cast %swap3A_684 : i32 to index
    %swap3A_687 = arith.index_cast %swap3A_685 : i32 to index
    %swap3A_688 = memref.load %arg6[%swap3A_686, %swap3A_687] : memref<9x16xf32, #tpu.memory_space<smem>>
    memref.store %swap3A_683, %arg6[%swap3A_686, %swap3A_687] : memref<9x16xf32, #tpu.memory_space<smem>>
    %swap3A_689 = arith.constant 0.000000e+00 : f32
    %swap3A_690 = arith.constant 6 : i32
    %swap3A_691 = arith.constant 0 : i32
    %swap3A_692 = arith.index_cast %swap3A_690 : i32 to index
    %swap3A_693 = arith.index_cast %swap3A_691 : i32 to index
    %swap3A_694 = memref.load %arg6[%swap3A_692, %swap3A_693] : memref<9x16xf32, #tpu.memory_space<smem>>
    memref.store %swap3A_689, %arg6[%swap3A_692, %swap3A_693] : memref<9x16xf32, #tpu.memory_space<smem>>
    %swap3A_695 = arith.constant 0.000000e+00 : f32
    %swap3A_696 = arith.constant 6 : i32
    %swap3A_697 = arith.constant 1 : i32
    %swap3A_698 = arith.index_cast %swap3A_696 : i32 to index
    %swap3A_699 = arith.index_cast %swap3A_697 : i32 to index
    %swap3A_700 = memref.load %arg6[%swap3A_698, %swap3A_699] : memref<9x16xf32, #tpu.memory_space<smem>>
    memref.store %swap3A_695, %arg6[%swap3A_698, %swap3A_699] : memref<9x16xf32, #tpu.memory_space<smem>>
    %swap3A_701 = arith.constant 0.000000e+00 : f32
    %swap3A_702 = arith.constant 6 : i32
    %swap3A_703 = arith.constant 2 : i32
    %swap3A_704 = arith.index_cast %swap3A_702 : i32 to index
    %swap3A_705 = arith.index_cast %swap3A_703 : i32 to index
    %swap3A_706 = memref.load %arg6[%swap3A_704, %swap3A_705] : memref<9x16xf32, #tpu.memory_space<smem>>
    memref.store %swap3A_701, %arg6[%swap3A_704, %swap3A_705] : memref<9x16xf32, #tpu.memory_space<smem>>
    %swap3A_707 = arith.constant 0.000000e+00 : f32
    %swap3A_708 = arith.constant 6 : i32
    %swap3A_709 = arith.constant 3 : i32
    %swap3A_710 = arith.index_cast %swap3A_708 : i32 to index
    %swap3A_711 = arith.index_cast %swap3A_709 : i32 to index
    %swap3A_712 = memref.load %arg6[%swap3A_710, %swap3A_711] : memref<9x16xf32, #tpu.memory_space<smem>>
    memref.store %swap3A_707, %arg6[%swap3A_710, %swap3A_711] : memref<9x16xf32, #tpu.memory_space<smem>>
    %swap3A_713 = arith.constant 0.000000e+00 : f32
    %swap3A_714 = arith.constant 6 : i32
    %swap3A_715 = arith.constant 4 : i32
    %swap3A_716 = arith.index_cast %swap3A_714 : i32 to index
    %swap3A_717 = arith.index_cast %swap3A_715 : i32 to index
    %swap3A_718 = memref.load %arg6[%swap3A_716, %swap3A_717] : memref<9x16xf32, #tpu.memory_space<smem>>
    memref.store %swap3A_713, %arg6[%swap3A_716, %swap3A_717] : memref<9x16xf32, #tpu.memory_space<smem>>
    %swap3A_719 = arith.constant 0.000000e+00 : f32
    %swap3A_720 = arith.constant 6 : i32
    %swap3A_721 = arith.constant 5 : i32
    %swap3A_722 = arith.index_cast %swap3A_720 : i32 to index
    %swap3A_723 = arith.index_cast %swap3A_721 : i32 to index
    %swap3A_724 = memref.load %arg6[%swap3A_722, %swap3A_723] : memref<9x16xf32, #tpu.memory_space<smem>>
    memref.store %swap3A_719, %arg6[%swap3A_722, %swap3A_723] : memref<9x16xf32, #tpu.memory_space<smem>>
    %swap3A_725 = arith.constant 0.000000e+00 : f32
    %swap3A_726 = arith.constant 6 : i32
    %swap3A_727 = arith.constant 6 : i32
    %swap3A_728 = arith.index_cast %swap3A_726 : i32 to index
    %swap3A_729 = arith.index_cast %swap3A_727 : i32 to index
    %swap3A_730 = memref.load %arg6[%swap3A_728, %swap3A_729] : memref<9x16xf32, #tpu.memory_space<smem>>
    memref.store %swap3A_725, %arg6[%swap3A_728, %swap3A_729] : memref<9x16xf32, #tpu.memory_space<smem>>
    %swap3A_731 = arith.constant 0.000000e+00 : f32
    %swap3A_732 = arith.constant 6 : i32
    %swap3A_733 = arith.constant 7 : i32
    %swap3A_734 = arith.index_cast %swap3A_732 : i32 to index
    %swap3A_735 = arith.index_cast %swap3A_733 : i32 to index
    %swap3A_736 = memref.load %arg6[%swap3A_734, %swap3A_735] : memref<9x16xf32, #tpu.memory_space<smem>>
    memref.store %swap3A_731, %arg6[%swap3A_734, %swap3A_735] : memref<9x16xf32, #tpu.memory_space<smem>>
    %swap3A_737 = arith.constant 0.000000e+00 : f32
    %swap3A_738 = arith.constant 6 : i32
    %swap3A_739 = arith.constant 8 : i32
    %swap3A_740 = arith.index_cast %swap3A_738 : i32 to index
    %swap3A_741 = arith.index_cast %swap3A_739 : i32 to index
    %swap3A_742 = memref.load %arg6[%swap3A_740, %swap3A_741] : memref<9x16xf32, #tpu.memory_space<smem>>
    memref.store %swap3A_737, %arg6[%swap3A_740, %swap3A_741] : memref<9x16xf32, #tpu.memory_space<smem>>
    %swap3A_743 = arith.constant 0.000000e+00 : f32
    %swap3A_744 = arith.constant 6 : i32
    %swap3A_745 = arith.constant 9 : i32
    %swap3A_746 = arith.index_cast %swap3A_744 : i32 to index
    %swap3A_747 = arith.index_cast %swap3A_745 : i32 to index
    %swap3A_748 = memref.load %arg6[%swap3A_746, %swap3A_747] : memref<9x16xf32, #tpu.memory_space<smem>>
    memref.store %swap3A_743, %arg6[%swap3A_746, %swap3A_747] : memref<9x16xf32, #tpu.memory_space<smem>>
    %swap3A_749 = arith.constant 0.000000e+00 : f32
    %swap3A_750 = arith.constant 6 : i32
    %swap3A_751 = arith.constant 10 : i32
    %swap3A_752 = arith.index_cast %swap3A_750 : i32 to index
    %swap3A_753 = arith.index_cast %swap3A_751 : i32 to index
    %swap3A_754 = memref.load %arg6[%swap3A_752, %swap3A_753] : memref<9x16xf32, #tpu.memory_space<smem>>
    memref.store %swap3A_749, %arg6[%swap3A_752, %swap3A_753] : memref<9x16xf32, #tpu.memory_space<smem>>
    %swap3A_755 = arith.constant 0.000000e+00 : f32
    %swap3A_756 = arith.constant 6 : i32
    %swap3A_757 = arith.constant 11 : i32
    %swap3A_758 = arith.index_cast %swap3A_756 : i32 to index
    %swap3A_759 = arith.index_cast %swap3A_757 : i32 to index
    %swap3A_760 = memref.load %arg6[%swap3A_758, %swap3A_759] : memref<9x16xf32, #tpu.memory_space<smem>>
    memref.store %swap3A_755, %arg6[%swap3A_758, %swap3A_759] : memref<9x16xf32, #tpu.memory_space<smem>>
    %swap3A_761 = arith.constant 0.000000e+00 : f32
    %swap3A_762 = arith.constant 6 : i32
    %swap3A_763 = arith.constant 12 : i32
    %swap3A_764 = arith.index_cast %swap3A_762 : i32 to index
    %swap3A_765 = arith.index_cast %swap3A_763 : i32 to index
    %swap3A_766 = memref.load %arg6[%swap3A_764, %swap3A_765] : memref<9x16xf32, #tpu.memory_space<smem>>
    memref.store %swap3A_761, %arg6[%swap3A_764, %swap3A_765] : memref<9x16xf32, #tpu.memory_space<smem>>
    %swap3A_767 = arith.constant 0.000000e+00 : f32
    %swap3A_768 = arith.constant 6 : i32
    %swap3A_769 = arith.constant 13 : i32
    %swap3A_770 = arith.index_cast %swap3A_768 : i32 to index
    %swap3A_771 = arith.index_cast %swap3A_769 : i32 to index
    %swap3A_772 = memref.load %arg6[%swap3A_770, %swap3A_771] : memref<9x16xf32, #tpu.memory_space<smem>>
    memref.store %swap3A_767, %arg6[%swap3A_770, %swap3A_771] : memref<9x16xf32, #tpu.memory_space<smem>>
    %swap3A_773 = arith.constant 0.000000e+00 : f32
    %swap3A_774 = arith.constant 6 : i32
    %swap3A_775 = arith.constant 14 : i32
    %swap3A_776 = arith.index_cast %swap3A_774 : i32 to index
    %swap3A_777 = arith.index_cast %swap3A_775 : i32 to index
    %swap3A_778 = memref.load %arg6[%swap3A_776, %swap3A_777] : memref<9x16xf32, #tpu.memory_space<smem>>
    memref.store %swap3A_773, %arg6[%swap3A_776, %swap3A_777] : memref<9x16xf32, #tpu.memory_space<smem>>
    %swap3A_779 = arith.constant 0.000000e+00 : f32
    %swap3A_780 = arith.constant 6 : i32
    %swap3A_781 = arith.constant 15 : i32
    %swap3A_782 = arith.index_cast %swap3A_780 : i32 to index
    %swap3A_783 = arith.index_cast %swap3A_781 : i32 to index
    %swap3A_784 = memref.load %arg6[%swap3A_782, %swap3A_783] : memref<9x16xf32, #tpu.memory_space<smem>>
    memref.store %swap3A_779, %arg6[%swap3A_782, %swap3A_783] : memref<9x16xf32, #tpu.memory_space<smem>>
    %swap3A_785 = arith.constant 0.000000e+00 : f32
    %swap3A_786 = arith.constant 7 : i32
    %swap3A_787 = arith.constant 0 : i32
    %swap3A_788 = arith.index_cast %swap3A_786 : i32 to index
    %swap3A_789 = arith.index_cast %swap3A_787 : i32 to index
    %swap3A_790 = memref.load %arg6[%swap3A_788, %swap3A_789] : memref<9x16xf32, #tpu.memory_space<smem>>
    memref.store %swap3A_785, %arg6[%swap3A_788, %swap3A_789] : memref<9x16xf32, #tpu.memory_space<smem>>
    %swap3A_791 = arith.constant 0.000000e+00 : f32
    %swap3A_792 = arith.constant 7 : i32
    %swap3A_793 = arith.constant 1 : i32
    %swap3A_794 = arith.index_cast %swap3A_792 : i32 to index
    %swap3A_795 = arith.index_cast %swap3A_793 : i32 to index
    %swap3A_796 = memref.load %arg6[%swap3A_794, %swap3A_795] : memref<9x16xf32, #tpu.memory_space<smem>>
    memref.store %swap3A_791, %arg6[%swap3A_794, %swap3A_795] : memref<9x16xf32, #tpu.memory_space<smem>>
    %swap3A_797 = arith.constant 0.000000e+00 : f32
    %swap3A_798 = arith.constant 7 : i32
    %swap3A_799 = arith.constant 2 : i32
    %swap3A_800 = arith.index_cast %swap3A_798 : i32 to index
    %swap3A_801 = arith.index_cast %swap3A_799 : i32 to index
    %swap3A_802 = memref.load %arg6[%swap3A_800, %swap3A_801] : memref<9x16xf32, #tpu.memory_space<smem>>
    memref.store %swap3A_797, %arg6[%swap3A_800, %swap3A_801] : memref<9x16xf32, #tpu.memory_space<smem>>
    %swap3A_803 = arith.constant 0.000000e+00 : f32
    %swap3A_804 = arith.constant 7 : i32
    %swap3A_805 = arith.constant 3 : i32
    %swap3A_806 = arith.index_cast %swap3A_804 : i32 to index
    %swap3A_807 = arith.index_cast %swap3A_805 : i32 to index
    %swap3A_808 = memref.load %arg6[%swap3A_806, %swap3A_807] : memref<9x16xf32, #tpu.memory_space<smem>>
    memref.store %swap3A_803, %arg6[%swap3A_806, %swap3A_807] : memref<9x16xf32, #tpu.memory_space<smem>>
    %swap3A_809 = arith.constant 0.000000e+00 : f32
    %swap3A_810 = arith.constant 7 : i32
    %swap3A_811 = arith.constant 4 : i32
    %swap3A_812 = arith.index_cast %swap3A_810 : i32 to index
    %swap3A_813 = arith.index_cast %swap3A_811 : i32 to index
    %swap3A_814 = memref.load %arg6[%swap3A_812, %swap3A_813] : memref<9x16xf32, #tpu.memory_space<smem>>
    memref.store %swap3A_809, %arg6[%swap3A_812, %swap3A_813] : memref<9x16xf32, #tpu.memory_space<smem>>
    %swap3A_815 = arith.constant 0.000000e+00 : f32
    %swap3A_816 = arith.constant 7 : i32
    %swap3A_817 = arith.constant 5 : i32
    %swap3A_818 = arith.index_cast %swap3A_816 : i32 to index
    %swap3A_819 = arith.index_cast %swap3A_817 : i32 to index
    %swap3A_820 = memref.load %arg6[%swap3A_818, %swap3A_819] : memref<9x16xf32, #tpu.memory_space<smem>>
    memref.store %swap3A_815, %arg6[%swap3A_818, %swap3A_819] : memref<9x16xf32, #tpu.memory_space<smem>>
    %swap3A_821 = arith.constant 0.000000e+00 : f32
    %swap3A_822 = arith.constant 7 : i32
    %swap3A_823 = arith.constant 6 : i32
    %swap3A_824 = arith.index_cast %swap3A_822 : i32 to index
    %swap3A_825 = arith.index_cast %swap3A_823 : i32 to index
    %swap3A_826 = memref.load %arg6[%swap3A_824, %swap3A_825] : memref<9x16xf32, #tpu.memory_space<smem>>
    memref.store %swap3A_821, %arg6[%swap3A_824, %swap3A_825] : memref<9x16xf32, #tpu.memory_space<smem>>
    %swap3A_827 = arith.constant 0.000000e+00 : f32
    %swap3A_828 = arith.constant 7 : i32
    %swap3A_829 = arith.constant 7 : i32
    %swap3A_830 = arith.index_cast %swap3A_828 : i32 to index
    %swap3A_831 = arith.index_cast %swap3A_829 : i32 to index
    %swap3A_832 = memref.load %arg6[%swap3A_830, %swap3A_831] : memref<9x16xf32, #tpu.memory_space<smem>>
    memref.store %swap3A_827, %arg6[%swap3A_830, %swap3A_831] : memref<9x16xf32, #tpu.memory_space<smem>>
    %swap3A_833 = arith.constant 0.000000e+00 : f32
    %swap3A_834 = arith.constant 7 : i32
    %swap3A_835 = arith.constant 8 : i32
    %swap3A_836 = arith.index_cast %swap3A_834 : i32 to index
    %swap3A_837 = arith.index_cast %swap3A_835 : i32 to index
    %swap3A_838 = memref.load %arg6[%swap3A_836, %swap3A_837] : memref<9x16xf32, #tpu.memory_space<smem>>
    memref.store %swap3A_833, %arg6[%swap3A_836, %swap3A_837] : memref<9x16xf32, #tpu.memory_space<smem>>
    %swap3A_839 = arith.constant 0.000000e+00 : f32
    %swap3A_840 = arith.constant 7 : i32
    %swap3A_841 = arith.constant 9 : i32
    %swap3A_842 = arith.index_cast %swap3A_840 : i32 to index
    %swap3A_843 = arith.index_cast %swap3A_841 : i32 to index
    %swap3A_844 = memref.load %arg6[%swap3A_842, %swap3A_843] : memref<9x16xf32, #tpu.memory_space<smem>>
    memref.store %swap3A_839, %arg6[%swap3A_842, %swap3A_843] : memref<9x16xf32, #tpu.memory_space<smem>>
    %swap3A_845 = arith.constant 0.000000e+00 : f32
    %swap3A_846 = arith.constant 7 : i32
    %swap3A_847 = arith.constant 10 : i32
    %swap3A_848 = arith.index_cast %swap3A_846 : i32 to index
    %swap3A_849 = arith.index_cast %swap3A_847 : i32 to index
    %swap3A_850 = memref.load %arg6[%swap3A_848, %swap3A_849] : memref<9x16xf32, #tpu.memory_space<smem>>
    memref.store %swap3A_845, %arg6[%swap3A_848, %swap3A_849] : memref<9x16xf32, #tpu.memory_space<smem>>
    %swap3A_851 = arith.constant 0.000000e+00 : f32
    %swap3A_852 = arith.constant 7 : i32
    %swap3A_853 = arith.constant 11 : i32
    %swap3A_854 = arith.index_cast %swap3A_852 : i32 to index
    %swap3A_855 = arith.index_cast %swap3A_853 : i32 to index
    %swap3A_856 = memref.load %arg6[%swap3A_854, %swap3A_855] : memref<9x16xf32, #tpu.memory_space<smem>>
    memref.store %swap3A_851, %arg6[%swap3A_854, %swap3A_855] : memref<9x16xf32, #tpu.memory_space<smem>>
    %swap3A_857 = arith.constant 0.000000e+00 : f32
    %swap3A_858 = arith.constant 7 : i32
    %swap3A_859 = arith.constant 12 : i32
    %swap3A_860 = arith.index_cast %swap3A_858 : i32 to index
    %swap3A_861 = arith.index_cast %swap3A_859 : i32 to index
    %swap3A_862 = memref.load %arg6[%swap3A_860, %swap3A_861] : memref<9x16xf32, #tpu.memory_space<smem>>
    memref.store %swap3A_857, %arg6[%swap3A_860, %swap3A_861] : memref<9x16xf32, #tpu.memory_space<smem>>
    %swap3A_863 = arith.constant 0.000000e+00 : f32
    %swap3A_864 = arith.constant 7 : i32
    %swap3A_865 = arith.constant 13 : i32
    %swap3A_866 = arith.index_cast %swap3A_864 : i32 to index
    %swap3A_867 = arith.index_cast %swap3A_865 : i32 to index
    %swap3A_868 = memref.load %arg6[%swap3A_866, %swap3A_867] : memref<9x16xf32, #tpu.memory_space<smem>>
    memref.store %swap3A_863, %arg6[%swap3A_866, %swap3A_867] : memref<9x16xf32, #tpu.memory_space<smem>>
    %swap3A_869 = arith.constant 0.000000e+00 : f32
    %swap3A_870 = arith.constant 7 : i32
    %swap3A_871 = arith.constant 14 : i32
    %swap3A_872 = arith.index_cast %swap3A_870 : i32 to index
    %swap3A_873 = arith.index_cast %swap3A_871 : i32 to index
    %swap3A_874 = memref.load %arg6[%swap3A_872, %swap3A_873] : memref<9x16xf32, #tpu.memory_space<smem>>
    memref.store %swap3A_869, %arg6[%swap3A_872, %swap3A_873] : memref<9x16xf32, #tpu.memory_space<smem>>
    %swap3A_875 = arith.constant 0.000000e+00 : f32
    %swap3A_876 = arith.constant 7 : i32
    %swap3A_877 = arith.constant 15 : i32
    %swap3A_878 = arith.index_cast %swap3A_876 : i32 to index
    %swap3A_879 = arith.index_cast %swap3A_877 : i32 to index
    %swap3A_880 = memref.load %arg6[%swap3A_878, %swap3A_879] : memref<9x16xf32, #tpu.memory_space<smem>>
    memref.store %swap3A_875, %arg6[%swap3A_878, %swap3A_879] : memref<9x16xf32, #tpu.memory_space<smem>>
    %swap3A_881 = arith.constant 0.000000e+00 : f32
    %swap3A_882 = arith.constant 8 : i32
    %swap3A_883 = arith.constant 0 : i32
    %swap3A_884 = arith.index_cast %swap3A_882 : i32 to index
    %swap3A_885 = arith.index_cast %swap3A_883 : i32 to index
    %swap3A_886 = memref.load %arg6[%swap3A_884, %swap3A_885] : memref<9x16xf32, #tpu.memory_space<smem>>
    memref.store %swap3A_881, %arg6[%swap3A_884, %swap3A_885] : memref<9x16xf32, #tpu.memory_space<smem>>
    %swap3A_887 = arith.constant 0.000000e+00 : f32
    %swap3A_888 = arith.constant 8 : i32
    %swap3A_889 = arith.constant 1 : i32
    %swap3A_890 = arith.index_cast %swap3A_888 : i32 to index
    %swap3A_891 = arith.index_cast %swap3A_889 : i32 to index
    %swap3A_892 = memref.load %arg6[%swap3A_890, %swap3A_891] : memref<9x16xf32, #tpu.memory_space<smem>>
    memref.store %swap3A_887, %arg6[%swap3A_890, %swap3A_891] : memref<9x16xf32, #tpu.memory_space<smem>>
    %swap3A_893 = arith.constant 0.000000e+00 : f32
    %swap3A_894 = arith.constant 8 : i32
    %swap3A_895 = arith.constant 2 : i32
    %swap3A_896 = arith.index_cast %swap3A_894 : i32 to index
    %swap3A_897 = arith.index_cast %swap3A_895 : i32 to index
    %swap3A_898 = memref.load %arg6[%swap3A_896, %swap3A_897] : memref<9x16xf32, #tpu.memory_space<smem>>
    memref.store %swap3A_893, %arg6[%swap3A_896, %swap3A_897] : memref<9x16xf32, #tpu.memory_space<smem>>
    %swap3A_899 = arith.constant 0.000000e+00 : f32
    %swap3A_900 = arith.constant 8 : i32
    %swap3A_901 = arith.constant 3 : i32
    %swap3A_902 = arith.index_cast %swap3A_900 : i32 to index
    %swap3A_903 = arith.index_cast %swap3A_901 : i32 to index
    %swap3A_904 = memref.load %arg6[%swap3A_902, %swap3A_903] : memref<9x16xf32, #tpu.memory_space<smem>>
    memref.store %swap3A_899, %arg6[%swap3A_902, %swap3A_903] : memref<9x16xf32, #tpu.memory_space<smem>>
    %swap3A_905 = arith.constant 0.000000e+00 : f32
    %swap3A_906 = arith.constant 8 : i32
    %swap3A_907 = arith.constant 4 : i32
    %swap3A_908 = arith.index_cast %swap3A_906 : i32 to index
    %swap3A_909 = arith.index_cast %swap3A_907 : i32 to index
    %swap3A_910 = memref.load %arg6[%swap3A_908, %swap3A_909] : memref<9x16xf32, #tpu.memory_space<smem>>
    memref.store %swap3A_905, %arg6[%swap3A_908, %swap3A_909] : memref<9x16xf32, #tpu.memory_space<smem>>
    %swap3A_911 = arith.constant 0.000000e+00 : f32
    %swap3A_912 = arith.constant 8 : i32
    %swap3A_913 = arith.constant 5 : i32
    %swap3A_914 = arith.index_cast %swap3A_912 : i32 to index
    %swap3A_915 = arith.index_cast %swap3A_913 : i32 to index
    %swap3A_916 = memref.load %arg6[%swap3A_914, %swap3A_915] : memref<9x16xf32, #tpu.memory_space<smem>>
    memref.store %swap3A_911, %arg6[%swap3A_914, %swap3A_915] : memref<9x16xf32, #tpu.memory_space<smem>>
    %swap3A_917 = arith.constant 0.000000e+00 : f32
    %swap3A_918 = arith.constant 8 : i32
    %swap3A_919 = arith.constant 6 : i32
    %swap3A_920 = arith.index_cast %swap3A_918 : i32 to index
    %swap3A_921 = arith.index_cast %swap3A_919 : i32 to index
    %swap3A_922 = memref.load %arg6[%swap3A_920, %swap3A_921] : memref<9x16xf32, #tpu.memory_space<smem>>
    memref.store %swap3A_917, %arg6[%swap3A_920, %swap3A_921] : memref<9x16xf32, #tpu.memory_space<smem>>
    %swap3A_923 = arith.constant 0.000000e+00 : f32
    %swap3A_924 = arith.constant 8 : i32
    %swap3A_925 = arith.constant 7 : i32
    %swap3A_926 = arith.index_cast %swap3A_924 : i32 to index
    %swap3A_927 = arith.index_cast %swap3A_925 : i32 to index
    %swap3A_928 = memref.load %arg6[%swap3A_926, %swap3A_927] : memref<9x16xf32, #tpu.memory_space<smem>>
    memref.store %swap3A_923, %arg6[%swap3A_926, %swap3A_927] : memref<9x16xf32, #tpu.memory_space<smem>>
    %swap3A_929 = arith.constant 0.000000e+00 : f32
    %swap3A_930 = arith.constant 8 : i32
    %swap3A_931 = arith.constant 8 : i32
    %swap3A_932 = arith.index_cast %swap3A_930 : i32 to index
    %swap3A_933 = arith.index_cast %swap3A_931 : i32 to index
    %swap3A_934 = memref.load %arg6[%swap3A_932, %swap3A_933] : memref<9x16xf32, #tpu.memory_space<smem>>
    memref.store %swap3A_929, %arg6[%swap3A_932, %swap3A_933] : memref<9x16xf32, #tpu.memory_space<smem>>
    %swap3A_935 = arith.constant 0.000000e+00 : f32
    %swap3A_936 = arith.constant 8 : i32
    %swap3A_937 = arith.constant 9 : i32
    %swap3A_938 = arith.index_cast %swap3A_936 : i32 to index
    %swap3A_939 = arith.index_cast %swap3A_937 : i32 to index
    %swap3A_940 = memref.load %arg6[%swap3A_938, %swap3A_939] : memref<9x16xf32, #tpu.memory_space<smem>>
    memref.store %swap3A_935, %arg6[%swap3A_938, %swap3A_939] : memref<9x16xf32, #tpu.memory_space<smem>>
    %swap3A_941 = arith.constant 0.000000e+00 : f32
    %swap3A_942 = arith.constant 8 : i32
    %swap3A_943 = arith.constant 10 : i32
    %swap3A_944 = arith.index_cast %swap3A_942 : i32 to index
    %swap3A_945 = arith.index_cast %swap3A_943 : i32 to index
    %swap3A_946 = memref.load %arg6[%swap3A_944, %swap3A_945] : memref<9x16xf32, #tpu.memory_space<smem>>
    memref.store %swap3A_941, %arg6[%swap3A_944, %swap3A_945] : memref<9x16xf32, #tpu.memory_space<smem>>
    %swap3A_947 = arith.constant 0.000000e+00 : f32
    %swap3A_948 = arith.constant 8 : i32
    %swap3A_949 = arith.constant 11 : i32
    %swap3A_950 = arith.index_cast %swap3A_948 : i32 to index
    %swap3A_951 = arith.index_cast %swap3A_949 : i32 to index
    %swap3A_952 = memref.load %arg6[%swap3A_950, %swap3A_951] : memref<9x16xf32, #tpu.memory_space<smem>>
    memref.store %swap3A_947, %arg6[%swap3A_950, %swap3A_951] : memref<9x16xf32, #tpu.memory_space<smem>>
    %swap3A_953 = arith.constant 0.000000e+00 : f32
    %swap3A_954 = arith.constant 8 : i32
    %swap3A_955 = arith.constant 12 : i32
    %swap3A_956 = arith.index_cast %swap3A_954 : i32 to index
    %swap3A_957 = arith.index_cast %swap3A_955 : i32 to index
    %swap3A_958 = memref.load %arg6[%swap3A_956, %swap3A_957] : memref<9x16xf32, #tpu.memory_space<smem>>
    memref.store %swap3A_953, %arg6[%swap3A_956, %swap3A_957] : memref<9x16xf32, #tpu.memory_space<smem>>
    %swap3A_959 = arith.constant 0.000000e+00 : f32
    %swap3A_960 = arith.constant 8 : i32
    %swap3A_961 = arith.constant 13 : i32
    %swap3A_962 = arith.index_cast %swap3A_960 : i32 to index
    %swap3A_963 = arith.index_cast %swap3A_961 : i32 to index
    %swap3A_964 = memref.load %arg6[%swap3A_962, %swap3A_963] : memref<9x16xf32, #tpu.memory_space<smem>>
    memref.store %swap3A_959, %arg6[%swap3A_962, %swap3A_963] : memref<9x16xf32, #tpu.memory_space<smem>>
    %swap3A_965 = arith.constant 0.000000e+00 : f32
    %swap3A_966 = arith.constant 8 : i32
    %swap3A_967 = arith.constant 14 : i32
    %swap3A_968 = arith.index_cast %swap3A_966 : i32 to index
    %swap3A_969 = arith.index_cast %swap3A_967 : i32 to index
    %swap3A_970 = memref.load %arg6[%swap3A_968, %swap3A_969] : memref<9x16xf32, #tpu.memory_space<smem>>
    memref.store %swap3A_965, %arg6[%swap3A_968, %swap3A_969] : memref<9x16xf32, #tpu.memory_space<smem>>
    %swap3A_971 = arith.constant 0.000000e+00 : f32
    %swap3A_972 = arith.constant 8 : i32
    %swap3A_973 = arith.constant 15 : i32
    %swap3A_974 = arith.index_cast %swap3A_972 : i32 to index
    %swap3A_975 = arith.index_cast %swap3A_973 : i32 to index
    %swap3A_976 = memref.load %arg6[%swap3A_974, %swap3A_975] : memref<9x16xf32, #tpu.memory_space<smem>>
    memref.store %swap3A_971, %arg6[%swap3A_974, %swap3A_975] : memref<9x16xf32, #tpu.memory_space<smem>>
    %get3A_977 = arith.constant 0 : i32
    %get3A_978 = arith.index_cast %add3A : i32 to index
    %get3A_979 = arith.index_cast %get3A_977 : i32 to index
    %get3A_980 = memref.load %arg6[%get3A_978, %get3A_979] : memref<9x16xf32, #tpu.memory_space<smem>>
    %get3A_981 = arith.constant 0 : i32
    %get3A_982 = arith.constant 0 : i32
    %get3A_983 = arith.index_cast %get3A_981 : i32 to index
    %get3A_984 = arith.index_cast %get3A_982 : i32 to index
    %get3A_985 = memref.load %arg4[%get3A_983, %get3A_984] : memref<15x9xf32, #tpu.memory_space<smem>>
    %add3A_986 = arith.addf %get3A_980, %get3A_985 : f32
    %swap3A_987 = arith.constant 0 : i32
    %swap3A_988 = arith.index_cast %add3A : i32 to index
    %swap3A_989 = arith.index_cast %swap3A_987 : i32 to index
    %swap3A_990 = memref.load %arg6[%swap3A_988, %swap3A_989] : memref<9x16xf32, #tpu.memory_space<smem>>
    memref.store %add3A_986, %arg6[%swap3A_988, %swap3A_989] : memref<9x16xf32, #tpu.memory_space<smem>>
    %get3A_991 = arith.constant 0 : i32
    %get3A_992 = arith.index_cast %add3A_22 : i32 to index
    %get3A_993 = arith.index_cast %get3A_991 : i32 to index
    %get3A_994 = memref.load %arg6[%get3A_992, %get3A_993] : memref<9x16xf32, #tpu.memory_space<smem>>
    %get3A_995 = arith.constant 0 : i32
    %get3A_996 = arith.constant 1 : i32
    %get3A_997 = arith.index_cast %get3A_995 : i32 to index
    %get3A_998 = arith.index_cast %get3A_996 : i32 to index
    %get3A_999 = memref.load %arg4[%get3A_997, %get3A_998] : memref<15x9xf32, #tpu.memory_space<smem>>
    %add3A_1000 = arith.addf %get3A_994, %get3A_999 : f32
    %swap3A_1001 = arith.constant 0 : i32
    %swap3A_1002 = arith.index_cast %add3A_22 : i32 to index
    %swap3A_1003 = arith.index_cast %swap3A_1001 : i32 to index
    %swap3A_1004 = memref.load %arg6[%swap3A_1002, %swap3A_1003] : memref<9x16xf32, #tpu.memory_space<smem>>
    memref.store %add3A_1000, %arg6[%swap3A_1002, %swap3A_1003] : memref<9x16xf32, #tpu.memory_space<smem>>
    %get3A_1005 = arith.constant 0 : i32
    %get3A_1006 = arith.index_cast %add3A_35 : i32 to index
    %get3A_1007 = arith.index_cast %get3A_1005 : i32 to index
    %get3A_1008 = memref.load %arg6[%get3A_1006, %get3A_1007] : memref<9x16xf32, #tpu.memory_space<smem>>
    %get3A_1009 = arith.constant 0 : i32
    %get3A_1010 = arith.constant 2 : i32
    %get3A_1011 = arith.index_cast %get3A_1009 : i32 to index
    %get3A_1012 = arith.index_cast %get3A_1010 : i32 to index
    %get3A_1013 = memref.load %arg4[%get3A_1011, %get3A_1012] : memref<15x9xf32, #tpu.memory_space<smem>>
    %add3A_1014 = arith.addf %get3A_1008, %get3A_1013 : f32
    %swap3A_1015 = arith.constant 0 : i32
    %swap3A_1016 = arith.index_cast %add3A_35 : i32 to index
    %swap3A_1017 = arith.index_cast %swap3A_1015 : i32 to index
    %swap3A_1018 = memref.load %arg6[%swap3A_1016, %swap3A_1017] : memref<9x16xf32, #tpu.memory_space<smem>>
    memref.store %add3A_1014, %arg6[%swap3A_1016, %swap3A_1017] : memref<9x16xf32, #tpu.memory_space<smem>>
    %get3A_1019 = arith.constant 0 : i32
    %get3A_1020 = arith.index_cast %add3A_48 : i32 to index
    %get3A_1021 = arith.index_cast %get3A_1019 : i32 to index
    %get3A_1022 = memref.load %arg6[%get3A_1020, %get3A_1021] : memref<9x16xf32, #tpu.memory_space<smem>>
    %get3A_1023 = arith.constant 0 : i32
    %get3A_1024 = arith.constant 3 : i32
    %get3A_1025 = arith.index_cast %get3A_1023 : i32 to index
    %get3A_1026 = arith.index_cast %get3A_1024 : i32 to index
    %get3A_1027 = memref.load %arg4[%get3A_1025, %get3A_1026] : memref<15x9xf32, #tpu.memory_space<smem>>
    %add3A_1028 = arith.addf %get3A_1022, %get3A_1027 : f32
    %swap3A_1029 = arith.constant 0 : i32
    %swap3A_1030 = arith.index_cast %add3A_48 : i32 to index
    %swap3A_1031 = arith.index_cast %swap3A_1029 : i32 to index
    %swap3A_1032 = memref.load %arg6[%swap3A_1030, %swap3A_1031] : memref<9x16xf32, #tpu.memory_space<smem>>
    memref.store %add3A_1028, %arg6[%swap3A_1030, %swap3A_1031] : memref<9x16xf32, #tpu.memory_space<smem>>
    %get3A_1033 = arith.constant 0 : i32
    %get3A_1034 = arith.index_cast %add3A_61 : i32 to index
    %get3A_1035 = arith.index_cast %get3A_1033 : i32 to index
    %get3A_1036 = memref.load %arg6[%get3A_1034, %get3A_1035] : memref<9x16xf32, #tpu.memory_space<smem>>
    %get3A_1037 = arith.constant 0 : i32
    %get3A_1038 = arith.constant 4 : i32
    %get3A_1039 = arith.index_cast %get3A_1037 : i32 to index
    %get3A_1040 = arith.index_cast %get3A_1038 : i32 to index
    %get3A_1041 = memref.load %arg4[%get3A_1039, %get3A_1040] : memref<15x9xf32, #tpu.memory_space<smem>>
    %add3A_1042 = arith.addf %get3A_1036, %get3A_1041 : f32
    %swap3A_1043 = arith.constant 0 : i32
    %swap3A_1044 = arith.index_cast %add3A_61 : i32 to index
    %swap3A_1045 = arith.index_cast %swap3A_1043 : i32 to index
    %swap3A_1046 = memref.load %arg6[%swap3A_1044, %swap3A_1045] : memref<9x16xf32, #tpu.memory_space<smem>>
    memref.store %add3A_1042, %arg6[%swap3A_1044, %swap3A_1045] : memref<9x16xf32, #tpu.memory_space<smem>>
    %get3A_1047 = arith.constant 0 : i32
    %get3A_1048 = arith.index_cast %add3A_74 : i32 to index
    %get3A_1049 = arith.index_cast %get3A_1047 : i32 to index
    %get3A_1050 = memref.load %arg6[%get3A_1048, %get3A_1049] : memref<9x16xf32, #tpu.memory_space<smem>>
    %get3A_1051 = arith.constant 0 : i32
    %get3A_1052 = arith.constant 5 : i32
    %get3A_1053 = arith.index_cast %get3A_1051 : i32 to index
    %get3A_1054 = arith.index_cast %get3A_1052 : i32 to index
    %get3A_1055 = memref.load %arg4[%get3A_1053, %get3A_1054] : memref<15x9xf32, #tpu.memory_space<smem>>
    %add3A_1056 = arith.addf %get3A_1050, %get3A_1055 : f32
    %swap3A_1057 = arith.constant 0 : i32
    %swap3A_1058 = arith.index_cast %add3A_74 : i32 to index
    %swap3A_1059 = arith.index_cast %swap3A_1057 : i32 to index
    %swap3A_1060 = memref.load %arg6[%swap3A_1058, %swap3A_1059] : memref<9x16xf32, #tpu.memory_space<smem>>
    memref.store %add3A_1056, %arg6[%swap3A_1058, %swap3A_1059] : memref<9x16xf32, #tpu.memory_space<smem>>
    %get3A_1061 = arith.constant 0 : i32
    %get3A_1062 = arith.index_cast %add3A_87 : i32 to index
    %get3A_1063 = arith.index_cast %get3A_1061 : i32 to index
    %get3A_1064 = memref.load %arg6[%get3A_1062, %get3A_1063] : memref<9x16xf32, #tpu.memory_space<smem>>
    %get3A_1065 = arith.constant 0 : i32
    %get3A_1066 = arith.constant 6 : i32
    %get3A_1067 = arith.index_cast %get3A_1065 : i32 to index
    %get3A_1068 = arith.index_cast %get3A_1066 : i32 to index
    %get3A_1069 = memref.load %arg4[%get3A_1067, %get3A_1068] : memref<15x9xf32, #tpu.memory_space<smem>>
    %add3A_1070 = arith.addf %get3A_1064, %get3A_1069 : f32
    %swap3A_1071 = arith.constant 0 : i32
    %swap3A_1072 = arith.index_cast %add3A_87 : i32 to index
    %swap3A_1073 = arith.index_cast %swap3A_1071 : i32 to index
    %swap3A_1074 = memref.load %arg6[%swap3A_1072, %swap3A_1073] : memref<9x16xf32, #tpu.memory_space<smem>>
    memref.store %add3A_1070, %arg6[%swap3A_1072, %swap3A_1073] : memref<9x16xf32, #tpu.memory_space<smem>>
    %get3A_1075 = arith.constant 0 : i32
    %get3A_1076 = arith.index_cast %add3A_100 : i32 to index
    %get3A_1077 = arith.index_cast %get3A_1075 : i32 to index
    %get3A_1078 = memref.load %arg6[%get3A_1076, %get3A_1077] : memref<9x16xf32, #tpu.memory_space<smem>>
    %get3A_1079 = arith.constant 0 : i32
    %get3A_1080 = arith.constant 7 : i32
    %get3A_1081 = arith.index_cast %get3A_1079 : i32 to index
    %get3A_1082 = arith.index_cast %get3A_1080 : i32 to index
    %get3A_1083 = memref.load %arg4[%get3A_1081, %get3A_1082] : memref<15x9xf32, #tpu.memory_space<smem>>
    %add3A_1084 = arith.addf %get3A_1078, %get3A_1083 : f32
    %swap3A_1085 = arith.constant 0 : i32
    %swap3A_1086 = arith.index_cast %add3A_100 : i32 to index
    %swap3A_1087 = arith.index_cast %swap3A_1085 : i32 to index
    %swap3A_1088 = memref.load %arg6[%swap3A_1086, %swap3A_1087] : memref<9x16xf32, #tpu.memory_space<smem>>
    memref.store %add3A_1084, %arg6[%swap3A_1086, %swap3A_1087] : memref<9x16xf32, #tpu.memory_space<smem>>
    %get3A_1089 = arith.constant 0 : i32
    %get3A_1090 = arith.index_cast %add3A_113 : i32 to index
    %get3A_1091 = arith.index_cast %get3A_1089 : i32 to index
    %get3A_1092 = memref.load %arg6[%get3A_1090, %get3A_1091] : memref<9x16xf32, #tpu.memory_space<smem>>
    %get3A_1093 = arith.constant 0 : i32
    %get3A_1094 = arith.constant 8 : i32
    %get3A_1095 = arith.index_cast %get3A_1093 : i32 to index
    %get3A_1096 = arith.index_cast %get3A_1094 : i32 to index
    %get3A_1097 = memref.load %arg4[%get3A_1095, %get3A_1096] : memref<15x9xf32, #tpu.memory_space<smem>>
    %add3A_1098 = arith.addf %get3A_1092, %get3A_1097 : f32
    %swap3A_1099 = arith.constant 0 : i32
    %swap3A_1100 = arith.index_cast %add3A_113 : i32 to index
    %swap3A_1101 = arith.index_cast %swap3A_1099 : i32 to index
    %swap3A_1102 = memref.load %arg6[%swap3A_1100, %swap3A_1101] : memref<9x16xf32, #tpu.memory_space<smem>>
    memref.store %add3A_1098, %arg6[%swap3A_1100, %swap3A_1101] : memref<9x16xf32, #tpu.memory_space<smem>>
    %get3A_1103 = arith.constant 1 : i32
    %get3A_1104 = arith.index_cast %add3A : i32 to index
    %get3A_1105 = arith.index_cast %get3A_1103 : i32 to index
    %get3A_1106 = memref.load %arg6[%get3A_1104, %get3A_1105] : memref<9x16xf32, #tpu.memory_space<smem>>
    %get3A_1107 = arith.constant 1 : i32
    %get3A_1108 = arith.constant 0 : i32
    %get3A_1109 = arith.index_cast %get3A_1107 : i32 to index
    %get3A_1110 = arith.index_cast %get3A_1108 : i32 to index
    %get3A_1111 = memref.load %arg4[%get3A_1109, %get3A_1110] : memref<15x9xf32, #tpu.memory_space<smem>>
    %add3A_1112 = arith.addf %get3A_1106, %get3A_1111 : f32
    %swap3A_1113 = arith.constant 1 : i32
    %swap3A_1114 = arith.index_cast %add3A : i32 to index
    %swap3A_1115 = arith.index_cast %swap3A_1113 : i32 to index
    %swap3A_1116 = memref.load %arg6[%swap3A_1114, %swap3A_1115] : memref<9x16xf32, #tpu.memory_space<smem>>
    memref.store %add3A_1112, %arg6[%swap3A_1114, %swap3A_1115] : memref<9x16xf32, #tpu.memory_space<smem>>
    %get3A_1117 = arith.constant 1 : i32
    %get3A_1118 = arith.index_cast %add3A_22 : i32 to index
    %get3A_1119 = arith.index_cast %get3A_1117 : i32 to index
    %get3A_1120 = memref.load %arg6[%get3A_1118, %get3A_1119] : memref<9x16xf32, #tpu.memory_space<smem>>
    %get3A_1121 = arith.constant 1 : i32
    %get3A_1122 = arith.constant 1 : i32
    %get3A_1123 = arith.index_cast %get3A_1121 : i32 to index
    %get3A_1124 = arith.index_cast %get3A_1122 : i32 to index
    %get3A_1125 = memref.load %arg4[%get3A_1123, %get3A_1124] : memref<15x9xf32, #tpu.memory_space<smem>>
    %add3A_1126 = arith.addf %get3A_1120, %get3A_1125 : f32
    %swap3A_1127 = arith.constant 1 : i32
    %swap3A_1128 = arith.index_cast %add3A_22 : i32 to index
    %swap3A_1129 = arith.index_cast %swap3A_1127 : i32 to index
    %swap3A_1130 = memref.load %arg6[%swap3A_1128, %swap3A_1129] : memref<9x16xf32, #tpu.memory_space<smem>>
    memref.store %add3A_1126, %arg6[%swap3A_1128, %swap3A_1129] : memref<9x16xf32, #tpu.memory_space<smem>>
    %get3A_1131 = arith.constant 1 : i32
    %get3A_1132 = arith.index_cast %add3A_35 : i32 to index
    %get3A_1133 = arith.index_cast %get3A_1131 : i32 to index
    %get3A_1134 = memref.load %arg6[%get3A_1132, %get3A_1133] : memref<9x16xf32, #tpu.memory_space<smem>>
    %get3A_1135 = arith.constant 1 : i32
    %get3A_1136 = arith.constant 2 : i32
    %get3A_1137 = arith.index_cast %get3A_1135 : i32 to index
    %get3A_1138 = arith.index_cast %get3A_1136 : i32 to index
    %get3A_1139 = memref.load %arg4[%get3A_1137, %get3A_1138] : memref<15x9xf32, #tpu.memory_space<smem>>
    %add3A_1140 = arith.addf %get3A_1134, %get3A_1139 : f32
    %swap3A_1141 = arith.constant 1 : i32
    %swap3A_1142 = arith.index_cast %add3A_35 : i32 to index
    %swap3A_1143 = arith.index_cast %swap3A_1141 : i32 to index
    %swap3A_1144 = memref.load %arg6[%swap3A_1142, %swap3A_1143] : memref<9x16xf32, #tpu.memory_space<smem>>
    memref.store %add3A_1140, %arg6[%swap3A_1142, %swap3A_1143] : memref<9x16xf32, #tpu.memory_space<smem>>
    %get3A_1145 = arith.constant 1 : i32
    %get3A_1146 = arith.index_cast %add3A_48 : i32 to index
    %get3A_1147 = arith.index_cast %get3A_1145 : i32 to index
    %get3A_1148 = memref.load %arg6[%get3A_1146, %get3A_1147] : memref<9x16xf32, #tpu.memory_space<smem>>
    %get3A_1149 = arith.constant 1 : i32
    %get3A_1150 = arith.constant 3 : i32
    %get3A_1151 = arith.index_cast %get3A_1149 : i32 to index
    %get3A_1152 = arith.index_cast %get3A_1150 : i32 to index
    %get3A_1153 = memref.load %arg4[%get3A_1151, %get3A_1152] : memref<15x9xf32, #tpu.memory_space<smem>>
    %add3A_1154 = arith.addf %get3A_1148, %get3A_1153 : f32
    %swap3A_1155 = arith.constant 1 : i32
    %swap3A_1156 = arith.index_cast %add3A_48 : i32 to index
    %swap3A_1157 = arith.index_cast %swap3A_1155 : i32 to index
    %swap3A_1158 = memref.load %arg6[%swap3A_1156, %swap3A_1157] : memref<9x16xf32, #tpu.memory_space<smem>>
    memref.store %add3A_1154, %arg6[%swap3A_1156, %swap3A_1157] : memref<9x16xf32, #tpu.memory_space<smem>>
    %get3A_1159 = arith.constant 1 : i32
    %get3A_1160 = arith.index_cast %add3A_61 : i32 to index
    %get3A_1161 = arith.index_cast %get3A_1159 : i32 to index
    %get3A_1162 = memref.load %arg6[%get3A_1160, %get3A_1161] : memref<9x16xf32, #tpu.memory_space<smem>>
    %get3A_1163 = arith.constant 1 : i32
    %get3A_1164 = arith.constant 4 : i32
    %get3A_1165 = arith.index_cast %get3A_1163 : i32 to index
    %get3A_1166 = arith.index_cast %get3A_1164 : i32 to index
    %get3A_1167 = memref.load %arg4[%get3A_1165, %get3A_1166] : memref<15x9xf32, #tpu.memory_space<smem>>
    %add3A_1168 = arith.addf %get3A_1162, %get3A_1167 : f32
    %swap3A_1169 = arith.constant 1 : i32
    %swap3A_1170 = arith.index_cast %add3A_61 : i32 to index
    %swap3A_1171 = arith.index_cast %swap3A_1169 : i32 to index
    %swap3A_1172 = memref.load %arg6[%swap3A_1170, %swap3A_1171] : memref<9x16xf32, #tpu.memory_space<smem>>
    memref.store %add3A_1168, %arg6[%swap3A_1170, %swap3A_1171] : memref<9x16xf32, #tpu.memory_space<smem>>
    %get3A_1173 = arith.constant 1 : i32
    %get3A_1174 = arith.index_cast %add3A_74 : i32 to index
    %get3A_1175 = arith.index_cast %get3A_1173 : i32 to index
    %get3A_1176 = memref.load %arg6[%get3A_1174, %get3A_1175] : memref<9x16xf32, #tpu.memory_space<smem>>
    %get3A_1177 = arith.constant 1 : i32
    %get3A_1178 = arith.constant 5 : i32
    %get3A_1179 = arith.index_cast %get3A_1177 : i32 to index
    %get3A_1180 = arith.index_cast %get3A_1178 : i32 to index
    %get3A_1181 = memref.load %arg4[%get3A_1179, %get3A_1180] : memref<15x9xf32, #tpu.memory_space<smem>>
    %add3A_1182 = arith.addf %get3A_1176, %get3A_1181 : f32
    %swap3A_1183 = arith.constant 1 : i32
    %swap3A_1184 = arith.index_cast %add3A_74 : i32 to index
    %swap3A_1185 = arith.index_cast %swap3A_1183 : i32 to index
    %swap3A_1186 = memref.load %arg6[%swap3A_1184, %swap3A_1185] : memref<9x16xf32, #tpu.memory_space<smem>>
    memref.store %add3A_1182, %arg6[%swap3A_1184, %swap3A_1185] : memref<9x16xf32, #tpu.memory_space<smem>>
    %get3A_1187 = arith.constant 1 : i32
    %get3A_1188 = arith.index_cast %add3A_87 : i32 to index
    %get3A_1189 = arith.index_cast %get3A_1187 : i32 to index
    %get3A_1190 = memref.load %arg6[%get3A_1188, %get3A_1189] : memref<9x16xf32, #tpu.memory_space<smem>>
    %get3A_1191 = arith.constant 1 : i32
    %get3A_1192 = arith.constant 6 : i32
    %get3A_1193 = arith.index_cast %get3A_1191 : i32 to index
    %get3A_1194 = arith.index_cast %get3A_1192 : i32 to index
    %get3A_1195 = memref.load %arg4[%get3A_1193, %get3A_1194] : memref<15x9xf32, #tpu.memory_space<smem>>
    %add3A_1196 = arith.addf %get3A_1190, %get3A_1195 : f32
    %swap3A_1197 = arith.constant 1 : i32
    %swap3A_1198 = arith.index_cast %add3A_87 : i32 to index
    %swap3A_1199 = arith.index_cast %swap3A_1197 : i32 to index
    %swap3A_1200 = memref.load %arg6[%swap3A_1198, %swap3A_1199] : memref<9x16xf32, #tpu.memory_space<smem>>
    memref.store %add3A_1196, %arg6[%swap3A_1198, %swap3A_1199] : memref<9x16xf32, #tpu.memory_space<smem>>
    %get3A_1201 = arith.constant 1 : i32
    %get3A_1202 = arith.index_cast %add3A_100 : i32 to index
    %get3A_1203 = arith.index_cast %get3A_1201 : i32 to index
    %get3A_1204 = memref.load %arg6[%get3A_1202, %get3A_1203] : memref<9x16xf32, #tpu.memory_space<smem>>
    %get3A_1205 = arith.constant 1 : i32
    %get3A_1206 = arith.constant 7 : i32
    %get3A_1207 = arith.index_cast %get3A_1205 : i32 to index
    %get3A_1208 = arith.index_cast %get3A_1206 : i32 to index
    %get3A_1209 = memref.load %arg4[%get3A_1207, %get3A_1208] : memref<15x9xf32, #tpu.memory_space<smem>>
    %add3A_1210 = arith.addf %get3A_1204, %get3A_1209 : f32
    %swap3A_1211 = arith.constant 1 : i32
    %swap3A_1212 = arith.index_cast %add3A_100 : i32 to index
    %swap3A_1213 = arith.index_cast %swap3A_1211 : i32 to index
    %swap3A_1214 = memref.load %arg6[%swap3A_1212, %swap3A_1213] : memref<9x16xf32, #tpu.memory_space<smem>>
    memref.store %add3A_1210, %arg6[%swap3A_1212, %swap3A_1213] : memref<9x16xf32, #tpu.memory_space<smem>>
    %get3A_1215 = arith.constant 1 : i32
    %get3A_1216 = arith.index_cast %add3A_113 : i32 to index
    %get3A_1217 = arith.index_cast %get3A_1215 : i32 to index
    %get3A_1218 = memref.load %arg6[%get3A_1216, %get3A_1217] : memref<9x16xf32, #tpu.memory_space<smem>>
    %get3A_1219 = arith.constant 1 : i32
    %get3A_1220 = arith.constant 8 : i32
    %get3A_1221 = arith.index_cast %get3A_1219 : i32 to index
    %get3A_1222 = arith.index_cast %get3A_1220 : i32 to index
    %get3A_1223 = memref.load %arg4[%get3A_1221, %get3A_1222] : memref<15x9xf32, #tpu.memory_space<smem>>
    %add3A_1224 = arith.addf %get3A_1218, %get3A_1223 : f32
    %swap3A_1225 = arith.constant 1 : i32
    %swap3A_1226 = arith.index_cast %add3A_113 : i32 to index
    %swap3A_1227 = arith.index_cast %swap3A_1225 : i32 to index
    %swap3A_1228 = memref.load %arg6[%swap3A_1226, %swap3A_1227] : memref<9x16xf32, #tpu.memory_space<smem>>
    memref.store %add3A_1224, %arg6[%swap3A_1226, %swap3A_1227] : memref<9x16xf32, #tpu.memory_space<smem>>
    %get3A_1229 = arith.constant 2 : i32
    %get3A_1230 = arith.index_cast %add3A : i32 to index
    %get3A_1231 = arith.index_cast %get3A_1229 : i32 to index
    %get3A_1232 = memref.load %arg6[%get3A_1230, %get3A_1231] : memref<9x16xf32, #tpu.memory_space<smem>>
    %get3A_1233 = arith.constant 2 : i32
    %get3A_1234 = arith.constant 0 : i32
    %get3A_1235 = arith.index_cast %get3A_1233 : i32 to index
    %get3A_1236 = arith.index_cast %get3A_1234 : i32 to index
    %get3A_1237 = memref.load %arg4[%get3A_1235, %get3A_1236] : memref<15x9xf32, #tpu.memory_space<smem>>
    %add3A_1238 = arith.addf %get3A_1232, %get3A_1237 : f32
    %swap3A_1239 = arith.constant 2 : i32
    %swap3A_1240 = arith.index_cast %add3A : i32 to index
    %swap3A_1241 = arith.index_cast %swap3A_1239 : i32 to index
    %swap3A_1242 = memref.load %arg6[%swap3A_1240, %swap3A_1241] : memref<9x16xf32, #tpu.memory_space<smem>>
    memref.store %add3A_1238, %arg6[%swap3A_1240, %swap3A_1241] : memref<9x16xf32, #tpu.memory_space<smem>>
    %get3A_1243 = arith.constant 2 : i32
    %get3A_1244 = arith.index_cast %add3A_22 : i32 to index
    %get3A_1245 = arith.index_cast %get3A_1243 : i32 to index
    %get3A_1246 = memref.load %arg6[%get3A_1244, %get3A_1245] : memref<9x16xf32, #tpu.memory_space<smem>>
    %get3A_1247 = arith.constant 2 : i32
    %get3A_1248 = arith.constant 1 : i32
    %get3A_1249 = arith.index_cast %get3A_1247 : i32 to index
    %get3A_1250 = arith.index_cast %get3A_1248 : i32 to index
    %get3A_1251 = memref.load %arg4[%get3A_1249, %get3A_1250] : memref<15x9xf32, #tpu.memory_space<smem>>
    %add3A_1252 = arith.addf %get3A_1246, %get3A_1251 : f32
    %swap3A_1253 = arith.constant 2 : i32
    %swap3A_1254 = arith.index_cast %add3A_22 : i32 to index
    %swap3A_1255 = arith.index_cast %swap3A_1253 : i32 to index
    %swap3A_1256 = memref.load %arg6[%swap3A_1254, %swap3A_1255] : memref<9x16xf32, #tpu.memory_space<smem>>
    memref.store %add3A_1252, %arg6[%swap3A_1254, %swap3A_1255] : memref<9x16xf32, #tpu.memory_space<smem>>
    %get3A_1257 = arith.constant 2 : i32
    %get3A_1258 = arith.index_cast %add3A_35 : i32 to index
    %get3A_1259 = arith.index_cast %get3A_1257 : i32 to index
    %get3A_1260 = memref.load %arg6[%get3A_1258, %get3A_1259] : memref<9x16xf32, #tpu.memory_space<smem>>
    %get3A_1261 = arith.constant 2 : i32
    %get3A_1262 = arith.constant 2 : i32
    %get3A_1263 = arith.index_cast %get3A_1261 : i32 to index
    %get3A_1264 = arith.index_cast %get3A_1262 : i32 to index
    %get3A_1265 = memref.load %arg4[%get3A_1263, %get3A_1264] : memref<15x9xf32, #tpu.memory_space<smem>>
    %add3A_1266 = arith.addf %get3A_1260, %get3A_1265 : f32
    %swap3A_1267 = arith.constant 2 : i32
    %swap3A_1268 = arith.index_cast %add3A_35 : i32 to index
    %swap3A_1269 = arith.index_cast %swap3A_1267 : i32 to index
    %swap3A_1270 = memref.load %arg6[%swap3A_1268, %swap3A_1269] : memref<9x16xf32, #tpu.memory_space<smem>>
    memref.store %add3A_1266, %arg6[%swap3A_1268, %swap3A_1269] : memref<9x16xf32, #tpu.memory_space<smem>>
    %get3A_1271 = arith.constant 2 : i32
    %get3A_1272 = arith.index_cast %add3A_48 : i32 to index
    %get3A_1273 = arith.index_cast %get3A_1271 : i32 to index
    %get3A_1274 = memref.load %arg6[%get3A_1272, %get3A_1273] : memref<9x16xf32, #tpu.memory_space<smem>>
    %get3A_1275 = arith.constant 2 : i32
    %get3A_1276 = arith.constant 3 : i32
    %get3A_1277 = arith.index_cast %get3A_1275 : i32 to index
    %get3A_1278 = arith.index_cast %get3A_1276 : i32 to index
    %get3A_1279 = memref.load %arg4[%get3A_1277, %get3A_1278] : memref<15x9xf32, #tpu.memory_space<smem>>
    %add3A_1280 = arith.addf %get3A_1274, %get3A_1279 : f32
    %swap3A_1281 = arith.constant 2 : i32
    %swap3A_1282 = arith.index_cast %add3A_48 : i32 to index
    %swap3A_1283 = arith.index_cast %swap3A_1281 : i32 to index
    %swap3A_1284 = memref.load %arg6[%swap3A_1282, %swap3A_1283] : memref<9x16xf32, #tpu.memory_space<smem>>
    memref.store %add3A_1280, %arg6[%swap3A_1282, %swap3A_1283] : memref<9x16xf32, #tpu.memory_space<smem>>
    %get3A_1285 = arith.constant 2 : i32
    %get3A_1286 = arith.index_cast %add3A_61 : i32 to index
    %get3A_1287 = arith.index_cast %get3A_1285 : i32 to index
    %get3A_1288 = memref.load %arg6[%get3A_1286, %get3A_1287] : memref<9x16xf32, #tpu.memory_space<smem>>
    %get3A_1289 = arith.constant 2 : i32
    %get3A_1290 = arith.constant 4 : i32
    %get3A_1291 = arith.index_cast %get3A_1289 : i32 to index
    %get3A_1292 = arith.index_cast %get3A_1290 : i32 to index
    %get3A_1293 = memref.load %arg4[%get3A_1291, %get3A_1292] : memref<15x9xf32, #tpu.memory_space<smem>>
    %add3A_1294 = arith.addf %get3A_1288, %get3A_1293 : f32
    %swap3A_1295 = arith.constant 2 : i32
    %swap3A_1296 = arith.index_cast %add3A_61 : i32 to index
    %swap3A_1297 = arith.index_cast %swap3A_1295 : i32 to index
    %swap3A_1298 = memref.load %arg6[%swap3A_1296, %swap3A_1297] : memref<9x16xf32, #tpu.memory_space<smem>>
    memref.store %add3A_1294, %arg6[%swap3A_1296, %swap3A_1297] : memref<9x16xf32, #tpu.memory_space<smem>>
    %get3A_1299 = arith.constant 2 : i32
    %get3A_1300 = arith.index_cast %add3A_74 : i32 to index
    %get3A_1301 = arith.index_cast %get3A_1299 : i32 to index
    %get3A_1302 = memref.load %arg6[%get3A_1300, %get3A_1301] : memref<9x16xf32, #tpu.memory_space<smem>>
    %get3A_1303 = arith.constant 2 : i32
    %get3A_1304 = arith.constant 5 : i32
    %get3A_1305 = arith.index_cast %get3A_1303 : i32 to index
    %get3A_1306 = arith.index_cast %get3A_1304 : i32 to index
    %get3A_1307 = memref.load %arg4[%get3A_1305, %get3A_1306] : memref<15x9xf32, #tpu.memory_space<smem>>
    %add3A_1308 = arith.addf %get3A_1302, %get3A_1307 : f32
    %swap3A_1309 = arith.constant 2 : i32
    %swap3A_1310 = arith.index_cast %add3A_74 : i32 to index
    %swap3A_1311 = arith.index_cast %swap3A_1309 : i32 to index
    %swap3A_1312 = memref.load %arg6[%swap3A_1310, %swap3A_1311] : memref<9x16xf32, #tpu.memory_space<smem>>
    memref.store %add3A_1308, %arg6[%swap3A_1310, %swap3A_1311] : memref<9x16xf32, #tpu.memory_space<smem>>
    %get3A_1313 = arith.constant 2 : i32
    %get3A_1314 = arith.index_cast %add3A_87 : i32 to index
    %get3A_1315 = arith.index_cast %get3A_1313 : i32 to index
    %get3A_1316 = memref.load %arg6[%get3A_1314, %get3A_1315] : memref<9x16xf32, #tpu.memory_space<smem>>
    %get3A_1317 = arith.constant 2 : i32
    %get3A_1318 = arith.constant 6 : i32
    %get3A_1319 = arith.index_cast %get3A_1317 : i32 to index
    %get3A_1320 = arith.index_cast %get3A_1318 : i32 to index
    %get3A_1321 = memref.load %arg4[%get3A_1319, %get3A_1320] : memref<15x9xf32, #tpu.memory_space<smem>>
    %add3A_1322 = arith.addf %get3A_1316, %get3A_1321 : f32
    %swap3A_1323 = arith.constant 2 : i32
    %swap3A_1324 = arith.index_cast %add3A_87 : i32 to index
    %swap3A_1325 = arith.index_cast %swap3A_1323 : i32 to index
    %swap3A_1326 = memref.load %arg6[%swap3A_1324, %swap3A_1325] : memref<9x16xf32, #tpu.memory_space<smem>>
    memref.store %add3A_1322, %arg6[%swap3A_1324, %swap3A_1325] : memref<9x16xf32, #tpu.memory_space<smem>>
    %get3A_1327 = arith.constant 2 : i32
    %get3A_1328 = arith.index_cast %add3A_100 : i32 to index
    %get3A_1329 = arith.index_cast %get3A_1327 : i32 to index
    %get3A_1330 = memref.load %arg6[%get3A_1328, %get3A_1329] : memref<9x16xf32, #tpu.memory_space<smem>>
    %get3A_1331 = arith.constant 2 : i32
    %get3A_1332 = arith.constant 7 : i32
    %get3A_1333 = arith.index_cast %get3A_1331 : i32 to index
    %get3A_1334 = arith.index_cast %get3A_1332 : i32 to index
    %get3A_1335 = memref.load %arg4[%get3A_1333, %get3A_1334] : memref<15x9xf32, #tpu.memory_space<smem>>
    %add3A_1336 = arith.addf %get3A_1330, %get3A_1335 : f32
    %swap3A_1337 = arith.constant 2 : i32
    %swap3A_1338 = arith.index_cast %add3A_100 : i32 to index
    %swap3A_1339 = arith.index_cast %swap3A_1337 : i32 to index
    %swap3A_1340 = memref.load %arg6[%swap3A_1338, %swap3A_1339] : memref<9x16xf32, #tpu.memory_space<smem>>
    memref.store %add3A_1336, %arg6[%swap3A_1338, %swap3A_1339] : memref<9x16xf32, #tpu.memory_space<smem>>
    %get3A_1341 = arith.constant 2 : i32
    %get3A_1342 = arith.index_cast %add3A_113 : i32 to index
    %get3A_1343 = arith.index_cast %get3A_1341 : i32 to index
    %get3A_1344 = memref.load %arg6[%get3A_1342, %get3A_1343] : memref<9x16xf32, #tpu.memory_space<smem>>
    %get3A_1345 = arith.constant 2 : i32
    %get3A_1346 = arith.constant 8 : i32
    %get3A_1347 = arith.index_cast %get3A_1345 : i32 to index
    %get3A_1348 = arith.index_cast %get3A_1346 : i32 to index
    %get3A_1349 = memref.load %arg4[%get3A_1347, %get3A_1348] : memref<15x9xf32, #tpu.memory_space<smem>>
    %add3A_1350 = arith.addf %get3A_1344, %get3A_1349 : f32
    %swap3A_1351 = arith.constant 2 : i32
    %swap3A_1352 = arith.index_cast %add3A_113 : i32 to index
    %swap3A_1353 = arith.index_cast %swap3A_1351 : i32 to index
    %swap3A_1354 = memref.load %arg6[%swap3A_1352, %swap3A_1353] : memref<9x16xf32, #tpu.memory_space<smem>>
    memref.store %add3A_1350, %arg6[%swap3A_1352, %swap3A_1353] : memref<9x16xf32, #tpu.memory_space<smem>>
    %get3A_1355 = arith.constant 3 : i32
    %get3A_1356 = arith.index_cast %add3A : i32 to index
    %get3A_1357 = arith.index_cast %get3A_1355 : i32 to index
    %get3A_1358 = memref.load %arg6[%get3A_1356, %get3A_1357] : memref<9x16xf32, #tpu.memory_space<smem>>
    %get3A_1359 = arith.constant 3 : i32
    %get3A_1360 = arith.constant 0 : i32
    %get3A_1361 = arith.index_cast %get3A_1359 : i32 to index
    %get3A_1362 = arith.index_cast %get3A_1360 : i32 to index
    %get3A_1363 = memref.load %arg4[%get3A_1361, %get3A_1362] : memref<15x9xf32, #tpu.memory_space<smem>>
    %add3A_1364 = arith.addf %get3A_1358, %get3A_1363 : f32
    %swap3A_1365 = arith.constant 3 : i32
    %swap3A_1366 = arith.index_cast %add3A : i32 to index
    %swap3A_1367 = arith.index_cast %swap3A_1365 : i32 to index
    %swap3A_1368 = memref.load %arg6[%swap3A_1366, %swap3A_1367] : memref<9x16xf32, #tpu.memory_space<smem>>
    memref.store %add3A_1364, %arg6[%swap3A_1366, %swap3A_1367] : memref<9x16xf32, #tpu.memory_space<smem>>
    %get3A_1369 = arith.constant 3 : i32
    %get3A_1370 = arith.index_cast %add3A_22 : i32 to index
    %get3A_1371 = arith.index_cast %get3A_1369 : i32 to index
    %get3A_1372 = memref.load %arg6[%get3A_1370, %get3A_1371] : memref<9x16xf32, #tpu.memory_space<smem>>
    %get3A_1373 = arith.constant 3 : i32
    %get3A_1374 = arith.constant 1 : i32
    %get3A_1375 = arith.index_cast %get3A_1373 : i32 to index
    %get3A_1376 = arith.index_cast %get3A_1374 : i32 to index
    %get3A_1377 = memref.load %arg4[%get3A_1375, %get3A_1376] : memref<15x9xf32, #tpu.memory_space<smem>>
    %add3A_1378 = arith.addf %get3A_1372, %get3A_1377 : f32
    %swap3A_1379 = arith.constant 3 : i32
    %swap3A_1380 = arith.index_cast %add3A_22 : i32 to index
    %swap3A_1381 = arith.index_cast %swap3A_1379 : i32 to index
    %swap3A_1382 = memref.load %arg6[%swap3A_1380, %swap3A_1381] : memref<9x16xf32, #tpu.memory_space<smem>>
    memref.store %add3A_1378, %arg6[%swap3A_1380, %swap3A_1381] : memref<9x16xf32, #tpu.memory_space<smem>>
    %get3A_1383 = arith.constant 3 : i32
    %get3A_1384 = arith.index_cast %add3A_35 : i32 to index
    %get3A_1385 = arith.index_cast %get3A_1383 : i32 to index
    %get3A_1386 = memref.load %arg6[%get3A_1384, %get3A_1385] : memref<9x16xf32, #tpu.memory_space<smem>>
    %get3A_1387 = arith.constant 3 : i32
    %get3A_1388 = arith.constant 2 : i32
    %get3A_1389 = arith.index_cast %get3A_1387 : i32 to index
    %get3A_1390 = arith.index_cast %get3A_1388 : i32 to index
    %get3A_1391 = memref.load %arg4[%get3A_1389, %get3A_1390] : memref<15x9xf32, #tpu.memory_space<smem>>
    %add3A_1392 = arith.addf %get3A_1386, %get3A_1391 : f32
    %swap3A_1393 = arith.constant 3 : i32
    %swap3A_1394 = arith.index_cast %add3A_35 : i32 to index
    %swap3A_1395 = arith.index_cast %swap3A_1393 : i32 to index
    %swap3A_1396 = memref.load %arg6[%swap3A_1394, %swap3A_1395] : memref<9x16xf32, #tpu.memory_space<smem>>
    memref.store %add3A_1392, %arg6[%swap3A_1394, %swap3A_1395] : memref<9x16xf32, #tpu.memory_space<smem>>
    %get3A_1397 = arith.constant 3 : i32
    %get3A_1398 = arith.index_cast %add3A_48 : i32 to index
    %get3A_1399 = arith.index_cast %get3A_1397 : i32 to index
    %get3A_1400 = memref.load %arg6[%get3A_1398, %get3A_1399] : memref<9x16xf32, #tpu.memory_space<smem>>
    %get3A_1401 = arith.constant 3 : i32
    %get3A_1402 = arith.constant 3 : i32
    %get3A_1403 = arith.index_cast %get3A_1401 : i32 to index
    %get3A_1404 = arith.index_cast %get3A_1402 : i32 to index
    %get3A_1405 = memref.load %arg4[%get3A_1403, %get3A_1404] : memref<15x9xf32, #tpu.memory_space<smem>>
    %add3A_1406 = arith.addf %get3A_1400, %get3A_1405 : f32
    %swap3A_1407 = arith.constant 3 : i32
    %swap3A_1408 = arith.index_cast %add3A_48 : i32 to index
    %swap3A_1409 = arith.index_cast %swap3A_1407 : i32 to index
    %swap3A_1410 = memref.load %arg6[%swap3A_1408, %swap3A_1409] : memref<9x16xf32, #tpu.memory_space<smem>>
    memref.store %add3A_1406, %arg6[%swap3A_1408, %swap3A_1409] : memref<9x16xf32, #tpu.memory_space<smem>>
    %get3A_1411 = arith.constant 3 : i32
    %get3A_1412 = arith.index_cast %add3A_61 : i32 to index
    %get3A_1413 = arith.index_cast %get3A_1411 : i32 to index
    %get3A_1414 = memref.load %arg6[%get3A_1412, %get3A_1413] : memref<9x16xf32, #tpu.memory_space<smem>>
    %get3A_1415 = arith.constant 3 : i32
    %get3A_1416 = arith.constant 4 : i32
    %get3A_1417 = arith.index_cast %get3A_1415 : i32 to index
    %get3A_1418 = arith.index_cast %get3A_1416 : i32 to index
    %get3A_1419 = memref.load %arg4[%get3A_1417, %get3A_1418] : memref<15x9xf32, #tpu.memory_space<smem>>
    %add3A_1420 = arith.addf %get3A_1414, %get3A_1419 : f32
    %swap3A_1421 = arith.constant 3 : i32
    %swap3A_1422 = arith.index_cast %add3A_61 : i32 to index
    %swap3A_1423 = arith.index_cast %swap3A_1421 : i32 to index
    %swap3A_1424 = memref.load %arg6[%swap3A_1422, %swap3A_1423] : memref<9x16xf32, #tpu.memory_space<smem>>
    memref.store %add3A_1420, %arg6[%swap3A_1422, %swap3A_1423] : memref<9x16xf32, #tpu.memory_space<smem>>
    %get3A_1425 = arith.constant 3 : i32
    %get3A_1426 = arith.index_cast %add3A_74 : i32 to index
    %get3A_1427 = arith.index_cast %get3A_1425 : i32 to index
    %get3A_1428 = memref.load %arg6[%get3A_1426, %get3A_1427] : memref<9x16xf32, #tpu.memory_space<smem>>
    %get3A_1429 = arith.constant 3 : i32
    %get3A_1430 = arith.constant 5 : i32
    %get3A_1431 = arith.index_cast %get3A_1429 : i32 to index
    %get3A_1432 = arith.index_cast %get3A_1430 : i32 to index
    %get3A_1433 = memref.load %arg4[%get3A_1431, %get3A_1432] : memref<15x9xf32, #tpu.memory_space<smem>>
    %add3A_1434 = arith.addf %get3A_1428, %get3A_1433 : f32
    %swap3A_1435 = arith.constant 3 : i32
    %swap3A_1436 = arith.index_cast %add3A_74 : i32 to index
    %swap3A_1437 = arith.index_cast %swap3A_1435 : i32 to index
    %swap3A_1438 = memref.load %arg6[%swap3A_1436, %swap3A_1437] : memref<9x16xf32, #tpu.memory_space<smem>>
    memref.store %add3A_1434, %arg6[%swap3A_1436, %swap3A_1437] : memref<9x16xf32, #tpu.memory_space<smem>>
    %get3A_1439 = arith.constant 3 : i32
    %get3A_1440 = arith.index_cast %add3A_87 : i32 to index
    %get3A_1441 = arith.index_cast %get3A_1439 : i32 to index
    %get3A_1442 = memref.load %arg6[%get3A_1440, %get3A_1441] : memref<9x16xf32, #tpu.memory_space<smem>>
    %get3A_1443 = arith.constant 3 : i32
    %get3A_1444 = arith.constant 6 : i32
    %get3A_1445 = arith.index_cast %get3A_1443 : i32 to index
    %get3A_1446 = arith.index_cast %get3A_1444 : i32 to index
    %get3A_1447 = memref.load %arg4[%get3A_1445, %get3A_1446] : memref<15x9xf32, #tpu.memory_space<smem>>
    %add3A_1448 = arith.addf %get3A_1442, %get3A_1447 : f32
    %swap3A_1449 = arith.constant 3 : i32
    %swap3A_1450 = arith.index_cast %add3A_87 : i32 to index
    %swap3A_1451 = arith.index_cast %swap3A_1449 : i32 to index
    %swap3A_1452 = memref.load %arg6[%swap3A_1450, %swap3A_1451] : memref<9x16xf32, #tpu.memory_space<smem>>
    memref.store %add3A_1448, %arg6[%swap3A_1450, %swap3A_1451] : memref<9x16xf32, #tpu.memory_space<smem>>
    %get3A_1453 = arith.constant 3 : i32
    %get3A_1454 = arith.index_cast %add3A_100 : i32 to index
    %get3A_1455 = arith.index_cast %get3A_1453 : i32 to index
    %get3A_1456 = memref.load %arg6[%get3A_1454, %get3A_1455] : memref<9x16xf32, #tpu.memory_space<smem>>
    %get3A_1457 = arith.constant 3 : i32
    %get3A_1458 = arith.constant 7 : i32
    %get3A_1459 = arith.index_cast %get3A_1457 : i32 to index
    %get3A_1460 = arith.index_cast %get3A_1458 : i32 to index
    %get3A_1461 = memref.load %arg4[%get3A_1459, %get3A_1460] : memref<15x9xf32, #tpu.memory_space<smem>>
    %add3A_1462 = arith.addf %get3A_1456, %get3A_1461 : f32
    %swap3A_1463 = arith.constant 3 : i32
    %swap3A_1464 = arith.index_cast %add3A_100 : i32 to index
    %swap3A_1465 = arith.index_cast %swap3A_1463 : i32 to index
    %swap3A_1466 = memref.load %arg6[%swap3A_1464, %swap3A_1465] : memref<9x16xf32, #tpu.memory_space<smem>>
    memref.store %add3A_1462, %arg6[%swap3A_1464, %swap3A_1465] : memref<9x16xf32, #tpu.memory_space<smem>>
    %get3A_1467 = arith.constant 3 : i32
    %get3A_1468 = arith.index_cast %add3A_113 : i32 to index
    %get3A_1469 = arith.index_cast %get3A_1467 : i32 to index
    %get3A_1470 = memref.load %arg6[%get3A_1468, %get3A_1469] : memref<9x16xf32, #tpu.memory_space<smem>>
    %get3A_1471 = arith.constant 3 : i32
    %get3A_1472 = arith.constant 8 : i32
    %get3A_1473 = arith.index_cast %get3A_1471 : i32 to index
    %get3A_1474 = arith.index_cast %get3A_1472 : i32 to index
    %get3A_1475 = memref.load %arg4[%get3A_1473, %get3A_1474] : memref<15x9xf32, #tpu.memory_space<smem>>
    %add3A_1476 = arith.addf %get3A_1470, %get3A_1475 : f32
    %swap3A_1477 = arith.constant 3 : i32
    %swap3A_1478 = arith.index_cast %add3A_113 : i32 to index
    %swap3A_1479 = arith.index_cast %swap3A_1477 : i32 to index
    %swap3A_1480 = memref.load %arg6[%swap3A_1478, %swap3A_1479] : memref<9x16xf32, #tpu.memory_space<smem>>
    memref.store %add3A_1476, %arg6[%swap3A_1478, %swap3A_1479] : memref<9x16xf32, #tpu.memory_space<smem>>
    %get3A_1481 = arith.constant 4 : i32
    %get3A_1482 = arith.index_cast %add3A : i32 to index
    %get3A_1483 = arith.index_cast %get3A_1481 : i32 to index
    %get3A_1484 = memref.load %arg6[%get3A_1482, %get3A_1483] : memref<9x16xf32, #tpu.memory_space<smem>>
    %get3A_1485 = arith.constant 4 : i32
    %get3A_1486 = arith.constant 0 : i32
    %get3A_1487 = arith.index_cast %get3A_1485 : i32 to index
    %get3A_1488 = arith.index_cast %get3A_1486 : i32 to index
    %get3A_1489 = memref.load %arg4[%get3A_1487, %get3A_1488] : memref<15x9xf32, #tpu.memory_space<smem>>
    %add3A_1490 = arith.addf %get3A_1484, %get3A_1489 : f32
    %swap3A_1491 = arith.constant 4 : i32
    %swap3A_1492 = arith.index_cast %add3A : i32 to index
    %swap3A_1493 = arith.index_cast %swap3A_1491 : i32 to index
    %swap3A_1494 = memref.load %arg6[%swap3A_1492, %swap3A_1493] : memref<9x16xf32, #tpu.memory_space<smem>>
    memref.store %add3A_1490, %arg6[%swap3A_1492, %swap3A_1493] : memref<9x16xf32, #tpu.memory_space<smem>>
    %get3A_1495 = arith.constant 4 : i32
    %get3A_1496 = arith.index_cast %add3A_22 : i32 to index
    %get3A_1497 = arith.index_cast %get3A_1495 : i32 to index
    %get3A_1498 = memref.load %arg6[%get3A_1496, %get3A_1497] : memref<9x16xf32, #tpu.memory_space<smem>>
    %get3A_1499 = arith.constant 4 : i32
    %get3A_1500 = arith.constant 1 : i32
    %get3A_1501 = arith.index_cast %get3A_1499 : i32 to index
    %get3A_1502 = arith.index_cast %get3A_1500 : i32 to index
    %get3A_1503 = memref.load %arg4[%get3A_1501, %get3A_1502] : memref<15x9xf32, #tpu.memory_space<smem>>
    %add3A_1504 = arith.addf %get3A_1498, %get3A_1503 : f32
    %swap3A_1505 = arith.constant 4 : i32
    %swap3A_1506 = arith.index_cast %add3A_22 : i32 to index
    %swap3A_1507 = arith.index_cast %swap3A_1505 : i32 to index
    %swap3A_1508 = memref.load %arg6[%swap3A_1506, %swap3A_1507] : memref<9x16xf32, #tpu.memory_space<smem>>
    memref.store %add3A_1504, %arg6[%swap3A_1506, %swap3A_1507] : memref<9x16xf32, #tpu.memory_space<smem>>
    %get3A_1509 = arith.constant 4 : i32
    %get3A_1510 = arith.index_cast %add3A_35 : i32 to index
    %get3A_1511 = arith.index_cast %get3A_1509 : i32 to index
    %get3A_1512 = memref.load %arg6[%get3A_1510, %get3A_1511] : memref<9x16xf32, #tpu.memory_space<smem>>
    %get3A_1513 = arith.constant 4 : i32
    %get3A_1514 = arith.constant 2 : i32
    %get3A_1515 = arith.index_cast %get3A_1513 : i32 to index
    %get3A_1516 = arith.index_cast %get3A_1514 : i32 to index
    %get3A_1517 = memref.load %arg4[%get3A_1515, %get3A_1516] : memref<15x9xf32, #tpu.memory_space<smem>>
    %add3A_1518 = arith.addf %get3A_1512, %get3A_1517 : f32
    %swap3A_1519 = arith.constant 4 : i32
    %swap3A_1520 = arith.index_cast %add3A_35 : i32 to index
    %swap3A_1521 = arith.index_cast %swap3A_1519 : i32 to index
    %swap3A_1522 = memref.load %arg6[%swap3A_1520, %swap3A_1521] : memref<9x16xf32, #tpu.memory_space<smem>>
    memref.store %add3A_1518, %arg6[%swap3A_1520, %swap3A_1521] : memref<9x16xf32, #tpu.memory_space<smem>>
    %get3A_1523 = arith.constant 4 : i32
    %get3A_1524 = arith.index_cast %add3A_48 : i32 to index
    %get3A_1525 = arith.index_cast %get3A_1523 : i32 to index
    %get3A_1526 = memref.load %arg6[%get3A_1524, %get3A_1525] : memref<9x16xf32, #tpu.memory_space<smem>>
    %get3A_1527 = arith.constant 4 : i32
    %get3A_1528 = arith.constant 3 : i32
    %get3A_1529 = arith.index_cast %get3A_1527 : i32 to index
    %get3A_1530 = arith.index_cast %get3A_1528 : i32 to index
    %get3A_1531 = memref.load %arg4[%get3A_1529, %get3A_1530] : memref<15x9xf32, #tpu.memory_space<smem>>
    %add3A_1532 = arith.addf %get3A_1526, %get3A_1531 : f32
    %swap3A_1533 = arith.constant 4 : i32
    %swap3A_1534 = arith.index_cast %add3A_48 : i32 to index
    %swap3A_1535 = arith.index_cast %swap3A_1533 : i32 to index
    %swap3A_1536 = memref.load %arg6[%swap3A_1534, %swap3A_1535] : memref<9x16xf32, #tpu.memory_space<smem>>
    memref.store %add3A_1532, %arg6[%swap3A_1534, %swap3A_1535] : memref<9x16xf32, #tpu.memory_space<smem>>
    %get3A_1537 = arith.constant 4 : i32
    %get3A_1538 = arith.index_cast %add3A_61 : i32 to index
    %get3A_1539 = arith.index_cast %get3A_1537 : i32 to index
    %get3A_1540 = memref.load %arg6[%get3A_1538, %get3A_1539] : memref<9x16xf32, #tpu.memory_space<smem>>
    %get3A_1541 = arith.constant 4 : i32
    %get3A_1542 = arith.constant 4 : i32
    %get3A_1543 = arith.index_cast %get3A_1541 : i32 to index
    %get3A_1544 = arith.index_cast %get3A_1542 : i32 to index
    %get3A_1545 = memref.load %arg4[%get3A_1543, %get3A_1544] : memref<15x9xf32, #tpu.memory_space<smem>>
    %add3A_1546 = arith.addf %get3A_1540, %get3A_1545 : f32
    %swap3A_1547 = arith.constant 4 : i32
    %swap3A_1548 = arith.index_cast %add3A_61 : i32 to index
    %swap3A_1549 = arith.index_cast %swap3A_1547 : i32 to index
    %swap3A_1550 = memref.load %arg6[%swap3A_1548, %swap3A_1549] : memref<9x16xf32, #tpu.memory_space<smem>>
    memref.store %add3A_1546, %arg6[%swap3A_1548, %swap3A_1549] : memref<9x16xf32, #tpu.memory_space<smem>>
    %get3A_1551 = arith.constant 4 : i32
    %get3A_1552 = arith.index_cast %add3A_74 : i32 to index
    %get3A_1553 = arith.index_cast %get3A_1551 : i32 to index
    %get3A_1554 = memref.load %arg6[%get3A_1552, %get3A_1553] : memref<9x16xf32, #tpu.memory_space<smem>>
    %get3A_1555 = arith.constant 4 : i32
    %get3A_1556 = arith.constant 5 : i32
    %get3A_1557 = arith.index_cast %get3A_1555 : i32 to index
    %get3A_1558 = arith.index_cast %get3A_1556 : i32 to index
    %get3A_1559 = memref.load %arg4[%get3A_1557, %get3A_1558] : memref<15x9xf32, #tpu.memory_space<smem>>
    %add3A_1560 = arith.addf %get3A_1554, %get3A_1559 : f32
    %swap3A_1561 = arith.constant 4 : i32
    %swap3A_1562 = arith.index_cast %add3A_74 : i32 to index
    %swap3A_1563 = arith.index_cast %swap3A_1561 : i32 to index
    %swap3A_1564 = memref.load %arg6[%swap3A_1562, %swap3A_1563] : memref<9x16xf32, #tpu.memory_space<smem>>
    memref.store %add3A_1560, %arg6[%swap3A_1562, %swap3A_1563] : memref<9x16xf32, #tpu.memory_space<smem>>
    %get3A_1565 = arith.constant 4 : i32
    %get3A_1566 = arith.index_cast %add3A_87 : i32 to index
    %get3A_1567 = arith.index_cast %get3A_1565 : i32 to index
    %get3A_1568 = memref.load %arg6[%get3A_1566, %get3A_1567] : memref<9x16xf32, #tpu.memory_space<smem>>
    %get3A_1569 = arith.constant 4 : i32
    %get3A_1570 = arith.constant 6 : i32
    %get3A_1571 = arith.index_cast %get3A_1569 : i32 to index
    %get3A_1572 = arith.index_cast %get3A_1570 : i32 to index
    %get3A_1573 = memref.load %arg4[%get3A_1571, %get3A_1572] : memref<15x9xf32, #tpu.memory_space<smem>>
    %add3A_1574 = arith.addf %get3A_1568, %get3A_1573 : f32
    %swap3A_1575 = arith.constant 4 : i32
    %swap3A_1576 = arith.index_cast %add3A_87 : i32 to index
    %swap3A_1577 = arith.index_cast %swap3A_1575 : i32 to index
    %swap3A_1578 = memref.load %arg6[%swap3A_1576, %swap3A_1577] : memref<9x16xf32, #tpu.memory_space<smem>>
    memref.store %add3A_1574, %arg6[%swap3A_1576, %swap3A_1577] : memref<9x16xf32, #tpu.memory_space<smem>>
    %get3A_1579 = arith.constant 4 : i32
    %get3A_1580 = arith.index_cast %add3A_100 : i32 to index
    %get3A_1581 = arith.index_cast %get3A_1579 : i32 to index
    %get3A_1582 = memref.load %arg6[%get3A_1580, %get3A_1581] : memref<9x16xf32, #tpu.memory_space<smem>>
    %get3A_1583 = arith.constant 4 : i32
    %get3A_1584 = arith.constant 7 : i32
    %get3A_1585 = arith.index_cast %get3A_1583 : i32 to index
    %get3A_1586 = arith.index_cast %get3A_1584 : i32 to index
    %get3A_1587 = memref.load %arg4[%get3A_1585, %get3A_1586] : memref<15x9xf32, #tpu.memory_space<smem>>
    %add3A_1588 = arith.addf %get3A_1582, %get3A_1587 : f32
    %swap3A_1589 = arith.constant 4 : i32
    %swap3A_1590 = arith.index_cast %add3A_100 : i32 to index
    %swap3A_1591 = arith.index_cast %swap3A_1589 : i32 to index
    %swap3A_1592 = memref.load %arg6[%swap3A_1590, %swap3A_1591] : memref<9x16xf32, #tpu.memory_space<smem>>
    memref.store %add3A_1588, %arg6[%swap3A_1590, %swap3A_1591] : memref<9x16xf32, #tpu.memory_space<smem>>
    %get3A_1593 = arith.constant 4 : i32
    %get3A_1594 = arith.index_cast %add3A_113 : i32 to index
    %get3A_1595 = arith.index_cast %get3A_1593 : i32 to index
    %get3A_1596 = memref.load %arg6[%get3A_1594, %get3A_1595] : memref<9x16xf32, #tpu.memory_space<smem>>
    %get3A_1597 = arith.constant 4 : i32
    %get3A_1598 = arith.constant 8 : i32
    %get3A_1599 = arith.index_cast %get3A_1597 : i32 to index
    %get3A_1600 = arith.index_cast %get3A_1598 : i32 to index
    %get3A_1601 = memref.load %arg4[%get3A_1599, %get3A_1600] : memref<15x9xf32, #tpu.memory_space<smem>>
    %add3A_1602 = arith.addf %get3A_1596, %get3A_1601 : f32
    %swap3A_1603 = arith.constant 4 : i32
    %swap3A_1604 = arith.index_cast %add3A_113 : i32 to index
    %swap3A_1605 = arith.index_cast %swap3A_1603 : i32 to index
    %swap3A_1606 = memref.load %arg6[%swap3A_1604, %swap3A_1605] : memref<9x16xf32, #tpu.memory_space<smem>>
    memref.store %add3A_1602, %arg6[%swap3A_1604, %swap3A_1605] : memref<9x16xf32, #tpu.memory_space<smem>>
    %get3A_1607 = arith.constant 5 : i32
    %get3A_1608 = arith.index_cast %add3A : i32 to index
    %get3A_1609 = arith.index_cast %get3A_1607 : i32 to index
    %get3A_1610 = memref.load %arg6[%get3A_1608, %get3A_1609] : memref<9x16xf32, #tpu.memory_space<smem>>
    %get3A_1611 = arith.constant 5 : i32
    %get3A_1612 = arith.constant 0 : i32
    %get3A_1613 = arith.index_cast %get3A_1611 : i32 to index
    %get3A_1614 = arith.index_cast %get3A_1612 : i32 to index
    %get3A_1615 = memref.load %arg4[%get3A_1613, %get3A_1614] : memref<15x9xf32, #tpu.memory_space<smem>>
    %add3A_1616 = arith.addf %get3A_1610, %get3A_1615 : f32
    %swap3A_1617 = arith.constant 5 : i32
    %swap3A_1618 = arith.index_cast %add3A : i32 to index
    %swap3A_1619 = arith.index_cast %swap3A_1617 : i32 to index
    %swap3A_1620 = memref.load %arg6[%swap3A_1618, %swap3A_1619] : memref<9x16xf32, #tpu.memory_space<smem>>
    memref.store %add3A_1616, %arg6[%swap3A_1618, %swap3A_1619] : memref<9x16xf32, #tpu.memory_space<smem>>
    %get3A_1621 = arith.constant 5 : i32
    %get3A_1622 = arith.index_cast %add3A_22 : i32 to index
    %get3A_1623 = arith.index_cast %get3A_1621 : i32 to index
    %get3A_1624 = memref.load %arg6[%get3A_1622, %get3A_1623] : memref<9x16xf32, #tpu.memory_space<smem>>
    %get3A_1625 = arith.constant 5 : i32
    %get3A_1626 = arith.constant 1 : i32
    %get3A_1627 = arith.index_cast %get3A_1625 : i32 to index
    %get3A_1628 = arith.index_cast %get3A_1626 : i32 to index
    %get3A_1629 = memref.load %arg4[%get3A_1627, %get3A_1628] : memref<15x9xf32, #tpu.memory_space<smem>>
    %add3A_1630 = arith.addf %get3A_1624, %get3A_1629 : f32
    %swap3A_1631 = arith.constant 5 : i32
    %swap3A_1632 = arith.index_cast %add3A_22 : i32 to index
    %swap3A_1633 = arith.index_cast %swap3A_1631 : i32 to index
    %swap3A_1634 = memref.load %arg6[%swap3A_1632, %swap3A_1633] : memref<9x16xf32, #tpu.memory_space<smem>>
    memref.store %add3A_1630, %arg6[%swap3A_1632, %swap3A_1633] : memref<9x16xf32, #tpu.memory_space<smem>>
    %get3A_1635 = arith.constant 5 : i32
    %get3A_1636 = arith.index_cast %add3A_35 : i32 to index
    %get3A_1637 = arith.index_cast %get3A_1635 : i32 to index
    %get3A_1638 = memref.load %arg6[%get3A_1636, %get3A_1637] : memref<9x16xf32, #tpu.memory_space<smem>>
    %get3A_1639 = arith.constant 5 : i32
    %get3A_1640 = arith.constant 2 : i32
    %get3A_1641 = arith.index_cast %get3A_1639 : i32 to index
    %get3A_1642 = arith.index_cast %get3A_1640 : i32 to index
    %get3A_1643 = memref.load %arg4[%get3A_1641, %get3A_1642] : memref<15x9xf32, #tpu.memory_space<smem>>
    %add3A_1644 = arith.addf %get3A_1638, %get3A_1643 : f32
    %swap3A_1645 = arith.constant 5 : i32
    %swap3A_1646 = arith.index_cast %add3A_35 : i32 to index
    %swap3A_1647 = arith.index_cast %swap3A_1645 : i32 to index
    %swap3A_1648 = memref.load %arg6[%swap3A_1646, %swap3A_1647] : memref<9x16xf32, #tpu.memory_space<smem>>
    memref.store %add3A_1644, %arg6[%swap3A_1646, %swap3A_1647] : memref<9x16xf32, #tpu.memory_space<smem>>
    %get3A_1649 = arith.constant 5 : i32
    %get3A_1650 = arith.index_cast %add3A_48 : i32 to index
    %get3A_1651 = arith.index_cast %get3A_1649 : i32 to index
    %get3A_1652 = memref.load %arg6[%get3A_1650, %get3A_1651] : memref<9x16xf32, #tpu.memory_space<smem>>
    %get3A_1653 = arith.constant 5 : i32
    %get3A_1654 = arith.constant 3 : i32
    %get3A_1655 = arith.index_cast %get3A_1653 : i32 to index
    %get3A_1656 = arith.index_cast %get3A_1654 : i32 to index
    %get3A_1657 = memref.load %arg4[%get3A_1655, %get3A_1656] : memref<15x9xf32, #tpu.memory_space<smem>>
    %add3A_1658 = arith.addf %get3A_1652, %get3A_1657 : f32
    %swap3A_1659 = arith.constant 5 : i32
    %swap3A_1660 = arith.index_cast %add3A_48 : i32 to index
    %swap3A_1661 = arith.index_cast %swap3A_1659 : i32 to index
    %swap3A_1662 = memref.load %arg6[%swap3A_1660, %swap3A_1661] : memref<9x16xf32, #tpu.memory_space<smem>>
    memref.store %add3A_1658, %arg6[%swap3A_1660, %swap3A_1661] : memref<9x16xf32, #tpu.memory_space<smem>>
    %get3A_1663 = arith.constant 5 : i32
    %get3A_1664 = arith.index_cast %add3A_61 : i32 to index
    %get3A_1665 = arith.index_cast %get3A_1663 : i32 to index
    %get3A_1666 = memref.load %arg6[%get3A_1664, %get3A_1665] : memref<9x16xf32, #tpu.memory_space<smem>>
    %get3A_1667 = arith.constant 5 : i32
    %get3A_1668 = arith.constant 4 : i32
    %get3A_1669 = arith.index_cast %get3A_1667 : i32 to index
    %get3A_1670 = arith.index_cast %get3A_1668 : i32 to index
    %get3A_1671 = memref.load %arg4[%get3A_1669, %get3A_1670] : memref<15x9xf32, #tpu.memory_space<smem>>
    %add3A_1672 = arith.addf %get3A_1666, %get3A_1671 : f32
    %swap3A_1673 = arith.constant 5 : i32
    %swap3A_1674 = arith.index_cast %add3A_61 : i32 to index
    %swap3A_1675 = arith.index_cast %swap3A_1673 : i32 to index
    %swap3A_1676 = memref.load %arg6[%swap3A_1674, %swap3A_1675] : memref<9x16xf32, #tpu.memory_space<smem>>
    memref.store %add3A_1672, %arg6[%swap3A_1674, %swap3A_1675] : memref<9x16xf32, #tpu.memory_space<smem>>
    %get3A_1677 = arith.constant 5 : i32
    %get3A_1678 = arith.index_cast %add3A_74 : i32 to index
    %get3A_1679 = arith.index_cast %get3A_1677 : i32 to index
    %get3A_1680 = memref.load %arg6[%get3A_1678, %get3A_1679] : memref<9x16xf32, #tpu.memory_space<smem>>
    %get3A_1681 = arith.constant 5 : i32
    %get3A_1682 = arith.constant 5 : i32
    %get3A_1683 = arith.index_cast %get3A_1681 : i32 to index
    %get3A_1684 = arith.index_cast %get3A_1682 : i32 to index
    %get3A_1685 = memref.load %arg4[%get3A_1683, %get3A_1684] : memref<15x9xf32, #tpu.memory_space<smem>>
    %add3A_1686 = arith.addf %get3A_1680, %get3A_1685 : f32
    %swap3A_1687 = arith.constant 5 : i32
    %swap3A_1688 = arith.index_cast %add3A_74 : i32 to index
    %swap3A_1689 = arith.index_cast %swap3A_1687 : i32 to index
    %swap3A_1690 = memref.load %arg6[%swap3A_1688, %swap3A_1689] : memref<9x16xf32, #tpu.memory_space<smem>>
    memref.store %add3A_1686, %arg6[%swap3A_1688, %swap3A_1689] : memref<9x16xf32, #tpu.memory_space<smem>>
    %get3A_1691 = arith.constant 5 : i32
    %get3A_1692 = arith.index_cast %add3A_87 : i32 to index
    %get3A_1693 = arith.index_cast %get3A_1691 : i32 to index
    %get3A_1694 = memref.load %arg6[%get3A_1692, %get3A_1693] : memref<9x16xf32, #tpu.memory_space<smem>>
    %get3A_1695 = arith.constant 5 : i32
    %get3A_1696 = arith.constant 6 : i32
    %get3A_1697 = arith.index_cast %get3A_1695 : i32 to index
    %get3A_1698 = arith.index_cast %get3A_1696 : i32 to index
    %get3A_1699 = memref.load %arg4[%get3A_1697, %get3A_1698] : memref<15x9xf32, #tpu.memory_space<smem>>
    %add3A_1700 = arith.addf %get3A_1694, %get3A_1699 : f32
    %swap3A_1701 = arith.constant 5 : i32
    %swap3A_1702 = arith.index_cast %add3A_87 : i32 to index
    %swap3A_1703 = arith.index_cast %swap3A_1701 : i32 to index
    %swap3A_1704 = memref.load %arg6[%swap3A_1702, %swap3A_1703] : memref<9x16xf32, #tpu.memory_space<smem>>
    memref.store %add3A_1700, %arg6[%swap3A_1702, %swap3A_1703] : memref<9x16xf32, #tpu.memory_space<smem>>
    %get3A_1705 = arith.constant 5 : i32
    %get3A_1706 = arith.index_cast %add3A_100 : i32 to index
    %get3A_1707 = arith.index_cast %get3A_1705 : i32 to index
    %get3A_1708 = memref.load %arg6[%get3A_1706, %get3A_1707] : memref<9x16xf32, #tpu.memory_space<smem>>
    %get3A_1709 = arith.constant 5 : i32
    %get3A_1710 = arith.constant 7 : i32
    %get3A_1711 = arith.index_cast %get3A_1709 : i32 to index
    %get3A_1712 = arith.index_cast %get3A_1710 : i32 to index
    %get3A_1713 = memref.load %arg4[%get3A_1711, %get3A_1712] : memref<15x9xf32, #tpu.memory_space<smem>>
    %add3A_1714 = arith.addf %get3A_1708, %get3A_1713 : f32
    %swap3A_1715 = arith.constant 5 : i32
    %swap3A_1716 = arith.index_cast %add3A_100 : i32 to index
    %swap3A_1717 = arith.index_cast %swap3A_1715 : i32 to index
    %swap3A_1718 = memref.load %arg6[%swap3A_1716, %swap3A_1717] : memref<9x16xf32, #tpu.memory_space<smem>>
    memref.store %add3A_1714, %arg6[%swap3A_1716, %swap3A_1717] : memref<9x16xf32, #tpu.memory_space<smem>>
    %get3A_1719 = arith.constant 5 : i32
    %get3A_1720 = arith.index_cast %add3A_113 : i32 to index
    %get3A_1721 = arith.index_cast %get3A_1719 : i32 to index
    %get3A_1722 = memref.load %arg6[%get3A_1720, %get3A_1721] : memref<9x16xf32, #tpu.memory_space<smem>>
    %get3A_1723 = arith.constant 5 : i32
    %get3A_1724 = arith.constant 8 : i32
    %get3A_1725 = arith.index_cast %get3A_1723 : i32 to index
    %get3A_1726 = arith.index_cast %get3A_1724 : i32 to index
    %get3A_1727 = memref.load %arg4[%get3A_1725, %get3A_1726] : memref<15x9xf32, #tpu.memory_space<smem>>
    %add3A_1728 = arith.addf %get3A_1722, %get3A_1727 : f32
    %swap3A_1729 = arith.constant 5 : i32
    %swap3A_1730 = arith.index_cast %add3A_113 : i32 to index
    %swap3A_1731 = arith.index_cast %swap3A_1729 : i32 to index
    %swap3A_1732 = memref.load %arg6[%swap3A_1730, %swap3A_1731] : memref<9x16xf32, #tpu.memory_space<smem>>
    memref.store %add3A_1728, %arg6[%swap3A_1730, %swap3A_1731] : memref<9x16xf32, #tpu.memory_space<smem>>
    %get3A_1733 = arith.constant 6 : i32
    %get3A_1734 = arith.index_cast %add3A : i32 to index
    %get3A_1735 = arith.index_cast %get3A_1733 : i32 to index
    %get3A_1736 = memref.load %arg6[%get3A_1734, %get3A_1735] : memref<9x16xf32, #tpu.memory_space<smem>>
    %get3A_1737 = arith.constant 6 : i32
    %get3A_1738 = arith.constant 0 : i32
    %get3A_1739 = arith.index_cast %get3A_1737 : i32 to index
    %get3A_1740 = arith.index_cast %get3A_1738 : i32 to index
    %get3A_1741 = memref.load %arg4[%get3A_1739, %get3A_1740] : memref<15x9xf32, #tpu.memory_space<smem>>
    %add3A_1742 = arith.addf %get3A_1736, %get3A_1741 : f32
    %swap3A_1743 = arith.constant 6 : i32
    %swap3A_1744 = arith.index_cast %add3A : i32 to index
    %swap3A_1745 = arith.index_cast %swap3A_1743 : i32 to index
    %swap3A_1746 = memref.load %arg6[%swap3A_1744, %swap3A_1745] : memref<9x16xf32, #tpu.memory_space<smem>>
    memref.store %add3A_1742, %arg6[%swap3A_1744, %swap3A_1745] : memref<9x16xf32, #tpu.memory_space<smem>>
    %get3A_1747 = arith.constant 6 : i32
    %get3A_1748 = arith.index_cast %add3A_22 : i32 to index
    %get3A_1749 = arith.index_cast %get3A_1747 : i32 to index
    %get3A_1750 = memref.load %arg6[%get3A_1748, %get3A_1749] : memref<9x16xf32, #tpu.memory_space<smem>>
    %get3A_1751 = arith.constant 6 : i32
    %get3A_1752 = arith.constant 1 : i32
    %get3A_1753 = arith.index_cast %get3A_1751 : i32 to index
    %get3A_1754 = arith.index_cast %get3A_1752 : i32 to index
    %get3A_1755 = memref.load %arg4[%get3A_1753, %get3A_1754] : memref<15x9xf32, #tpu.memory_space<smem>>
    %add3A_1756 = arith.addf %get3A_1750, %get3A_1755 : f32
    %swap3A_1757 = arith.constant 6 : i32
    %swap3A_1758 = arith.index_cast %add3A_22 : i32 to index
    %swap3A_1759 = arith.index_cast %swap3A_1757 : i32 to index
    %swap3A_1760 = memref.load %arg6[%swap3A_1758, %swap3A_1759] : memref<9x16xf32, #tpu.memory_space<smem>>
    memref.store %add3A_1756, %arg6[%swap3A_1758, %swap3A_1759] : memref<9x16xf32, #tpu.memory_space<smem>>
    %get3A_1761 = arith.constant 6 : i32
    %get3A_1762 = arith.index_cast %add3A_35 : i32 to index
    %get3A_1763 = arith.index_cast %get3A_1761 : i32 to index
    %get3A_1764 = memref.load %arg6[%get3A_1762, %get3A_1763] : memref<9x16xf32, #tpu.memory_space<smem>>
    %get3A_1765 = arith.constant 6 : i32
    %get3A_1766 = arith.constant 2 : i32
    %get3A_1767 = arith.index_cast %get3A_1765 : i32 to index
    %get3A_1768 = arith.index_cast %get3A_1766 : i32 to index
    %get3A_1769 = memref.load %arg4[%get3A_1767, %get3A_1768] : memref<15x9xf32, #tpu.memory_space<smem>>
    %add3A_1770 = arith.addf %get3A_1764, %get3A_1769 : f32
    %swap3A_1771 = arith.constant 6 : i32
    %swap3A_1772 = arith.index_cast %add3A_35 : i32 to index
    %swap3A_1773 = arith.index_cast %swap3A_1771 : i32 to index
    %swap3A_1774 = memref.load %arg6[%swap3A_1772, %swap3A_1773] : memref<9x16xf32, #tpu.memory_space<smem>>
    memref.store %add3A_1770, %arg6[%swap3A_1772, %swap3A_1773] : memref<9x16xf32, #tpu.memory_space<smem>>
    %get3A_1775 = arith.constant 6 : i32
    %get3A_1776 = arith.index_cast %add3A_48 : i32 to index
    %get3A_1777 = arith.index_cast %get3A_1775 : i32 to index
    %get3A_1778 = memref.load %arg6[%get3A_1776, %get3A_1777] : memref<9x16xf32, #tpu.memory_space<smem>>
    %get3A_1779 = arith.constant 6 : i32
    %get3A_1780 = arith.constant 3 : i32
    %get3A_1781 = arith.index_cast %get3A_1779 : i32 to index
    %get3A_1782 = arith.index_cast %get3A_1780 : i32 to index
    %get3A_1783 = memref.load %arg4[%get3A_1781, %get3A_1782] : memref<15x9xf32, #tpu.memory_space<smem>>
    %add3A_1784 = arith.addf %get3A_1778, %get3A_1783 : f32
    %swap3A_1785 = arith.constant 6 : i32
    %swap3A_1786 = arith.index_cast %add3A_48 : i32 to index
    %swap3A_1787 = arith.index_cast %swap3A_1785 : i32 to index
    %swap3A_1788 = memref.load %arg6[%swap3A_1786, %swap3A_1787] : memref<9x16xf32, #tpu.memory_space<smem>>
    memref.store %add3A_1784, %arg6[%swap3A_1786, %swap3A_1787] : memref<9x16xf32, #tpu.memory_space<smem>>
    %get3A_1789 = arith.constant 6 : i32
    %get3A_1790 = arith.index_cast %add3A_61 : i32 to index
    %get3A_1791 = arith.index_cast %get3A_1789 : i32 to index
    %get3A_1792 = memref.load %arg6[%get3A_1790, %get3A_1791] : memref<9x16xf32, #tpu.memory_space<smem>>
    %get3A_1793 = arith.constant 6 : i32
    %get3A_1794 = arith.constant 4 : i32
    %get3A_1795 = arith.index_cast %get3A_1793 : i32 to index
    %get3A_1796 = arith.index_cast %get3A_1794 : i32 to index
    %get3A_1797 = memref.load %arg4[%get3A_1795, %get3A_1796] : memref<15x9xf32, #tpu.memory_space<smem>>
    %add3A_1798 = arith.addf %get3A_1792, %get3A_1797 : f32
    %swap3A_1799 = arith.constant 6 : i32
    %swap3A_1800 = arith.index_cast %add3A_61 : i32 to index
    %swap3A_1801 = arith.index_cast %swap3A_1799 : i32 to index
    %swap3A_1802 = memref.load %arg6[%swap3A_1800, %swap3A_1801] : memref<9x16xf32, #tpu.memory_space<smem>>
    memref.store %add3A_1798, %arg6[%swap3A_1800, %swap3A_1801] : memref<9x16xf32, #tpu.memory_space<smem>>
    %get3A_1803 = arith.constant 6 : i32
    %get3A_1804 = arith.index_cast %add3A_74 : i32 to index
    %get3A_1805 = arith.index_cast %get3A_1803 : i32 to index
    %get3A_1806 = memref.load %arg6[%get3A_1804, %get3A_1805] : memref<9x16xf32, #tpu.memory_space<smem>>
    %get3A_1807 = arith.constant 6 : i32
    %get3A_1808 = arith.constant 5 : i32
    %get3A_1809 = arith.index_cast %get3A_1807 : i32 to index
    %get3A_1810 = arith.index_cast %get3A_1808 : i32 to index
    %get3A_1811 = memref.load %arg4[%get3A_1809, %get3A_1810] : memref<15x9xf32, #tpu.memory_space<smem>>
    %add3A_1812 = arith.addf %get3A_1806, %get3A_1811 : f32
    %swap3A_1813 = arith.constant 6 : i32
    %swap3A_1814 = arith.index_cast %add3A_74 : i32 to index
    %swap3A_1815 = arith.index_cast %swap3A_1813 : i32 to index
    %swap3A_1816 = memref.load %arg6[%swap3A_1814, %swap3A_1815] : memref<9x16xf32, #tpu.memory_space<smem>>
    memref.store %add3A_1812, %arg6[%swap3A_1814, %swap3A_1815] : memref<9x16xf32, #tpu.memory_space<smem>>
    %get3A_1817 = arith.constant 6 : i32
    %get3A_1818 = arith.index_cast %add3A_87 : i32 to index
    %get3A_1819 = arith.index_cast %get3A_1817 : i32 to index
    %get3A_1820 = memref.load %arg6[%get3A_1818, %get3A_1819] : memref<9x16xf32, #tpu.memory_space<smem>>
    %get3A_1821 = arith.constant 6 : i32
    %get3A_1822 = arith.constant 6 : i32
    %get3A_1823 = arith.index_cast %get3A_1821 : i32 to index
    %get3A_1824 = arith.index_cast %get3A_1822 : i32 to index
    %get3A_1825 = memref.load %arg4[%get3A_1823, %get3A_1824] : memref<15x9xf32, #tpu.memory_space<smem>>
    %add3A_1826 = arith.addf %get3A_1820, %get3A_1825 : f32
    %swap3A_1827 = arith.constant 6 : i32
    %swap3A_1828 = arith.index_cast %add3A_87 : i32 to index
    %swap3A_1829 = arith.index_cast %swap3A_1827 : i32 to index
    %swap3A_1830 = memref.load %arg6[%swap3A_1828, %swap3A_1829] : memref<9x16xf32, #tpu.memory_space<smem>>
    memref.store %add3A_1826, %arg6[%swap3A_1828, %swap3A_1829] : memref<9x16xf32, #tpu.memory_space<smem>>
    %get3A_1831 = arith.constant 6 : i32
    %get3A_1832 = arith.index_cast %add3A_100 : i32 to index
    %get3A_1833 = arith.index_cast %get3A_1831 : i32 to index
    %get3A_1834 = memref.load %arg6[%get3A_1832, %get3A_1833] : memref<9x16xf32, #tpu.memory_space<smem>>
    %get3A_1835 = arith.constant 6 : i32
    %get3A_1836 = arith.constant 7 : i32
    %get3A_1837 = arith.index_cast %get3A_1835 : i32 to index
    %get3A_1838 = arith.index_cast %get3A_1836 : i32 to index
    %get3A_1839 = memref.load %arg4[%get3A_1837, %get3A_1838] : memref<15x9xf32, #tpu.memory_space<smem>>
    %add3A_1840 = arith.addf %get3A_1834, %get3A_1839 : f32
    %swap3A_1841 = arith.constant 6 : i32
    %swap3A_1842 = arith.index_cast %add3A_100 : i32 to index
    %swap3A_1843 = arith.index_cast %swap3A_1841 : i32 to index
    %swap3A_1844 = memref.load %arg6[%swap3A_1842, %swap3A_1843] : memref<9x16xf32, #tpu.memory_space<smem>>
    memref.store %add3A_1840, %arg6[%swap3A_1842, %swap3A_1843] : memref<9x16xf32, #tpu.memory_space<smem>>
    %get3A_1845 = arith.constant 6 : i32
    %get3A_1846 = arith.index_cast %add3A_113 : i32 to index
    %get3A_1847 = arith.index_cast %get3A_1845 : i32 to index
    %get3A_1848 = memref.load %arg6[%get3A_1846, %get3A_1847] : memref<9x16xf32, #tpu.memory_space<smem>>
    %get3A_1849 = arith.constant 6 : i32
    %get3A_1850 = arith.constant 8 : i32
    %get3A_1851 = arith.index_cast %get3A_1849 : i32 to index
    %get3A_1852 = arith.index_cast %get3A_1850 : i32 to index
    %get3A_1853 = memref.load %arg4[%get3A_1851, %get3A_1852] : memref<15x9xf32, #tpu.memory_space<smem>>
    %add3A_1854 = arith.addf %get3A_1848, %get3A_1853 : f32
    %swap3A_1855 = arith.constant 6 : i32
    %swap3A_1856 = arith.index_cast %add3A_113 : i32 to index
    %swap3A_1857 = arith.index_cast %swap3A_1855 : i32 to index
    %swap3A_1858 = memref.load %arg6[%swap3A_1856, %swap3A_1857] : memref<9x16xf32, #tpu.memory_space<smem>>
    memref.store %add3A_1854, %arg6[%swap3A_1856, %swap3A_1857] : memref<9x16xf32, #tpu.memory_space<smem>>
    %get3A_1859 = arith.constant 7 : i32
    %get3A_1860 = arith.index_cast %add3A : i32 to index
    %get3A_1861 = arith.index_cast %get3A_1859 : i32 to index
    %get3A_1862 = memref.load %arg6[%get3A_1860, %get3A_1861] : memref<9x16xf32, #tpu.memory_space<smem>>
    %get3A_1863 = arith.constant 7 : i32
    %get3A_1864 = arith.constant 0 : i32
    %get3A_1865 = arith.index_cast %get3A_1863 : i32 to index
    %get3A_1866 = arith.index_cast %get3A_1864 : i32 to index
    %get3A_1867 = memref.load %arg4[%get3A_1865, %get3A_1866] : memref<15x9xf32, #tpu.memory_space<smem>>
    %add3A_1868 = arith.addf %get3A_1862, %get3A_1867 : f32
    %swap3A_1869 = arith.constant 7 : i32
    %swap3A_1870 = arith.index_cast %add3A : i32 to index
    %swap3A_1871 = arith.index_cast %swap3A_1869 : i32 to index
    %swap3A_1872 = memref.load %arg6[%swap3A_1870, %swap3A_1871] : memref<9x16xf32, #tpu.memory_space<smem>>
    memref.store %add3A_1868, %arg6[%swap3A_1870, %swap3A_1871] : memref<9x16xf32, #tpu.memory_space<smem>>
    %get3A_1873 = arith.constant 7 : i32
    %get3A_1874 = arith.index_cast %add3A_22 : i32 to index
    %get3A_1875 = arith.index_cast %get3A_1873 : i32 to index
    %get3A_1876 = memref.load %arg6[%get3A_1874, %get3A_1875] : memref<9x16xf32, #tpu.memory_space<smem>>
    %get3A_1877 = arith.constant 7 : i32
    %get3A_1878 = arith.constant 1 : i32
    %get3A_1879 = arith.index_cast %get3A_1877 : i32 to index
    %get3A_1880 = arith.index_cast %get3A_1878 : i32 to index
    %get3A_1881 = memref.load %arg4[%get3A_1879, %get3A_1880] : memref<15x9xf32, #tpu.memory_space<smem>>
    %add3A_1882 = arith.addf %get3A_1876, %get3A_1881 : f32
    %swap3A_1883 = arith.constant 7 : i32
    %swap3A_1884 = arith.index_cast %add3A_22 : i32 to index
    %swap3A_1885 = arith.index_cast %swap3A_1883 : i32 to index
    %swap3A_1886 = memref.load %arg6[%swap3A_1884, %swap3A_1885] : memref<9x16xf32, #tpu.memory_space<smem>>
    memref.store %add3A_1882, %arg6[%swap3A_1884, %swap3A_1885] : memref<9x16xf32, #tpu.memory_space<smem>>
    %get3A_1887 = arith.constant 7 : i32
    %get3A_1888 = arith.index_cast %add3A_35 : i32 to index
    %get3A_1889 = arith.index_cast %get3A_1887 : i32 to index
    %get3A_1890 = memref.load %arg6[%get3A_1888, %get3A_1889] : memref<9x16xf32, #tpu.memory_space<smem>>
    %get3A_1891 = arith.constant 7 : i32
    %get3A_1892 = arith.constant 2 : i32
    %get3A_1893 = arith.index_cast %get3A_1891 : i32 to index
    %get3A_1894 = arith.index_cast %get3A_1892 : i32 to index
    %get3A_1895 = memref.load %arg4[%get3A_1893, %get3A_1894] : memref<15x9xf32, #tpu.memory_space<smem>>
    %add3A_1896 = arith.addf %get3A_1890, %get3A_1895 : f32
    %swap3A_1897 = arith.constant 7 : i32
    %swap3A_1898 = arith.index_cast %add3A_35 : i32 to index
    %swap3A_1899 = arith.index_cast %swap3A_1897 : i32 to index
    %swap3A_1900 = memref.load %arg6[%swap3A_1898, %swap3A_1899] : memref<9x16xf32, #tpu.memory_space<smem>>
    memref.store %add3A_1896, %arg6[%swap3A_1898, %swap3A_1899] : memref<9x16xf32, #tpu.memory_space<smem>>
    %get3A_1901 = arith.constant 7 : i32
    %get3A_1902 = arith.index_cast %add3A_48 : i32 to index
    %get3A_1903 = arith.index_cast %get3A_1901 : i32 to index
    %get3A_1904 = memref.load %arg6[%get3A_1902, %get3A_1903] : memref<9x16xf32, #tpu.memory_space<smem>>
    %get3A_1905 = arith.constant 7 : i32
    %get3A_1906 = arith.constant 3 : i32
    %get3A_1907 = arith.index_cast %get3A_1905 : i32 to index
    %get3A_1908 = arith.index_cast %get3A_1906 : i32 to index
    %get3A_1909 = memref.load %arg4[%get3A_1907, %get3A_1908] : memref<15x9xf32, #tpu.memory_space<smem>>
    %add3A_1910 = arith.addf %get3A_1904, %get3A_1909 : f32
    %swap3A_1911 = arith.constant 7 : i32
    %swap3A_1912 = arith.index_cast %add3A_48 : i32 to index
    %swap3A_1913 = arith.index_cast %swap3A_1911 : i32 to index
    %swap3A_1914 = memref.load %arg6[%swap3A_1912, %swap3A_1913] : memref<9x16xf32, #tpu.memory_space<smem>>
    memref.store %add3A_1910, %arg6[%swap3A_1912, %swap3A_1913] : memref<9x16xf32, #tpu.memory_space<smem>>
    %get3A_1915 = arith.constant 7 : i32
    %get3A_1916 = arith.index_cast %add3A_61 : i32 to index
    %get3A_1917 = arith.index_cast %get3A_1915 : i32 to index
    %get3A_1918 = memref.load %arg6[%get3A_1916, %get3A_1917] : memref<9x16xf32, #tpu.memory_space<smem>>
    %get3A_1919 = arith.constant 7 : i32
    %get3A_1920 = arith.constant 4 : i32
    %get3A_1921 = arith.index_cast %get3A_1919 : i32 to index
    %get3A_1922 = arith.index_cast %get3A_1920 : i32 to index
    %get3A_1923 = memref.load %arg4[%get3A_1921, %get3A_1922] : memref<15x9xf32, #tpu.memory_space<smem>>
    %add3A_1924 = arith.addf %get3A_1918, %get3A_1923 : f32
    %swap3A_1925 = arith.constant 7 : i32
    %swap3A_1926 = arith.index_cast %add3A_61 : i32 to index
    %swap3A_1927 = arith.index_cast %swap3A_1925 : i32 to index
    %swap3A_1928 = memref.load %arg6[%swap3A_1926, %swap3A_1927] : memref<9x16xf32, #tpu.memory_space<smem>>
    memref.store %add3A_1924, %arg6[%swap3A_1926, %swap3A_1927] : memref<9x16xf32, #tpu.memory_space<smem>>
    %get3A_1929 = arith.constant 7 : i32
    %get3A_1930 = arith.index_cast %add3A_74 : i32 to index
    %get3A_1931 = arith.index_cast %get3A_1929 : i32 to index
    %get3A_1932 = memref.load %arg6[%get3A_1930, %get3A_1931] : memref<9x16xf32, #tpu.memory_space<smem>>
    %get3A_1933 = arith.constant 7 : i32
    %get3A_1934 = arith.constant 5 : i32
    %get3A_1935 = arith.index_cast %get3A_1933 : i32 to index
    %get3A_1936 = arith.index_cast %get3A_1934 : i32 to index
    %get3A_1937 = memref.load %arg4[%get3A_1935, %get3A_1936] : memref<15x9xf32, #tpu.memory_space<smem>>
    %add3A_1938 = arith.addf %get3A_1932, %get3A_1937 : f32
    %swap3A_1939 = arith.constant 7 : i32
    %swap3A_1940 = arith.index_cast %add3A_74 : i32 to index
    %swap3A_1941 = arith.index_cast %swap3A_1939 : i32 to index
    %swap3A_1942 = memref.load %arg6[%swap3A_1940, %swap3A_1941] : memref<9x16xf32, #tpu.memory_space<smem>>
    memref.store %add3A_1938, %arg6[%swap3A_1940, %swap3A_1941] : memref<9x16xf32, #tpu.memory_space<smem>>
    %get3A_1943 = arith.constant 7 : i32
    %get3A_1944 = arith.index_cast %add3A_87 : i32 to index
    %get3A_1945 = arith.index_cast %get3A_1943 : i32 to index
    %get3A_1946 = memref.load %arg6[%get3A_1944, %get3A_1945] : memref<9x16xf32, #tpu.memory_space<smem>>
    %get3A_1947 = arith.constant 7 : i32
    %get3A_1948 = arith.constant 6 : i32
    %get3A_1949 = arith.index_cast %get3A_1947 : i32 to index
    %get3A_1950 = arith.index_cast %get3A_1948 : i32 to index
    %get3A_1951 = memref.load %arg4[%get3A_1949, %get3A_1950] : memref<15x9xf32, #tpu.memory_space<smem>>
    %add3A_1952 = arith.addf %get3A_1946, %get3A_1951 : f32
    %swap3A_1953 = arith.constant 7 : i32
    %swap3A_1954 = arith.index_cast %add3A_87 : i32 to index
    %swap3A_1955 = arith.index_cast %swap3A_1953 : i32 to index
    %swap3A_1956 = memref.load %arg6[%swap3A_1954, %swap3A_1955] : memref<9x16xf32, #tpu.memory_space<smem>>
    memref.store %add3A_1952, %arg6[%swap3A_1954, %swap3A_1955] : memref<9x16xf32, #tpu.memory_space<smem>>
    %get3A_1957 = arith.constant 7 : i32
    %get3A_1958 = arith.index_cast %add3A_100 : i32 to index
    %get3A_1959 = arith.index_cast %get3A_1957 : i32 to index
    %get3A_1960 = memref.load %arg6[%get3A_1958, %get3A_1959] : memref<9x16xf32, #tpu.memory_space<smem>>
    %get3A_1961 = arith.constant 7 : i32
    %get3A_1962 = arith.constant 7 : i32
    %get3A_1963 = arith.index_cast %get3A_1961 : i32 to index
    %get3A_1964 = arith.index_cast %get3A_1962 : i32 to index
    %get3A_1965 = memref.load %arg4[%get3A_1963, %get3A_1964] : memref<15x9xf32, #tpu.memory_space<smem>>
    %add3A_1966 = arith.addf %get3A_1960, %get3A_1965 : f32
    %swap3A_1967 = arith.constant 7 : i32
    %swap3A_1968 = arith.index_cast %add3A_100 : i32 to index
    %swap3A_1969 = arith.index_cast %swap3A_1967 : i32 to index
    %swap3A_1970 = memref.load %arg6[%swap3A_1968, %swap3A_1969] : memref<9x16xf32, #tpu.memory_space<smem>>
    memref.store %add3A_1966, %arg6[%swap3A_1968, %swap3A_1969] : memref<9x16xf32, #tpu.memory_space<smem>>
    %get3A_1971 = arith.constant 7 : i32
    %get3A_1972 = arith.index_cast %add3A_113 : i32 to index
    %get3A_1973 = arith.index_cast %get3A_1971 : i32 to index
    %get3A_1974 = memref.load %arg6[%get3A_1972, %get3A_1973] : memref<9x16xf32, #tpu.memory_space<smem>>
    %get3A_1975 = arith.constant 7 : i32
    %get3A_1976 = arith.constant 8 : i32
    %get3A_1977 = arith.index_cast %get3A_1975 : i32 to index
    %get3A_1978 = arith.index_cast %get3A_1976 : i32 to index
    %get3A_1979 = memref.load %arg4[%get3A_1977, %get3A_1978] : memref<15x9xf32, #tpu.memory_space<smem>>
    %add3A_1980 = arith.addf %get3A_1974, %get3A_1979 : f32
    %swap3A_1981 = arith.constant 7 : i32
    %swap3A_1982 = arith.index_cast %add3A_113 : i32 to index
    %swap3A_1983 = arith.index_cast %swap3A_1981 : i32 to index
    %swap3A_1984 = memref.load %arg6[%swap3A_1982, %swap3A_1983] : memref<9x16xf32, #tpu.memory_space<smem>>
    memref.store %add3A_1980, %arg6[%swap3A_1982, %swap3A_1983] : memref<9x16xf32, #tpu.memory_space<smem>>
    %get3A_1985 = arith.constant 8 : i32
    %get3A_1986 = arith.index_cast %add3A : i32 to index
    %get3A_1987 = arith.index_cast %get3A_1985 : i32 to index
    %get3A_1988 = memref.load %arg6[%get3A_1986, %get3A_1987] : memref<9x16xf32, #tpu.memory_space<smem>>
    %get3A_1989 = arith.constant 8 : i32
    %get3A_1990 = arith.constant 0 : i32
    %get3A_1991 = arith.index_cast %get3A_1989 : i32 to index
    %get3A_1992 = arith.index_cast %get3A_1990 : i32 to index
    %get3A_1993 = memref.load %arg4[%get3A_1991, %get3A_1992] : memref<15x9xf32, #tpu.memory_space<smem>>
    %add3A_1994 = arith.addf %get3A_1988, %get3A_1993 : f32
    %swap3A_1995 = arith.constant 8 : i32
    %swap3A_1996 = arith.index_cast %add3A : i32 to index
    %swap3A_1997 = arith.index_cast %swap3A_1995 : i32 to index
    %swap3A_1998 = memref.load %arg6[%swap3A_1996, %swap3A_1997] : memref<9x16xf32, #tpu.memory_space<smem>>
    memref.store %add3A_1994, %arg6[%swap3A_1996, %swap3A_1997] : memref<9x16xf32, #tpu.memory_space<smem>>
    %get3A_1999 = arith.constant 8 : i32
    %get3A_2000 = arith.index_cast %add3A_22 : i32 to index
    %get3A_2001 = arith.index_cast %get3A_1999 : i32 to index
    %get3A_2002 = memref.load %arg6[%get3A_2000, %get3A_2001] : memref<9x16xf32, #tpu.memory_space<smem>>
    %get3A_2003 = arith.constant 8 : i32
    %get3A_2004 = arith.constant 1 : i32
    %get3A_2005 = arith.index_cast %get3A_2003 : i32 to index
    %get3A_2006 = arith.index_cast %get3A_2004 : i32 to index
    %get3A_2007 = memref.load %arg4[%get3A_2005, %get3A_2006] : memref<15x9xf32, #tpu.memory_space<smem>>
    %add3A_2008 = arith.addf %get3A_2002, %get3A_2007 : f32
    %swap3A_2009 = arith.constant 8 : i32
    %swap3A_2010 = arith.index_cast %add3A_22 : i32 to index
    %swap3A_2011 = arith.index_cast %swap3A_2009 : i32 to index
    %swap3A_2012 = memref.load %arg6[%swap3A_2010, %swap3A_2011] : memref<9x16xf32, #tpu.memory_space<smem>>
    memref.store %add3A_2008, %arg6[%swap3A_2010, %swap3A_2011] : memref<9x16xf32, #tpu.memory_space<smem>>
    %get3A_2013 = arith.constant 8 : i32
    %get3A_2014 = arith.index_cast %add3A_35 : i32 to index
    %get3A_2015 = arith.index_cast %get3A_2013 : i32 to index
    %get3A_2016 = memref.load %arg6[%get3A_2014, %get3A_2015] : memref<9x16xf32, #tpu.memory_space<smem>>
    %get3A_2017 = arith.constant 8 : i32
    %get3A_2018 = arith.constant 2 : i32
    %get3A_2019 = arith.index_cast %get3A_2017 : i32 to index
    %get3A_2020 = arith.index_cast %get3A_2018 : i32 to index
    %get3A_2021 = memref.load %arg4[%get3A_2019, %get3A_2020] : memref<15x9xf32, #tpu.memory_space<smem>>
    %add3A_2022 = arith.addf %get3A_2016, %get3A_2021 : f32
    %swap3A_2023 = arith.constant 8 : i32
    %swap3A_2024 = arith.index_cast %add3A_35 : i32 to index
    %swap3A_2025 = arith.index_cast %swap3A_2023 : i32 to index
    %swap3A_2026 = memref.load %arg6[%swap3A_2024, %swap3A_2025] : memref<9x16xf32, #tpu.memory_space<smem>>
    memref.store %add3A_2022, %arg6[%swap3A_2024, %swap3A_2025] : memref<9x16xf32, #tpu.memory_space<smem>>
    %get3A_2027 = arith.constant 8 : i32
    %get3A_2028 = arith.index_cast %add3A_48 : i32 to index
    %get3A_2029 = arith.index_cast %get3A_2027 : i32 to index
    %get3A_2030 = memref.load %arg6[%get3A_2028, %get3A_2029] : memref<9x16xf32, #tpu.memory_space<smem>>
    %get3A_2031 = arith.constant 8 : i32
    %get3A_2032 = arith.constant 3 : i32
    %get3A_2033 = arith.index_cast %get3A_2031 : i32 to index
    %get3A_2034 = arith.index_cast %get3A_2032 : i32 to index
    %get3A_2035 = memref.load %arg4[%get3A_2033, %get3A_2034] : memref<15x9xf32, #tpu.memory_space<smem>>
    %add3A_2036 = arith.addf %get3A_2030, %get3A_2035 : f32
    %swap3A_2037 = arith.constant 8 : i32
    %swap3A_2038 = arith.index_cast %add3A_48 : i32 to index
    %swap3A_2039 = arith.index_cast %swap3A_2037 : i32 to index
    %swap3A_2040 = memref.load %arg6[%swap3A_2038, %swap3A_2039] : memref<9x16xf32, #tpu.memory_space<smem>>
    memref.store %add3A_2036, %arg6[%swap3A_2038, %swap3A_2039] : memref<9x16xf32, #tpu.memory_space<smem>>
    %get3A_2041 = arith.constant 8 : i32
    %get3A_2042 = arith.index_cast %add3A_61 : i32 to index
    %get3A_2043 = arith.index_cast %get3A_2041 : i32 to index
    %get3A_2044 = memref.load %arg6[%get3A_2042, %get3A_2043] : memref<9x16xf32, #tpu.memory_space<smem>>
    %get3A_2045 = arith.constant 8 : i32
    %get3A_2046 = arith.constant 4 : i32
    %get3A_2047 = arith.index_cast %get3A_2045 : i32 to index
    %get3A_2048 = arith.index_cast %get3A_2046 : i32 to index
    %get3A_2049 = memref.load %arg4[%get3A_2047, %get3A_2048] : memref<15x9xf32, #tpu.memory_space<smem>>
    %add3A_2050 = arith.addf %get3A_2044, %get3A_2049 : f32
    %swap3A_2051 = arith.constant 8 : i32
    %swap3A_2052 = arith.index_cast %add3A_61 : i32 to index
    %swap3A_2053 = arith.index_cast %swap3A_2051 : i32 to index
    %swap3A_2054 = memref.load %arg6[%swap3A_2052, %swap3A_2053] : memref<9x16xf32, #tpu.memory_space<smem>>
    memref.store %add3A_2050, %arg6[%swap3A_2052, %swap3A_2053] : memref<9x16xf32, #tpu.memory_space<smem>>
    %get3A_2055 = arith.constant 8 : i32
    %get3A_2056 = arith.index_cast %add3A_74 : i32 to index
    %get3A_2057 = arith.index_cast %get3A_2055 : i32 to index
    %get3A_2058 = memref.load %arg6[%get3A_2056, %get3A_2057] : memref<9x16xf32, #tpu.memory_space<smem>>
    %get3A_2059 = arith.constant 8 : i32
    %get3A_2060 = arith.constant 5 : i32
    %get3A_2061 = arith.index_cast %get3A_2059 : i32 to index
    %get3A_2062 = arith.index_cast %get3A_2060 : i32 to index
    %get3A_2063 = memref.load %arg4[%get3A_2061, %get3A_2062] : memref<15x9xf32, #tpu.memory_space<smem>>
    %add3A_2064 = arith.addf %get3A_2058, %get3A_2063 : f32
    %swap3A_2065 = arith.constant 8 : i32
    %swap3A_2066 = arith.index_cast %add3A_74 : i32 to index
    %swap3A_2067 = arith.index_cast %swap3A_2065 : i32 to index
    %swap3A_2068 = memref.load %arg6[%swap3A_2066, %swap3A_2067] : memref<9x16xf32, #tpu.memory_space<smem>>
    memref.store %add3A_2064, %arg6[%swap3A_2066, %swap3A_2067] : memref<9x16xf32, #tpu.memory_space<smem>>
    %get3A_2069 = arith.constant 8 : i32
    %get3A_2070 = arith.index_cast %add3A_87 : i32 to index
    %get3A_2071 = arith.index_cast %get3A_2069 : i32 to index
    %get3A_2072 = memref.load %arg6[%get3A_2070, %get3A_2071] : memref<9x16xf32, #tpu.memory_space<smem>>
    %get3A_2073 = arith.constant 8 : i32
    %get3A_2074 = arith.constant 6 : i32
    %get3A_2075 = arith.index_cast %get3A_2073 : i32 to index
    %get3A_2076 = arith.index_cast %get3A_2074 : i32 to index
    %get3A_2077 = memref.load %arg4[%get3A_2075, %get3A_2076] : memref<15x9xf32, #tpu.memory_space<smem>>
    %add3A_2078 = arith.addf %get3A_2072, %get3A_2077 : f32
    %swap3A_2079 = arith.constant 8 : i32
    %swap3A_2080 = arith.index_cast %add3A_87 : i32 to index
    %swap3A_2081 = arith.index_cast %swap3A_2079 : i32 to index
    %swap3A_2082 = memref.load %arg6[%swap3A_2080, %swap3A_2081] : memref<9x16xf32, #tpu.memory_space<smem>>
    memref.store %add3A_2078, %arg6[%swap3A_2080, %swap3A_2081] : memref<9x16xf32, #tpu.memory_space<smem>>
    %get3A_2083 = arith.constant 8 : i32
    %get3A_2084 = arith.index_cast %add3A_100 : i32 to index
    %get3A_2085 = arith.index_cast %get3A_2083 : i32 to index
    %get3A_2086 = memref.load %arg6[%get3A_2084, %get3A_2085] : memref<9x16xf32, #tpu.memory_space<smem>>
    %get3A_2087 = arith.constant 8 : i32
    %get3A_2088 = arith.constant 7 : i32
    %get3A_2089 = arith.index_cast %get3A_2087 : i32 to index
    %get3A_2090 = arith.index_cast %get3A_2088 : i32 to index
    %get3A_2091 = memref.load %arg4[%get3A_2089, %get3A_2090] : memref<15x9xf32, #tpu.memory_space<smem>>
    %add3A_2092 = arith.addf %get3A_2086, %get3A_2091 : f32
    %swap3A_2093 = arith.constant 8 : i32
    %swap3A_2094 = arith.index_cast %add3A_100 : i32 to index
    %swap3A_2095 = arith.index_cast %swap3A_2093 : i32 to index
    %swap3A_2096 = memref.load %arg6[%swap3A_2094, %swap3A_2095] : memref<9x16xf32, #tpu.memory_space<smem>>
    memref.store %add3A_2092, %arg6[%swap3A_2094, %swap3A_2095] : memref<9x16xf32, #tpu.memory_space<smem>>
    %get3A_2097 = arith.constant 8 : i32
    %get3A_2098 = arith.index_cast %add3A_113 : i32 to index
    %get3A_2099 = arith.index_cast %get3A_2097 : i32 to index
    %get3A_2100 = memref.load %arg6[%get3A_2098, %get3A_2099] : memref<9x16xf32, #tpu.memory_space<smem>>
    %get3A_2101 = arith.constant 8 : i32
    %get3A_2102 = arith.constant 8 : i32
    %get3A_2103 = arith.index_cast %get3A_2101 : i32 to index
    %get3A_2104 = arith.index_cast %get3A_2102 : i32 to index
    %get3A_2105 = memref.load %arg4[%get3A_2103, %get3A_2104] : memref<15x9xf32, #tpu.memory_space<smem>>
    %add3A_2106 = arith.addf %get3A_2100, %get3A_2105 : f32
    %swap3A_2107 = arith.constant 8 : i32
    %swap3A_2108 = arith.index_cast %add3A_113 : i32 to index
    %swap3A_2109 = arith.index_cast %swap3A_2107 : i32 to index
    %swap3A_2110 = memref.load %arg6[%swap3A_2108, %swap3A_2109] : memref<9x16xf32, #tpu.memory_space<smem>>
    memref.store %add3A_2106, %arg6[%swap3A_2108, %swap3A_2109] : memref<9x16xf32, #tpu.memory_space<smem>>
    %get3A_2111 = arith.constant 9 : i32
    %get3A_2112 = arith.index_cast %add3A : i32 to index
    %get3A_2113 = arith.index_cast %get3A_2111 : i32 to index
    %get3A_2114 = memref.load %arg6[%get3A_2112, %get3A_2113] : memref<9x16xf32, #tpu.memory_space<smem>>
    %get3A_2115 = arith.constant 9 : i32
    %get3A_2116 = arith.constant 0 : i32
    %get3A_2117 = arith.index_cast %get3A_2115 : i32 to index
    %get3A_2118 = arith.index_cast %get3A_2116 : i32 to index
    %get3A_2119 = memref.load %arg4[%get3A_2117, %get3A_2118] : memref<15x9xf32, #tpu.memory_space<smem>>
    %add3A_2120 = arith.addf %get3A_2114, %get3A_2119 : f32
    %swap3A_2121 = arith.constant 9 : i32
    %swap3A_2122 = arith.index_cast %add3A : i32 to index
    %swap3A_2123 = arith.index_cast %swap3A_2121 : i32 to index
    %swap3A_2124 = memref.load %arg6[%swap3A_2122, %swap3A_2123] : memref<9x16xf32, #tpu.memory_space<smem>>
    memref.store %add3A_2120, %arg6[%swap3A_2122, %swap3A_2123] : memref<9x16xf32, #tpu.memory_space<smem>>
    %get3A_2125 = arith.constant 9 : i32
    %get3A_2126 = arith.index_cast %add3A_22 : i32 to index
    %get3A_2127 = arith.index_cast %get3A_2125 : i32 to index
    %get3A_2128 = memref.load %arg6[%get3A_2126, %get3A_2127] : memref<9x16xf32, #tpu.memory_space<smem>>
    %get3A_2129 = arith.constant 9 : i32
    %get3A_2130 = arith.constant 1 : i32
    %get3A_2131 = arith.index_cast %get3A_2129 : i32 to index
    %get3A_2132 = arith.index_cast %get3A_2130 : i32 to index
    %get3A_2133 = memref.load %arg4[%get3A_2131, %get3A_2132] : memref<15x9xf32, #tpu.memory_space<smem>>
    %add3A_2134 = arith.addf %get3A_2128, %get3A_2133 : f32
    %swap3A_2135 = arith.constant 9 : i32
    %swap3A_2136 = arith.index_cast %add3A_22 : i32 to index
    %swap3A_2137 = arith.index_cast %swap3A_2135 : i32 to index
    %swap3A_2138 = memref.load %arg6[%swap3A_2136, %swap3A_2137] : memref<9x16xf32, #tpu.memory_space<smem>>
    memref.store %add3A_2134, %arg6[%swap3A_2136, %swap3A_2137] : memref<9x16xf32, #tpu.memory_space<smem>>
    %get3A_2139 = arith.constant 9 : i32
    %get3A_2140 = arith.index_cast %add3A_35 : i32 to index
    %get3A_2141 = arith.index_cast %get3A_2139 : i32 to index
    %get3A_2142 = memref.load %arg6[%get3A_2140, %get3A_2141] : memref<9x16xf32, #tpu.memory_space<smem>>
    %get3A_2143 = arith.constant 9 : i32
    %get3A_2144 = arith.constant 2 : i32
    %get3A_2145 = arith.index_cast %get3A_2143 : i32 to index
    %get3A_2146 = arith.index_cast %get3A_2144 : i32 to index
    %get3A_2147 = memref.load %arg4[%get3A_2145, %get3A_2146] : memref<15x9xf32, #tpu.memory_space<smem>>
    %add3A_2148 = arith.addf %get3A_2142, %get3A_2147 : f32
    %swap3A_2149 = arith.constant 9 : i32
    %swap3A_2150 = arith.index_cast %add3A_35 : i32 to index
    %swap3A_2151 = arith.index_cast %swap3A_2149 : i32 to index
    %swap3A_2152 = memref.load %arg6[%swap3A_2150, %swap3A_2151] : memref<9x16xf32, #tpu.memory_space<smem>>
    memref.store %add3A_2148, %arg6[%swap3A_2150, %swap3A_2151] : memref<9x16xf32, #tpu.memory_space<smem>>
    %get3A_2153 = arith.constant 9 : i32
    %get3A_2154 = arith.index_cast %add3A_48 : i32 to index
    %get3A_2155 = arith.index_cast %get3A_2153 : i32 to index
    %get3A_2156 = memref.load %arg6[%get3A_2154, %get3A_2155] : memref<9x16xf32, #tpu.memory_space<smem>>
    %get3A_2157 = arith.constant 9 : i32
    %get3A_2158 = arith.constant 3 : i32
    %get3A_2159 = arith.index_cast %get3A_2157 : i32 to index
    %get3A_2160 = arith.index_cast %get3A_2158 : i32 to index
    %get3A_2161 = memref.load %arg4[%get3A_2159, %get3A_2160] : memref<15x9xf32, #tpu.memory_space<smem>>
    %add3A_2162 = arith.addf %get3A_2156, %get3A_2161 : f32
    %swap3A_2163 = arith.constant 9 : i32
    %swap3A_2164 = arith.index_cast %add3A_48 : i32 to index
    %swap3A_2165 = arith.index_cast %swap3A_2163 : i32 to index
    %swap3A_2166 = memref.load %arg6[%swap3A_2164, %swap3A_2165] : memref<9x16xf32, #tpu.memory_space<smem>>
    memref.store %add3A_2162, %arg6[%swap3A_2164, %swap3A_2165] : memref<9x16xf32, #tpu.memory_space<smem>>
    %get3A_2167 = arith.constant 9 : i32
    %get3A_2168 = arith.index_cast %add3A_61 : i32 to index
    %get3A_2169 = arith.index_cast %get3A_2167 : i32 to index
    %get3A_2170 = memref.load %arg6[%get3A_2168, %get3A_2169] : memref<9x16xf32, #tpu.memory_space<smem>>
    %get3A_2171 = arith.constant 9 : i32
    %get3A_2172 = arith.constant 4 : i32
    %get3A_2173 = arith.index_cast %get3A_2171 : i32 to index
    %get3A_2174 = arith.index_cast %get3A_2172 : i32 to index
    %get3A_2175 = memref.load %arg4[%get3A_2173, %get3A_2174] : memref<15x9xf32, #tpu.memory_space<smem>>
    %add3A_2176 = arith.addf %get3A_2170, %get3A_2175 : f32
    %swap3A_2177 = arith.constant 9 : i32
    %swap3A_2178 = arith.index_cast %add3A_61 : i32 to index
    %swap3A_2179 = arith.index_cast %swap3A_2177 : i32 to index
    %swap3A_2180 = memref.load %arg6[%swap3A_2178, %swap3A_2179] : memref<9x16xf32, #tpu.memory_space<smem>>
    memref.store %add3A_2176, %arg6[%swap3A_2178, %swap3A_2179] : memref<9x16xf32, #tpu.memory_space<smem>>
    %get3A_2181 = arith.constant 9 : i32
    %get3A_2182 = arith.index_cast %add3A_74 : i32 to index
    %get3A_2183 = arith.index_cast %get3A_2181 : i32 to index
    %get3A_2184 = memref.load %arg6[%get3A_2182, %get3A_2183] : memref<9x16xf32, #tpu.memory_space<smem>>
    %get3A_2185 = arith.constant 9 : i32
    %get3A_2186 = arith.constant 5 : i32
    %get3A_2187 = arith.index_cast %get3A_2185 : i32 to index
    %get3A_2188 = arith.index_cast %get3A_2186 : i32 to index
    %get3A_2189 = memref.load %arg4[%get3A_2187, %get3A_2188] : memref<15x9xf32, #tpu.memory_space<smem>>
    %add3A_2190 = arith.addf %get3A_2184, %get3A_2189 : f32
    %swap3A_2191 = arith.constant 9 : i32
    %swap3A_2192 = arith.index_cast %add3A_74 : i32 to index
    %swap3A_2193 = arith.index_cast %swap3A_2191 : i32 to index
    %swap3A_2194 = memref.load %arg6[%swap3A_2192, %swap3A_2193] : memref<9x16xf32, #tpu.memory_space<smem>>
    memref.store %add3A_2190, %arg6[%swap3A_2192, %swap3A_2193] : memref<9x16xf32, #tpu.memory_space<smem>>
    %get3A_2195 = arith.constant 9 : i32
    %get3A_2196 = arith.index_cast %add3A_87 : i32 to index
    %get3A_2197 = arith.index_cast %get3A_2195 : i32 to index
    %get3A_2198 = memref.load %arg6[%get3A_2196, %get3A_2197] : memref<9x16xf32, #tpu.memory_space<smem>>
    %get3A_2199 = arith.constant 9 : i32
    %get3A_2200 = arith.constant 6 : i32
    %get3A_2201 = arith.index_cast %get3A_2199 : i32 to index
    %get3A_2202 = arith.index_cast %get3A_2200 : i32 to index
    %get3A_2203 = memref.load %arg4[%get3A_2201, %get3A_2202] : memref<15x9xf32, #tpu.memory_space<smem>>
    %add3A_2204 = arith.addf %get3A_2198, %get3A_2203 : f32
    %swap3A_2205 = arith.constant 9 : i32
    %swap3A_2206 = arith.index_cast %add3A_87 : i32 to index
    %swap3A_2207 = arith.index_cast %swap3A_2205 : i32 to index
    %swap3A_2208 = memref.load %arg6[%swap3A_2206, %swap3A_2207] : memref<9x16xf32, #tpu.memory_space<smem>>
    memref.store %add3A_2204, %arg6[%swap3A_2206, %swap3A_2207] : memref<9x16xf32, #tpu.memory_space<smem>>
    %get3A_2209 = arith.constant 9 : i32
    %get3A_2210 = arith.index_cast %add3A_100 : i32 to index
    %get3A_2211 = arith.index_cast %get3A_2209 : i32 to index
    %get3A_2212 = memref.load %arg6[%get3A_2210, %get3A_2211] : memref<9x16xf32, #tpu.memory_space<smem>>
    %get3A_2213 = arith.constant 9 : i32
    %get3A_2214 = arith.constant 7 : i32
    %get3A_2215 = arith.index_cast %get3A_2213 : i32 to index
    %get3A_2216 = arith.index_cast %get3A_2214 : i32 to index
    %get3A_2217 = memref.load %arg4[%get3A_2215, %get3A_2216] : memref<15x9xf32, #tpu.memory_space<smem>>
    %add3A_2218 = arith.addf %get3A_2212, %get3A_2217 : f32
    %swap3A_2219 = arith.constant 9 : i32
    %swap3A_2220 = arith.index_cast %add3A_100 : i32 to index
    %swap3A_2221 = arith.index_cast %swap3A_2219 : i32 to index
    %swap3A_2222 = memref.load %arg6[%swap3A_2220, %swap3A_2221] : memref<9x16xf32, #tpu.memory_space<smem>>
    memref.store %add3A_2218, %arg6[%swap3A_2220, %swap3A_2221] : memref<9x16xf32, #tpu.memory_space<smem>>
    %get3A_2223 = arith.constant 9 : i32
    %get3A_2224 = arith.index_cast %add3A_113 : i32 to index
    %get3A_2225 = arith.index_cast %get3A_2223 : i32 to index
    %get3A_2226 = memref.load %arg6[%get3A_2224, %get3A_2225] : memref<9x16xf32, #tpu.memory_space<smem>>
    %get3A_2227 = arith.constant 9 : i32
    %get3A_2228 = arith.constant 8 : i32
    %get3A_2229 = arith.index_cast %get3A_2227 : i32 to index
    %get3A_2230 = arith.index_cast %get3A_2228 : i32 to index
    %get3A_2231 = memref.load %arg4[%get3A_2229, %get3A_2230] : memref<15x9xf32, #tpu.memory_space<smem>>
    %add3A_2232 = arith.addf %get3A_2226, %get3A_2231 : f32
    %swap3A_2233 = arith.constant 9 : i32
    %swap3A_2234 = arith.index_cast %add3A_113 : i32 to index
    %swap3A_2235 = arith.index_cast %swap3A_2233 : i32 to index
    %swap3A_2236 = memref.load %arg6[%swap3A_2234, %swap3A_2235] : memref<9x16xf32, #tpu.memory_space<smem>>
    memref.store %add3A_2232, %arg6[%swap3A_2234, %swap3A_2235] : memref<9x16xf32, #tpu.memory_space<smem>>
    %get3A_2237 = arith.constant 10 : i32
    %get3A_2238 = arith.index_cast %add3A : i32 to index
    %get3A_2239 = arith.index_cast %get3A_2237 : i32 to index
    %get3A_2240 = memref.load %arg6[%get3A_2238, %get3A_2239] : memref<9x16xf32, #tpu.memory_space<smem>>
    %get3A_2241 = arith.constant 10 : i32
    %get3A_2242 = arith.constant 0 : i32
    %get3A_2243 = arith.index_cast %get3A_2241 : i32 to index
    %get3A_2244 = arith.index_cast %get3A_2242 : i32 to index
    %get3A_2245 = memref.load %arg4[%get3A_2243, %get3A_2244] : memref<15x9xf32, #tpu.memory_space<smem>>
    %add3A_2246 = arith.addf %get3A_2240, %get3A_2245 : f32
    %swap3A_2247 = arith.constant 10 : i32
    %swap3A_2248 = arith.index_cast %add3A : i32 to index
    %swap3A_2249 = arith.index_cast %swap3A_2247 : i32 to index
    %swap3A_2250 = memref.load %arg6[%swap3A_2248, %swap3A_2249] : memref<9x16xf32, #tpu.memory_space<smem>>
    memref.store %add3A_2246, %arg6[%swap3A_2248, %swap3A_2249] : memref<9x16xf32, #tpu.memory_space<smem>>
    %get3A_2251 = arith.constant 10 : i32
    %get3A_2252 = arith.index_cast %add3A_22 : i32 to index
    %get3A_2253 = arith.index_cast %get3A_2251 : i32 to index
    %get3A_2254 = memref.load %arg6[%get3A_2252, %get3A_2253] : memref<9x16xf32, #tpu.memory_space<smem>>
    %get3A_2255 = arith.constant 10 : i32
    %get3A_2256 = arith.constant 1 : i32
    %get3A_2257 = arith.index_cast %get3A_2255 : i32 to index
    %get3A_2258 = arith.index_cast %get3A_2256 : i32 to index
    %get3A_2259 = memref.load %arg4[%get3A_2257, %get3A_2258] : memref<15x9xf32, #tpu.memory_space<smem>>
    %add3A_2260 = arith.addf %get3A_2254, %get3A_2259 : f32
    %swap3A_2261 = arith.constant 10 : i32
    %swap3A_2262 = arith.index_cast %add3A_22 : i32 to index
    %swap3A_2263 = arith.index_cast %swap3A_2261 : i32 to index
    %swap3A_2264 = memref.load %arg6[%swap3A_2262, %swap3A_2263] : memref<9x16xf32, #tpu.memory_space<smem>>
    memref.store %add3A_2260, %arg6[%swap3A_2262, %swap3A_2263] : memref<9x16xf32, #tpu.memory_space<smem>>
    %get3A_2265 = arith.constant 10 : i32
    %get3A_2266 = arith.index_cast %add3A_35 : i32 to index
    %get3A_2267 = arith.index_cast %get3A_2265 : i32 to index
    %get3A_2268 = memref.load %arg6[%get3A_2266, %get3A_2267] : memref<9x16xf32, #tpu.memory_space<smem>>
    %get3A_2269 = arith.constant 10 : i32
    %get3A_2270 = arith.constant 2 : i32
    %get3A_2271 = arith.index_cast %get3A_2269 : i32 to index
    %get3A_2272 = arith.index_cast %get3A_2270 : i32 to index
    %get3A_2273 = memref.load %arg4[%get3A_2271, %get3A_2272] : memref<15x9xf32, #tpu.memory_space<smem>>
    %add3A_2274 = arith.addf %get3A_2268, %get3A_2273 : f32
    %swap3A_2275 = arith.constant 10 : i32
    %swap3A_2276 = arith.index_cast %add3A_35 : i32 to index
    %swap3A_2277 = arith.index_cast %swap3A_2275 : i32 to index
    %swap3A_2278 = memref.load %arg6[%swap3A_2276, %swap3A_2277] : memref<9x16xf32, #tpu.memory_space<smem>>
    memref.store %add3A_2274, %arg6[%swap3A_2276, %swap3A_2277] : memref<9x16xf32, #tpu.memory_space<smem>>
    %get3A_2279 = arith.constant 10 : i32
    %get3A_2280 = arith.index_cast %add3A_48 : i32 to index
    %get3A_2281 = arith.index_cast %get3A_2279 : i32 to index
    %get3A_2282 = memref.load %arg6[%get3A_2280, %get3A_2281] : memref<9x16xf32, #tpu.memory_space<smem>>
    %get3A_2283 = arith.constant 10 : i32
    %get3A_2284 = arith.constant 3 : i32
    %get3A_2285 = arith.index_cast %get3A_2283 : i32 to index
    %get3A_2286 = arith.index_cast %get3A_2284 : i32 to index
    %get3A_2287 = memref.load %arg4[%get3A_2285, %get3A_2286] : memref<15x9xf32, #tpu.memory_space<smem>>
    %add3A_2288 = arith.addf %get3A_2282, %get3A_2287 : f32
    %swap3A_2289 = arith.constant 10 : i32
    %swap3A_2290 = arith.index_cast %add3A_48 : i32 to index
    %swap3A_2291 = arith.index_cast %swap3A_2289 : i32 to index
    %swap3A_2292 = memref.load %arg6[%swap3A_2290, %swap3A_2291] : memref<9x16xf32, #tpu.memory_space<smem>>
    memref.store %add3A_2288, %arg6[%swap3A_2290, %swap3A_2291] : memref<9x16xf32, #tpu.memory_space<smem>>
    %get3A_2293 = arith.constant 10 : i32
    %get3A_2294 = arith.index_cast %add3A_61 : i32 to index
    %get3A_2295 = arith.index_cast %get3A_2293 : i32 to index
    %get3A_2296 = memref.load %arg6[%get3A_2294, %get3A_2295] : memref<9x16xf32, #tpu.memory_space<smem>>
    %get3A_2297 = arith.constant 10 : i32
    %get3A_2298 = arith.constant 4 : i32
    %get3A_2299 = arith.index_cast %get3A_2297 : i32 to index
    %get3A_2300 = arith.index_cast %get3A_2298 : i32 to index
    %get3A_2301 = memref.load %arg4[%get3A_2299, %get3A_2300] : memref<15x9xf32, #tpu.memory_space<smem>>
    %add3A_2302 = arith.addf %get3A_2296, %get3A_2301 : f32
    %swap3A_2303 = arith.constant 10 : i32
    %swap3A_2304 = arith.index_cast %add3A_61 : i32 to index
    %swap3A_2305 = arith.index_cast %swap3A_2303 : i32 to index
    %swap3A_2306 = memref.load %arg6[%swap3A_2304, %swap3A_2305] : memref<9x16xf32, #tpu.memory_space<smem>>
    memref.store %add3A_2302, %arg6[%swap3A_2304, %swap3A_2305] : memref<9x16xf32, #tpu.memory_space<smem>>
    %get3A_2307 = arith.constant 10 : i32
    %get3A_2308 = arith.index_cast %add3A_74 : i32 to index
    %get3A_2309 = arith.index_cast %get3A_2307 : i32 to index
    %get3A_2310 = memref.load %arg6[%get3A_2308, %get3A_2309] : memref<9x16xf32, #tpu.memory_space<smem>>
    %get3A_2311 = arith.constant 10 : i32
    %get3A_2312 = arith.constant 5 : i32
    %get3A_2313 = arith.index_cast %get3A_2311 : i32 to index
    %get3A_2314 = arith.index_cast %get3A_2312 : i32 to index
    %get3A_2315 = memref.load %arg4[%get3A_2313, %get3A_2314] : memref<15x9xf32, #tpu.memory_space<smem>>
    %add3A_2316 = arith.addf %get3A_2310, %get3A_2315 : f32
    %swap3A_2317 = arith.constant 10 : i32
    %swap3A_2318 = arith.index_cast %add3A_74 : i32 to index
    %swap3A_2319 = arith.index_cast %swap3A_2317 : i32 to index
    %swap3A_2320 = memref.load %arg6[%swap3A_2318, %swap3A_2319] : memref<9x16xf32, #tpu.memory_space<smem>>
    memref.store %add3A_2316, %arg6[%swap3A_2318, %swap3A_2319] : memref<9x16xf32, #tpu.memory_space<smem>>
    %get3A_2321 = arith.constant 10 : i32
    %get3A_2322 = arith.index_cast %add3A_87 : i32 to index
    %get3A_2323 = arith.index_cast %get3A_2321 : i32 to index
    %get3A_2324 = memref.load %arg6[%get3A_2322, %get3A_2323] : memref<9x16xf32, #tpu.memory_space<smem>>
    %get3A_2325 = arith.constant 10 : i32
    %get3A_2326 = arith.constant 6 : i32
    %get3A_2327 = arith.index_cast %get3A_2325 : i32 to index
    %get3A_2328 = arith.index_cast %get3A_2326 : i32 to index
    %get3A_2329 = memref.load %arg4[%get3A_2327, %get3A_2328] : memref<15x9xf32, #tpu.memory_space<smem>>
    %add3A_2330 = arith.addf %get3A_2324, %get3A_2329 : f32
    %swap3A_2331 = arith.constant 10 : i32
    %swap3A_2332 = arith.index_cast %add3A_87 : i32 to index
    %swap3A_2333 = arith.index_cast %swap3A_2331 : i32 to index
    %swap3A_2334 = memref.load %arg6[%swap3A_2332, %swap3A_2333] : memref<9x16xf32, #tpu.memory_space<smem>>
    memref.store %add3A_2330, %arg6[%swap3A_2332, %swap3A_2333] : memref<9x16xf32, #tpu.memory_space<smem>>
    %get3A_2335 = arith.constant 10 : i32
    %get3A_2336 = arith.index_cast %add3A_100 : i32 to index
    %get3A_2337 = arith.index_cast %get3A_2335 : i32 to index
    %get3A_2338 = memref.load %arg6[%get3A_2336, %get3A_2337] : memref<9x16xf32, #tpu.memory_space<smem>>
    %get3A_2339 = arith.constant 10 : i32
    %get3A_2340 = arith.constant 7 : i32
    %get3A_2341 = arith.index_cast %get3A_2339 : i32 to index
    %get3A_2342 = arith.index_cast %get3A_2340 : i32 to index
    %get3A_2343 = memref.load %arg4[%get3A_2341, %get3A_2342] : memref<15x9xf32, #tpu.memory_space<smem>>
    %add3A_2344 = arith.addf %get3A_2338, %get3A_2343 : f32
    %swap3A_2345 = arith.constant 10 : i32
    %swap3A_2346 = arith.index_cast %add3A_100 : i32 to index
    %swap3A_2347 = arith.index_cast %swap3A_2345 : i32 to index
    %swap3A_2348 = memref.load %arg6[%swap3A_2346, %swap3A_2347] : memref<9x16xf32, #tpu.memory_space<smem>>
    memref.store %add3A_2344, %arg6[%swap3A_2346, %swap3A_2347] : memref<9x16xf32, #tpu.memory_space<smem>>
    %get3A_2349 = arith.constant 10 : i32
    %get3A_2350 = arith.index_cast %add3A_113 : i32 to index
    %get3A_2351 = arith.index_cast %get3A_2349 : i32 to index
    %get3A_2352 = memref.load %arg6[%get3A_2350, %get3A_2351] : memref<9x16xf32, #tpu.memory_space<smem>>
    %get3A_2353 = arith.constant 10 : i32
    %get3A_2354 = arith.constant 8 : i32
    %get3A_2355 = arith.index_cast %get3A_2353 : i32 to index
    %get3A_2356 = arith.index_cast %get3A_2354 : i32 to index
    %get3A_2357 = memref.load %arg4[%get3A_2355, %get3A_2356] : memref<15x9xf32, #tpu.memory_space<smem>>
    %add3A_2358 = arith.addf %get3A_2352, %get3A_2357 : f32
    %swap3A_2359 = arith.constant 10 : i32
    %swap3A_2360 = arith.index_cast %add3A_113 : i32 to index
    %swap3A_2361 = arith.index_cast %swap3A_2359 : i32 to index
    %swap3A_2362 = memref.load %arg6[%swap3A_2360, %swap3A_2361] : memref<9x16xf32, #tpu.memory_space<smem>>
    memref.store %add3A_2358, %arg6[%swap3A_2360, %swap3A_2361] : memref<9x16xf32, #tpu.memory_space<smem>>
    %get3A_2363 = arith.constant 11 : i32
    %get3A_2364 = arith.index_cast %add3A : i32 to index
    %get3A_2365 = arith.index_cast %get3A_2363 : i32 to index
    %get3A_2366 = memref.load %arg6[%get3A_2364, %get3A_2365] : memref<9x16xf32, #tpu.memory_space<smem>>
    %get3A_2367 = arith.constant 11 : i32
    %get3A_2368 = arith.constant 0 : i32
    %get3A_2369 = arith.index_cast %get3A_2367 : i32 to index
    %get3A_2370 = arith.index_cast %get3A_2368 : i32 to index
    %get3A_2371 = memref.load %arg4[%get3A_2369, %get3A_2370] : memref<15x9xf32, #tpu.memory_space<smem>>
    %add3A_2372 = arith.addf %get3A_2366, %get3A_2371 : f32
    %swap3A_2373 = arith.constant 11 : i32
    %swap3A_2374 = arith.index_cast %add3A : i32 to index
    %swap3A_2375 = arith.index_cast %swap3A_2373 : i32 to index
    %swap3A_2376 = memref.load %arg6[%swap3A_2374, %swap3A_2375] : memref<9x16xf32, #tpu.memory_space<smem>>
    memref.store %add3A_2372, %arg6[%swap3A_2374, %swap3A_2375] : memref<9x16xf32, #tpu.memory_space<smem>>
    %get3A_2377 = arith.constant 11 : i32
    %get3A_2378 = arith.index_cast %add3A_22 : i32 to index
    %get3A_2379 = arith.index_cast %get3A_2377 : i32 to index
    %get3A_2380 = memref.load %arg6[%get3A_2378, %get3A_2379] : memref<9x16xf32, #tpu.memory_space<smem>>
    %get3A_2381 = arith.constant 11 : i32
    %get3A_2382 = arith.constant 1 : i32
    %get3A_2383 = arith.index_cast %get3A_2381 : i32 to index
    %get3A_2384 = arith.index_cast %get3A_2382 : i32 to index
    %get3A_2385 = memref.load %arg4[%get3A_2383, %get3A_2384] : memref<15x9xf32, #tpu.memory_space<smem>>
    %add3A_2386 = arith.addf %get3A_2380, %get3A_2385 : f32
    %swap3A_2387 = arith.constant 11 : i32
    %swap3A_2388 = arith.index_cast %add3A_22 : i32 to index
    %swap3A_2389 = arith.index_cast %swap3A_2387 : i32 to index
    %swap3A_2390 = memref.load %arg6[%swap3A_2388, %swap3A_2389] : memref<9x16xf32, #tpu.memory_space<smem>>
    memref.store %add3A_2386, %arg6[%swap3A_2388, %swap3A_2389] : memref<9x16xf32, #tpu.memory_space<smem>>
    %get3A_2391 = arith.constant 11 : i32
    %get3A_2392 = arith.index_cast %add3A_35 : i32 to index
    %get3A_2393 = arith.index_cast %get3A_2391 : i32 to index
    %get3A_2394 = memref.load %arg6[%get3A_2392, %get3A_2393] : memref<9x16xf32, #tpu.memory_space<smem>>
    %get3A_2395 = arith.constant 11 : i32
    %get3A_2396 = arith.constant 2 : i32
    %get3A_2397 = arith.index_cast %get3A_2395 : i32 to index
    %get3A_2398 = arith.index_cast %get3A_2396 : i32 to index
    %get3A_2399 = memref.load %arg4[%get3A_2397, %get3A_2398] : memref<15x9xf32, #tpu.memory_space<smem>>
    %add3A_2400 = arith.addf %get3A_2394, %get3A_2399 : f32
    %swap3A_2401 = arith.constant 11 : i32
    %swap3A_2402 = arith.index_cast %add3A_35 : i32 to index
    %swap3A_2403 = arith.index_cast %swap3A_2401 : i32 to index
    %swap3A_2404 = memref.load %arg6[%swap3A_2402, %swap3A_2403] : memref<9x16xf32, #tpu.memory_space<smem>>
    memref.store %add3A_2400, %arg6[%swap3A_2402, %swap3A_2403] : memref<9x16xf32, #tpu.memory_space<smem>>
    %get3A_2405 = arith.constant 11 : i32
    %get3A_2406 = arith.index_cast %add3A_48 : i32 to index
    %get3A_2407 = arith.index_cast %get3A_2405 : i32 to index
    %get3A_2408 = memref.load %arg6[%get3A_2406, %get3A_2407] : memref<9x16xf32, #tpu.memory_space<smem>>
    %get3A_2409 = arith.constant 11 : i32
    %get3A_2410 = arith.constant 3 : i32
    %get3A_2411 = arith.index_cast %get3A_2409 : i32 to index
    %get3A_2412 = arith.index_cast %get3A_2410 : i32 to index
    %get3A_2413 = memref.load %arg4[%get3A_2411, %get3A_2412] : memref<15x9xf32, #tpu.memory_space<smem>>
    %add3A_2414 = arith.addf %get3A_2408, %get3A_2413 : f32
    %swap3A_2415 = arith.constant 11 : i32
    %swap3A_2416 = arith.index_cast %add3A_48 : i32 to index
    %swap3A_2417 = arith.index_cast %swap3A_2415 : i32 to index
    %swap3A_2418 = memref.load %arg6[%swap3A_2416, %swap3A_2417] : memref<9x16xf32, #tpu.memory_space<smem>>
    memref.store %add3A_2414, %arg6[%swap3A_2416, %swap3A_2417] : memref<9x16xf32, #tpu.memory_space<smem>>
    %get3A_2419 = arith.constant 11 : i32
    %get3A_2420 = arith.index_cast %add3A_61 : i32 to index
    %get3A_2421 = arith.index_cast %get3A_2419 : i32 to index
    %get3A_2422 = memref.load %arg6[%get3A_2420, %get3A_2421] : memref<9x16xf32, #tpu.memory_space<smem>>
    %get3A_2423 = arith.constant 11 : i32
    %get3A_2424 = arith.constant 4 : i32
    %get3A_2425 = arith.index_cast %get3A_2423 : i32 to index
    %get3A_2426 = arith.index_cast %get3A_2424 : i32 to index
    %get3A_2427 = memref.load %arg4[%get3A_2425, %get3A_2426] : memref<15x9xf32, #tpu.memory_space<smem>>
    %add3A_2428 = arith.addf %get3A_2422, %get3A_2427 : f32
    %swap3A_2429 = arith.constant 11 : i32
    %swap3A_2430 = arith.index_cast %add3A_61 : i32 to index
    %swap3A_2431 = arith.index_cast %swap3A_2429 : i32 to index
    %swap3A_2432 = memref.load %arg6[%swap3A_2430, %swap3A_2431] : memref<9x16xf32, #tpu.memory_space<smem>>
    memref.store %add3A_2428, %arg6[%swap3A_2430, %swap3A_2431] : memref<9x16xf32, #tpu.memory_space<smem>>
    %get3A_2433 = arith.constant 11 : i32
    %get3A_2434 = arith.index_cast %add3A_74 : i32 to index
    %get3A_2435 = arith.index_cast %get3A_2433 : i32 to index
    %get3A_2436 = memref.load %arg6[%get3A_2434, %get3A_2435] : memref<9x16xf32, #tpu.memory_space<smem>>
    %get3A_2437 = arith.constant 11 : i32
    %get3A_2438 = arith.constant 5 : i32
    %get3A_2439 = arith.index_cast %get3A_2437 : i32 to index
    %get3A_2440 = arith.index_cast %get3A_2438 : i32 to index
    %get3A_2441 = memref.load %arg4[%get3A_2439, %get3A_2440] : memref<15x9xf32, #tpu.memory_space<smem>>
    %add3A_2442 = arith.addf %get3A_2436, %get3A_2441 : f32
    %swap3A_2443 = arith.constant 11 : i32
    %swap3A_2444 = arith.index_cast %add3A_74 : i32 to index
    %swap3A_2445 = arith.index_cast %swap3A_2443 : i32 to index
    %swap3A_2446 = memref.load %arg6[%swap3A_2444, %swap3A_2445] : memref<9x16xf32, #tpu.memory_space<smem>>
    memref.store %add3A_2442, %arg6[%swap3A_2444, %swap3A_2445] : memref<9x16xf32, #tpu.memory_space<smem>>
    %get3A_2447 = arith.constant 11 : i32
    %get3A_2448 = arith.index_cast %add3A_87 : i32 to index
    %get3A_2449 = arith.index_cast %get3A_2447 : i32 to index
    %get3A_2450 = memref.load %arg6[%get3A_2448, %get3A_2449] : memref<9x16xf32, #tpu.memory_space<smem>>
    %get3A_2451 = arith.constant 11 : i32
    %get3A_2452 = arith.constant 6 : i32
    %get3A_2453 = arith.index_cast %get3A_2451 : i32 to index
    %get3A_2454 = arith.index_cast %get3A_2452 : i32 to index
    %get3A_2455 = memref.load %arg4[%get3A_2453, %get3A_2454] : memref<15x9xf32, #tpu.memory_space<smem>>
    %add3A_2456 = arith.addf %get3A_2450, %get3A_2455 : f32
    %swap3A_2457 = arith.constant 11 : i32
    %swap3A_2458 = arith.index_cast %add3A_87 : i32 to index
    %swap3A_2459 = arith.index_cast %swap3A_2457 : i32 to index
    %swap3A_2460 = memref.load %arg6[%swap3A_2458, %swap3A_2459] : memref<9x16xf32, #tpu.memory_space<smem>>
    memref.store %add3A_2456, %arg6[%swap3A_2458, %swap3A_2459] : memref<9x16xf32, #tpu.memory_space<smem>>
    %get3A_2461 = arith.constant 11 : i32
    %get3A_2462 = arith.index_cast %add3A_100 : i32 to index
    %get3A_2463 = arith.index_cast %get3A_2461 : i32 to index
    %get3A_2464 = memref.load %arg6[%get3A_2462, %get3A_2463] : memref<9x16xf32, #tpu.memory_space<smem>>
    %get3A_2465 = arith.constant 11 : i32
    %get3A_2466 = arith.constant 7 : i32
    %get3A_2467 = arith.index_cast %get3A_2465 : i32 to index
    %get3A_2468 = arith.index_cast %get3A_2466 : i32 to index
    %get3A_2469 = memref.load %arg4[%get3A_2467, %get3A_2468] : memref<15x9xf32, #tpu.memory_space<smem>>
    %add3A_2470 = arith.addf %get3A_2464, %get3A_2469 : f32
    %swap3A_2471 = arith.constant 11 : i32
    %swap3A_2472 = arith.index_cast %add3A_100 : i32 to index
    %swap3A_2473 = arith.index_cast %swap3A_2471 : i32 to index
    %swap3A_2474 = memref.load %arg6[%swap3A_2472, %swap3A_2473] : memref<9x16xf32, #tpu.memory_space<smem>>
    memref.store %add3A_2470, %arg6[%swap3A_2472, %swap3A_2473] : memref<9x16xf32, #tpu.memory_space<smem>>
    %get3A_2475 = arith.constant 11 : i32
    %get3A_2476 = arith.index_cast %add3A_113 : i32 to index
    %get3A_2477 = arith.index_cast %get3A_2475 : i32 to index
    %get3A_2478 = memref.load %arg6[%get3A_2476, %get3A_2477] : memref<9x16xf32, #tpu.memory_space<smem>>
    %get3A_2479 = arith.constant 11 : i32
    %get3A_2480 = arith.constant 8 : i32
    %get3A_2481 = arith.index_cast %get3A_2479 : i32 to index
    %get3A_2482 = arith.index_cast %get3A_2480 : i32 to index
    %get3A_2483 = memref.load %arg4[%get3A_2481, %get3A_2482] : memref<15x9xf32, #tpu.memory_space<smem>>
    %add3A_2484 = arith.addf %get3A_2478, %get3A_2483 : f32
    %swap3A_2485 = arith.constant 11 : i32
    %swap3A_2486 = arith.index_cast %add3A_113 : i32 to index
    %swap3A_2487 = arith.index_cast %swap3A_2485 : i32 to index
    %swap3A_2488 = memref.load %arg6[%swap3A_2486, %swap3A_2487] : memref<9x16xf32, #tpu.memory_space<smem>>
    memref.store %add3A_2484, %arg6[%swap3A_2486, %swap3A_2487] : memref<9x16xf32, #tpu.memory_space<smem>>
    %get3A_2489 = arith.constant 12 : i32
    %get3A_2490 = arith.index_cast %add3A : i32 to index
    %get3A_2491 = arith.index_cast %get3A_2489 : i32 to index
    %get3A_2492 = memref.load %arg6[%get3A_2490, %get3A_2491] : memref<9x16xf32, #tpu.memory_space<smem>>
    %get3A_2493 = arith.constant 12 : i32
    %get3A_2494 = arith.constant 0 : i32
    %get3A_2495 = arith.index_cast %get3A_2493 : i32 to index
    %get3A_2496 = arith.index_cast %get3A_2494 : i32 to index
    %get3A_2497 = memref.load %arg4[%get3A_2495, %get3A_2496] : memref<15x9xf32, #tpu.memory_space<smem>>
    %add3A_2498 = arith.addf %get3A_2492, %get3A_2497 : f32
    %swap3A_2499 = arith.constant 12 : i32
    %swap3A_2500 = arith.index_cast %add3A : i32 to index
    %swap3A_2501 = arith.index_cast %swap3A_2499 : i32 to index
    %swap3A_2502 = memref.load %arg6[%swap3A_2500, %swap3A_2501] : memref<9x16xf32, #tpu.memory_space<smem>>
    memref.store %add3A_2498, %arg6[%swap3A_2500, %swap3A_2501] : memref<9x16xf32, #tpu.memory_space<smem>>
    %get3A_2503 = arith.constant 12 : i32
    %get3A_2504 = arith.index_cast %add3A_22 : i32 to index
    %get3A_2505 = arith.index_cast %get3A_2503 : i32 to index
    %get3A_2506 = memref.load %arg6[%get3A_2504, %get3A_2505] : memref<9x16xf32, #tpu.memory_space<smem>>
    %get3A_2507 = arith.constant 12 : i32
    %get3A_2508 = arith.constant 1 : i32
    %get3A_2509 = arith.index_cast %get3A_2507 : i32 to index
    %get3A_2510 = arith.index_cast %get3A_2508 : i32 to index
    %get3A_2511 = memref.load %arg4[%get3A_2509, %get3A_2510] : memref<15x9xf32, #tpu.memory_space<smem>>
    %add3A_2512 = arith.addf %get3A_2506, %get3A_2511 : f32
    %swap3A_2513 = arith.constant 12 : i32
    %swap3A_2514 = arith.index_cast %add3A_22 : i32 to index
    %swap3A_2515 = arith.index_cast %swap3A_2513 : i32 to index
    %swap3A_2516 = memref.load %arg6[%swap3A_2514, %swap3A_2515] : memref<9x16xf32, #tpu.memory_space<smem>>
    memref.store %add3A_2512, %arg6[%swap3A_2514, %swap3A_2515] : memref<9x16xf32, #tpu.memory_space<smem>>
    %get3A_2517 = arith.constant 12 : i32
    %get3A_2518 = arith.index_cast %add3A_35 : i32 to index
    %get3A_2519 = arith.index_cast %get3A_2517 : i32 to index
    %get3A_2520 = memref.load %arg6[%get3A_2518, %get3A_2519] : memref<9x16xf32, #tpu.memory_space<smem>>
    %get3A_2521 = arith.constant 12 : i32
    %get3A_2522 = arith.constant 2 : i32
    %get3A_2523 = arith.index_cast %get3A_2521 : i32 to index
    %get3A_2524 = arith.index_cast %get3A_2522 : i32 to index
    %get3A_2525 = memref.load %arg4[%get3A_2523, %get3A_2524] : memref<15x9xf32, #tpu.memory_space<smem>>
    %add3A_2526 = arith.addf %get3A_2520, %get3A_2525 : f32
    %swap3A_2527 = arith.constant 12 : i32
    %swap3A_2528 = arith.index_cast %add3A_35 : i32 to index
    %swap3A_2529 = arith.index_cast %swap3A_2527 : i32 to index
    %swap3A_2530 = memref.load %arg6[%swap3A_2528, %swap3A_2529] : memref<9x16xf32, #tpu.memory_space<smem>>
    memref.store %add3A_2526, %arg6[%swap3A_2528, %swap3A_2529] : memref<9x16xf32, #tpu.memory_space<smem>>
    %get3A_2531 = arith.constant 12 : i32
    %get3A_2532 = arith.index_cast %add3A_48 : i32 to index
    %get3A_2533 = arith.index_cast %get3A_2531 : i32 to index
    %get3A_2534 = memref.load %arg6[%get3A_2532, %get3A_2533] : memref<9x16xf32, #tpu.memory_space<smem>>
    %get3A_2535 = arith.constant 12 : i32
    %get3A_2536 = arith.constant 3 : i32
    %get3A_2537 = arith.index_cast %get3A_2535 : i32 to index
    %get3A_2538 = arith.index_cast %get3A_2536 : i32 to index
    %get3A_2539 = memref.load %arg4[%get3A_2537, %get3A_2538] : memref<15x9xf32, #tpu.memory_space<smem>>
    %add3A_2540 = arith.addf %get3A_2534, %get3A_2539 : f32
    %swap3A_2541 = arith.constant 12 : i32
    %swap3A_2542 = arith.index_cast %add3A_48 : i32 to index
    %swap3A_2543 = arith.index_cast %swap3A_2541 : i32 to index
    %swap3A_2544 = memref.load %arg6[%swap3A_2542, %swap3A_2543] : memref<9x16xf32, #tpu.memory_space<smem>>
    memref.store %add3A_2540, %arg6[%swap3A_2542, %swap3A_2543] : memref<9x16xf32, #tpu.memory_space<smem>>
    %get3A_2545 = arith.constant 12 : i32
    %get3A_2546 = arith.index_cast %add3A_61 : i32 to index
    %get3A_2547 = arith.index_cast %get3A_2545 : i32 to index
    %get3A_2548 = memref.load %arg6[%get3A_2546, %get3A_2547] : memref<9x16xf32, #tpu.memory_space<smem>>
    %get3A_2549 = arith.constant 12 : i32
    %get3A_2550 = arith.constant 4 : i32
    %get3A_2551 = arith.index_cast %get3A_2549 : i32 to index
    %get3A_2552 = arith.index_cast %get3A_2550 : i32 to index
    %get3A_2553 = memref.load %arg4[%get3A_2551, %get3A_2552] : memref<15x9xf32, #tpu.memory_space<smem>>
    %add3A_2554 = arith.addf %get3A_2548, %get3A_2553 : f32
    %swap3A_2555 = arith.constant 12 : i32
    %swap3A_2556 = arith.index_cast %add3A_61 : i32 to index
    %swap3A_2557 = arith.index_cast %swap3A_2555 : i32 to index
    %swap3A_2558 = memref.load %arg6[%swap3A_2556, %swap3A_2557] : memref<9x16xf32, #tpu.memory_space<smem>>
    memref.store %add3A_2554, %arg6[%swap3A_2556, %swap3A_2557] : memref<9x16xf32, #tpu.memory_space<smem>>
    %get3A_2559 = arith.constant 12 : i32
    %get3A_2560 = arith.index_cast %add3A_74 : i32 to index
    %get3A_2561 = arith.index_cast %get3A_2559 : i32 to index
    %get3A_2562 = memref.load %arg6[%get3A_2560, %get3A_2561] : memref<9x16xf32, #tpu.memory_space<smem>>
    %get3A_2563 = arith.constant 12 : i32
    %get3A_2564 = arith.constant 5 : i32
    %get3A_2565 = arith.index_cast %get3A_2563 : i32 to index
    %get3A_2566 = arith.index_cast %get3A_2564 : i32 to index
    %get3A_2567 = memref.load %arg4[%get3A_2565, %get3A_2566] : memref<15x9xf32, #tpu.memory_space<smem>>
    %add3A_2568 = arith.addf %get3A_2562, %get3A_2567 : f32
    %swap3A_2569 = arith.constant 12 : i32
    %swap3A_2570 = arith.index_cast %add3A_74 : i32 to index
    %swap3A_2571 = arith.index_cast %swap3A_2569 : i32 to index
    %swap3A_2572 = memref.load %arg6[%swap3A_2570, %swap3A_2571] : memref<9x16xf32, #tpu.memory_space<smem>>
    memref.store %add3A_2568, %arg6[%swap3A_2570, %swap3A_2571] : memref<9x16xf32, #tpu.memory_space<smem>>
    %get3A_2573 = arith.constant 12 : i32
    %get3A_2574 = arith.index_cast %add3A_87 : i32 to index
    %get3A_2575 = arith.index_cast %get3A_2573 : i32 to index
    %get3A_2576 = memref.load %arg6[%get3A_2574, %get3A_2575] : memref<9x16xf32, #tpu.memory_space<smem>>
    %get3A_2577 = arith.constant 12 : i32
    %get3A_2578 = arith.constant 6 : i32
    %get3A_2579 = arith.index_cast %get3A_2577 : i32 to index
    %get3A_2580 = arith.index_cast %get3A_2578 : i32 to index
    %get3A_2581 = memref.load %arg4[%get3A_2579, %get3A_2580] : memref<15x9xf32, #tpu.memory_space<smem>>
    %add3A_2582 = arith.addf %get3A_2576, %get3A_2581 : f32
    %swap3A_2583 = arith.constant 12 : i32
    %swap3A_2584 = arith.index_cast %add3A_87 : i32 to index
    %swap3A_2585 = arith.index_cast %swap3A_2583 : i32 to index
    %swap3A_2586 = memref.load %arg6[%swap3A_2584, %swap3A_2585] : memref<9x16xf32, #tpu.memory_space<smem>>
    memref.store %add3A_2582, %arg6[%swap3A_2584, %swap3A_2585] : memref<9x16xf32, #tpu.memory_space<smem>>
    %get3A_2587 = arith.constant 12 : i32
    %get3A_2588 = arith.index_cast %add3A_100 : i32 to index
    %get3A_2589 = arith.index_cast %get3A_2587 : i32 to index
    %get3A_2590 = memref.load %arg6[%get3A_2588, %get3A_2589] : memref<9x16xf32, #tpu.memory_space<smem>>
    %get3A_2591 = arith.constant 12 : i32
    %get3A_2592 = arith.constant 7 : i32
    %get3A_2593 = arith.index_cast %get3A_2591 : i32 to index
    %get3A_2594 = arith.index_cast %get3A_2592 : i32 to index
    %get3A_2595 = memref.load %arg4[%get3A_2593, %get3A_2594] : memref<15x9xf32, #tpu.memory_space<smem>>
    %add3A_2596 = arith.addf %get3A_2590, %get3A_2595 : f32
    %swap3A_2597 = arith.constant 12 : i32
    %swap3A_2598 = arith.index_cast %add3A_100 : i32 to index
    %swap3A_2599 = arith.index_cast %swap3A_2597 : i32 to index
    %swap3A_2600 = memref.load %arg6[%swap3A_2598, %swap3A_2599] : memref<9x16xf32, #tpu.memory_space<smem>>
    memref.store %add3A_2596, %arg6[%swap3A_2598, %swap3A_2599] : memref<9x16xf32, #tpu.memory_space<smem>>
    %get3A_2601 = arith.constant 12 : i32
    %get3A_2602 = arith.index_cast %add3A_113 : i32 to index
    %get3A_2603 = arith.index_cast %get3A_2601 : i32 to index
    %get3A_2604 = memref.load %arg6[%get3A_2602, %get3A_2603] : memref<9x16xf32, #tpu.memory_space<smem>>
    %get3A_2605 = arith.constant 12 : i32
    %get3A_2606 = arith.constant 8 : i32
    %get3A_2607 = arith.index_cast %get3A_2605 : i32 to index
    %get3A_2608 = arith.index_cast %get3A_2606 : i32 to index
    %get3A_2609 = memref.load %arg4[%get3A_2607, %get3A_2608] : memref<15x9xf32, #tpu.memory_space<smem>>
    %add3A_2610 = arith.addf %get3A_2604, %get3A_2609 : f32
    %swap3A_2611 = arith.constant 12 : i32
    %swap3A_2612 = arith.index_cast %add3A_113 : i32 to index
    %swap3A_2613 = arith.index_cast %swap3A_2611 : i32 to index
    %swap3A_2614 = memref.load %arg6[%swap3A_2612, %swap3A_2613] : memref<9x16xf32, #tpu.memory_space<smem>>
    memref.store %add3A_2610, %arg6[%swap3A_2612, %swap3A_2613] : memref<9x16xf32, #tpu.memory_space<smem>>
    %get3A_2615 = arith.constant 13 : i32
    %get3A_2616 = arith.index_cast %add3A : i32 to index
    %get3A_2617 = arith.index_cast %get3A_2615 : i32 to index
    %get3A_2618 = memref.load %arg6[%get3A_2616, %get3A_2617] : memref<9x16xf32, #tpu.memory_space<smem>>
    %get3A_2619 = arith.constant 13 : i32
    %get3A_2620 = arith.constant 0 : i32
    %get3A_2621 = arith.index_cast %get3A_2619 : i32 to index
    %get3A_2622 = arith.index_cast %get3A_2620 : i32 to index
    %get3A_2623 = memref.load %arg4[%get3A_2621, %get3A_2622] : memref<15x9xf32, #tpu.memory_space<smem>>
    %add3A_2624 = arith.addf %get3A_2618, %get3A_2623 : f32
    %swap3A_2625 = arith.constant 13 : i32
    %swap3A_2626 = arith.index_cast %add3A : i32 to index
    %swap3A_2627 = arith.index_cast %swap3A_2625 : i32 to index
    %swap3A_2628 = memref.load %arg6[%swap3A_2626, %swap3A_2627] : memref<9x16xf32, #tpu.memory_space<smem>>
    memref.store %add3A_2624, %arg6[%swap3A_2626, %swap3A_2627] : memref<9x16xf32, #tpu.memory_space<smem>>
    %get3A_2629 = arith.constant 13 : i32
    %get3A_2630 = arith.index_cast %add3A_22 : i32 to index
    %get3A_2631 = arith.index_cast %get3A_2629 : i32 to index
    %get3A_2632 = memref.load %arg6[%get3A_2630, %get3A_2631] : memref<9x16xf32, #tpu.memory_space<smem>>
    %get3A_2633 = arith.constant 13 : i32
    %get3A_2634 = arith.constant 1 : i32
    %get3A_2635 = arith.index_cast %get3A_2633 : i32 to index
    %get3A_2636 = arith.index_cast %get3A_2634 : i32 to index
    %get3A_2637 = memref.load %arg4[%get3A_2635, %get3A_2636] : memref<15x9xf32, #tpu.memory_space<smem>>
    %add3A_2638 = arith.addf %get3A_2632, %get3A_2637 : f32
    %swap3A_2639 = arith.constant 13 : i32
    %swap3A_2640 = arith.index_cast %add3A_22 : i32 to index
    %swap3A_2641 = arith.index_cast %swap3A_2639 : i32 to index
    %swap3A_2642 = memref.load %arg6[%swap3A_2640, %swap3A_2641] : memref<9x16xf32, #tpu.memory_space<smem>>
    memref.store %add3A_2638, %arg6[%swap3A_2640, %swap3A_2641] : memref<9x16xf32, #tpu.memory_space<smem>>
    %get3A_2643 = arith.constant 13 : i32
    %get3A_2644 = arith.index_cast %add3A_35 : i32 to index
    %get3A_2645 = arith.index_cast %get3A_2643 : i32 to index
    %get3A_2646 = memref.load %arg6[%get3A_2644, %get3A_2645] : memref<9x16xf32, #tpu.memory_space<smem>>
    %get3A_2647 = arith.constant 13 : i32
    %get3A_2648 = arith.constant 2 : i32
    %get3A_2649 = arith.index_cast %get3A_2647 : i32 to index
    %get3A_2650 = arith.index_cast %get3A_2648 : i32 to index
    %get3A_2651 = memref.load %arg4[%get3A_2649, %get3A_2650] : memref<15x9xf32, #tpu.memory_space<smem>>
    %add3A_2652 = arith.addf %get3A_2646, %get3A_2651 : f32
    %swap3A_2653 = arith.constant 13 : i32
    %swap3A_2654 = arith.index_cast %add3A_35 : i32 to index
    %swap3A_2655 = arith.index_cast %swap3A_2653 : i32 to index
    %swap3A_2656 = memref.load %arg6[%swap3A_2654, %swap3A_2655] : memref<9x16xf32, #tpu.memory_space<smem>>
    memref.store %add3A_2652, %arg6[%swap3A_2654, %swap3A_2655] : memref<9x16xf32, #tpu.memory_space<smem>>
    %get3A_2657 = arith.constant 13 : i32
    %get3A_2658 = arith.index_cast %add3A_48 : i32 to index
    %get3A_2659 = arith.index_cast %get3A_2657 : i32 to index
    %get3A_2660 = memref.load %arg6[%get3A_2658, %get3A_2659] : memref<9x16xf32, #tpu.memory_space<smem>>
    %get3A_2661 = arith.constant 13 : i32
    %get3A_2662 = arith.constant 3 : i32
    %get3A_2663 = arith.index_cast %get3A_2661 : i32 to index
    %get3A_2664 = arith.index_cast %get3A_2662 : i32 to index
    %get3A_2665 = memref.load %arg4[%get3A_2663, %get3A_2664] : memref<15x9xf32, #tpu.memory_space<smem>>
    %add3A_2666 = arith.addf %get3A_2660, %get3A_2665 : f32
    %swap3A_2667 = arith.constant 13 : i32
    %swap3A_2668 = arith.index_cast %add3A_48 : i32 to index
    %swap3A_2669 = arith.index_cast %swap3A_2667 : i32 to index
    %swap3A_2670 = memref.load %arg6[%swap3A_2668, %swap3A_2669] : memref<9x16xf32, #tpu.memory_space<smem>>
    memref.store %add3A_2666, %arg6[%swap3A_2668, %swap3A_2669] : memref<9x16xf32, #tpu.memory_space<smem>>
    %get3A_2671 = arith.constant 13 : i32
    %get3A_2672 = arith.index_cast %add3A_61 : i32 to index
    %get3A_2673 = arith.index_cast %get3A_2671 : i32 to index
    %get3A_2674 = memref.load %arg6[%get3A_2672, %get3A_2673] : memref<9x16xf32, #tpu.memory_space<smem>>
    %get3A_2675 = arith.constant 13 : i32
    %get3A_2676 = arith.constant 4 : i32
    %get3A_2677 = arith.index_cast %get3A_2675 : i32 to index
    %get3A_2678 = arith.index_cast %get3A_2676 : i32 to index
    %get3A_2679 = memref.load %arg4[%get3A_2677, %get3A_2678] : memref<15x9xf32, #tpu.memory_space<smem>>
    %add3A_2680 = arith.addf %get3A_2674, %get3A_2679 : f32
    %swap3A_2681 = arith.constant 13 : i32
    %swap3A_2682 = arith.index_cast %add3A_61 : i32 to index
    %swap3A_2683 = arith.index_cast %swap3A_2681 : i32 to index
    %swap3A_2684 = memref.load %arg6[%swap3A_2682, %swap3A_2683] : memref<9x16xf32, #tpu.memory_space<smem>>
    memref.store %add3A_2680, %arg6[%swap3A_2682, %swap3A_2683] : memref<9x16xf32, #tpu.memory_space<smem>>
    %get3A_2685 = arith.constant 13 : i32
    %get3A_2686 = arith.index_cast %add3A_74 : i32 to index
    %get3A_2687 = arith.index_cast %get3A_2685 : i32 to index
    %get3A_2688 = memref.load %arg6[%get3A_2686, %get3A_2687] : memref<9x16xf32, #tpu.memory_space<smem>>
    %get3A_2689 = arith.constant 13 : i32
    %get3A_2690 = arith.constant 5 : i32
    %get3A_2691 = arith.index_cast %get3A_2689 : i32 to index
    %get3A_2692 = arith.index_cast %get3A_2690 : i32 to index
    %get3A_2693 = memref.load %arg4[%get3A_2691, %get3A_2692] : memref<15x9xf32, #tpu.memory_space<smem>>
    %add3A_2694 = arith.addf %get3A_2688, %get3A_2693 : f32
    %swap3A_2695 = arith.constant 13 : i32
    %swap3A_2696 = arith.index_cast %add3A_74 : i32 to index
    %swap3A_2697 = arith.index_cast %swap3A_2695 : i32 to index
    %swap3A_2698 = memref.load %arg6[%swap3A_2696, %swap3A_2697] : memref<9x16xf32, #tpu.memory_space<smem>>
    memref.store %add3A_2694, %arg6[%swap3A_2696, %swap3A_2697] : memref<9x16xf32, #tpu.memory_space<smem>>
    %get3A_2699 = arith.constant 13 : i32
    %get3A_2700 = arith.index_cast %add3A_87 : i32 to index
    %get3A_2701 = arith.index_cast %get3A_2699 : i32 to index
    %get3A_2702 = memref.load %arg6[%get3A_2700, %get3A_2701] : memref<9x16xf32, #tpu.memory_space<smem>>
    %get3A_2703 = arith.constant 13 : i32
    %get3A_2704 = arith.constant 6 : i32
    %get3A_2705 = arith.index_cast %get3A_2703 : i32 to index
    %get3A_2706 = arith.index_cast %get3A_2704 : i32 to index
    %get3A_2707 = memref.load %arg4[%get3A_2705, %get3A_2706] : memref<15x9xf32, #tpu.memory_space<smem>>
    %add3A_2708 = arith.addf %get3A_2702, %get3A_2707 : f32
    %swap3A_2709 = arith.constant 13 : i32
    %swap3A_2710 = arith.index_cast %add3A_87 : i32 to index
    %swap3A_2711 = arith.index_cast %swap3A_2709 : i32 to index
    %swap3A_2712 = memref.load %arg6[%swap3A_2710, %swap3A_2711] : memref<9x16xf32, #tpu.memory_space<smem>>
    memref.store %add3A_2708, %arg6[%swap3A_2710, %swap3A_2711] : memref<9x16xf32, #tpu.memory_space<smem>>
    %get3A_2713 = arith.constant 13 : i32
    %get3A_2714 = arith.index_cast %add3A_100 : i32 to index
    %get3A_2715 = arith.index_cast %get3A_2713 : i32 to index
    %get3A_2716 = memref.load %arg6[%get3A_2714, %get3A_2715] : memref<9x16xf32, #tpu.memory_space<smem>>
    %get3A_2717 = arith.constant 13 : i32
    %get3A_2718 = arith.constant 7 : i32
    %get3A_2719 = arith.index_cast %get3A_2717 : i32 to index
    %get3A_2720 = arith.index_cast %get3A_2718 : i32 to index
    %get3A_2721 = memref.load %arg4[%get3A_2719, %get3A_2720] : memref<15x9xf32, #tpu.memory_space<smem>>
    %add3A_2722 = arith.addf %get3A_2716, %get3A_2721 : f32
    %swap3A_2723 = arith.constant 13 : i32
    %swap3A_2724 = arith.index_cast %add3A_100 : i32 to index
    %swap3A_2725 = arith.index_cast %swap3A_2723 : i32 to index
    %swap3A_2726 = memref.load %arg6[%swap3A_2724, %swap3A_2725] : memref<9x16xf32, #tpu.memory_space<smem>>
    memref.store %add3A_2722, %arg6[%swap3A_2724, %swap3A_2725] : memref<9x16xf32, #tpu.memory_space<smem>>
    %get3A_2727 = arith.constant 13 : i32
    %get3A_2728 = arith.index_cast %add3A_113 : i32 to index
    %get3A_2729 = arith.index_cast %get3A_2727 : i32 to index
    %get3A_2730 = memref.load %arg6[%get3A_2728, %get3A_2729] : memref<9x16xf32, #tpu.memory_space<smem>>
    %get3A_2731 = arith.constant 13 : i32
    %get3A_2732 = arith.constant 8 : i32
    %get3A_2733 = arith.index_cast %get3A_2731 : i32 to index
    %get3A_2734 = arith.index_cast %get3A_2732 : i32 to index
    %get3A_2735 = memref.load %arg4[%get3A_2733, %get3A_2734] : memref<15x9xf32, #tpu.memory_space<smem>>
    %add3A_2736 = arith.addf %get3A_2730, %get3A_2735 : f32
    %swap3A_2737 = arith.constant 13 : i32
    %swap3A_2738 = arith.index_cast %add3A_113 : i32 to index
    %swap3A_2739 = arith.index_cast %swap3A_2737 : i32 to index
    %swap3A_2740 = memref.load %arg6[%swap3A_2738, %swap3A_2739] : memref<9x16xf32, #tpu.memory_space<smem>>
    memref.store %add3A_2736, %arg6[%swap3A_2738, %swap3A_2739] : memref<9x16xf32, #tpu.memory_space<smem>>
    %get3A_2741 = arith.constant 14 : i32
    %get3A_2742 = arith.index_cast %add3A : i32 to index
    %get3A_2743 = arith.index_cast %get3A_2741 : i32 to index
    %get3A_2744 = memref.load %arg6[%get3A_2742, %get3A_2743] : memref<9x16xf32, #tpu.memory_space<smem>>
    %get3A_2745 = arith.constant 14 : i32
    %get3A_2746 = arith.constant 0 : i32
    %get3A_2747 = arith.index_cast %get3A_2745 : i32 to index
    %get3A_2748 = arith.index_cast %get3A_2746 : i32 to index
    %get3A_2749 = memref.load %arg4[%get3A_2747, %get3A_2748] : memref<15x9xf32, #tpu.memory_space<smem>>
    %add3A_2750 = arith.addf %get3A_2744, %get3A_2749 : f32
    %swap3A_2751 = arith.constant 14 : i32
    %swap3A_2752 = arith.index_cast %add3A : i32 to index
    %swap3A_2753 = arith.index_cast %swap3A_2751 : i32 to index
    %swap3A_2754 = memref.load %arg6[%swap3A_2752, %swap3A_2753] : memref<9x16xf32, #tpu.memory_space<smem>>
    memref.store %add3A_2750, %arg6[%swap3A_2752, %swap3A_2753] : memref<9x16xf32, #tpu.memory_space<smem>>
    %get3A_2755 = arith.constant 14 : i32
    %get3A_2756 = arith.index_cast %add3A_22 : i32 to index
    %get3A_2757 = arith.index_cast %get3A_2755 : i32 to index
    %get3A_2758 = memref.load %arg6[%get3A_2756, %get3A_2757] : memref<9x16xf32, #tpu.memory_space<smem>>
    %get3A_2759 = arith.constant 14 : i32
    %get3A_2760 = arith.constant 1 : i32
    %get3A_2761 = arith.index_cast %get3A_2759 : i32 to index
    %get3A_2762 = arith.index_cast %get3A_2760 : i32 to index
    %get3A_2763 = memref.load %arg4[%get3A_2761, %get3A_2762] : memref<15x9xf32, #tpu.memory_space<smem>>
    %add3A_2764 = arith.addf %get3A_2758, %get3A_2763 : f32
    %swap3A_2765 = arith.constant 14 : i32
    %swap3A_2766 = arith.index_cast %add3A_22 : i32 to index
    %swap3A_2767 = arith.index_cast %swap3A_2765 : i32 to index
    %swap3A_2768 = memref.load %arg6[%swap3A_2766, %swap3A_2767] : memref<9x16xf32, #tpu.memory_space<smem>>
    memref.store %add3A_2764, %arg6[%swap3A_2766, %swap3A_2767] : memref<9x16xf32, #tpu.memory_space<smem>>
    %get3A_2769 = arith.constant 14 : i32
    %get3A_2770 = arith.index_cast %add3A_35 : i32 to index
    %get3A_2771 = arith.index_cast %get3A_2769 : i32 to index
    %get3A_2772 = memref.load %arg6[%get3A_2770, %get3A_2771] : memref<9x16xf32, #tpu.memory_space<smem>>
    %get3A_2773 = arith.constant 14 : i32
    %get3A_2774 = arith.constant 2 : i32
    %get3A_2775 = arith.index_cast %get3A_2773 : i32 to index
    %get3A_2776 = arith.index_cast %get3A_2774 : i32 to index
    %get3A_2777 = memref.load %arg4[%get3A_2775, %get3A_2776] : memref<15x9xf32, #tpu.memory_space<smem>>
    %add3A_2778 = arith.addf %get3A_2772, %get3A_2777 : f32
    %swap3A_2779 = arith.constant 14 : i32
    %swap3A_2780 = arith.index_cast %add3A_35 : i32 to index
    %swap3A_2781 = arith.index_cast %swap3A_2779 : i32 to index
    %swap3A_2782 = memref.load %arg6[%swap3A_2780, %swap3A_2781] : memref<9x16xf32, #tpu.memory_space<smem>>
    memref.store %add3A_2778, %arg6[%swap3A_2780, %swap3A_2781] : memref<9x16xf32, #tpu.memory_space<smem>>
    %get3A_2783 = arith.constant 14 : i32
    %get3A_2784 = arith.index_cast %add3A_48 : i32 to index
    %get3A_2785 = arith.index_cast %get3A_2783 : i32 to index
    %get3A_2786 = memref.load %arg6[%get3A_2784, %get3A_2785] : memref<9x16xf32, #tpu.memory_space<smem>>
    %get3A_2787 = arith.constant 14 : i32
    %get3A_2788 = arith.constant 3 : i32
    %get3A_2789 = arith.index_cast %get3A_2787 : i32 to index
    %get3A_2790 = arith.index_cast %get3A_2788 : i32 to index
    %get3A_2791 = memref.load %arg4[%get3A_2789, %get3A_2790] : memref<15x9xf32, #tpu.memory_space<smem>>
    %add3A_2792 = arith.addf %get3A_2786, %get3A_2791 : f32
    %swap3A_2793 = arith.constant 14 : i32
    %swap3A_2794 = arith.index_cast %add3A_48 : i32 to index
    %swap3A_2795 = arith.index_cast %swap3A_2793 : i32 to index
    %swap3A_2796 = memref.load %arg6[%swap3A_2794, %swap3A_2795] : memref<9x16xf32, #tpu.memory_space<smem>>
    memref.store %add3A_2792, %arg6[%swap3A_2794, %swap3A_2795] : memref<9x16xf32, #tpu.memory_space<smem>>
    %get3A_2797 = arith.constant 14 : i32
    %get3A_2798 = arith.index_cast %add3A_61 : i32 to index
    %get3A_2799 = arith.index_cast %get3A_2797 : i32 to index
    %get3A_2800 = memref.load %arg6[%get3A_2798, %get3A_2799] : memref<9x16xf32, #tpu.memory_space<smem>>
    %get3A_2801 = arith.constant 14 : i32
    %get3A_2802 = arith.constant 4 : i32
    %get3A_2803 = arith.index_cast %get3A_2801 : i32 to index
    %get3A_2804 = arith.index_cast %get3A_2802 : i32 to index
    %get3A_2805 = memref.load %arg4[%get3A_2803, %get3A_2804] : memref<15x9xf32, #tpu.memory_space<smem>>
    %add3A_2806 = arith.addf %get3A_2800, %get3A_2805 : f32
    %swap3A_2807 = arith.constant 14 : i32
    %swap3A_2808 = arith.index_cast %add3A_61 : i32 to index
    %swap3A_2809 = arith.index_cast %swap3A_2807 : i32 to index
    %swap3A_2810 = memref.load %arg6[%swap3A_2808, %swap3A_2809] : memref<9x16xf32, #tpu.memory_space<smem>>
    memref.store %add3A_2806, %arg6[%swap3A_2808, %swap3A_2809] : memref<9x16xf32, #tpu.memory_space<smem>>
    %get3A_2811 = arith.constant 14 : i32
    %get3A_2812 = arith.index_cast %add3A_74 : i32 to index
    %get3A_2813 = arith.index_cast %get3A_2811 : i32 to index
    %get3A_2814 = memref.load %arg6[%get3A_2812, %get3A_2813] : memref<9x16xf32, #tpu.memory_space<smem>>
    %get3A_2815 = arith.constant 14 : i32
    %get3A_2816 = arith.constant 5 : i32
    %get3A_2817 = arith.index_cast %get3A_2815 : i32 to index
    %get3A_2818 = arith.index_cast %get3A_2816 : i32 to index
    %get3A_2819 = memref.load %arg4[%get3A_2817, %get3A_2818] : memref<15x9xf32, #tpu.memory_space<smem>>
    %add3A_2820 = arith.addf %get3A_2814, %get3A_2819 : f32
    %swap3A_2821 = arith.constant 14 : i32
    %swap3A_2822 = arith.index_cast %add3A_74 : i32 to index
    %swap3A_2823 = arith.index_cast %swap3A_2821 : i32 to index
    %swap3A_2824 = memref.load %arg6[%swap3A_2822, %swap3A_2823] : memref<9x16xf32, #tpu.memory_space<smem>>
    memref.store %add3A_2820, %arg6[%swap3A_2822, %swap3A_2823] : memref<9x16xf32, #tpu.memory_space<smem>>
    %get3A_2825 = arith.constant 14 : i32
    %get3A_2826 = arith.index_cast %add3A_87 : i32 to index
    %get3A_2827 = arith.index_cast %get3A_2825 : i32 to index
    %get3A_2828 = memref.load %arg6[%get3A_2826, %get3A_2827] : memref<9x16xf32, #tpu.memory_space<smem>>
    %get3A_2829 = arith.constant 14 : i32
    %get3A_2830 = arith.constant 6 : i32
    %get3A_2831 = arith.index_cast %get3A_2829 : i32 to index
    %get3A_2832 = arith.index_cast %get3A_2830 : i32 to index
    %get3A_2833 = memref.load %arg4[%get3A_2831, %get3A_2832] : memref<15x9xf32, #tpu.memory_space<smem>>
    %add3A_2834 = arith.addf %get3A_2828, %get3A_2833 : f32
    %swap3A_2835 = arith.constant 14 : i32
    %swap3A_2836 = arith.index_cast %add3A_87 : i32 to index
    %swap3A_2837 = arith.index_cast %swap3A_2835 : i32 to index
    %swap3A_2838 = memref.load %arg6[%swap3A_2836, %swap3A_2837] : memref<9x16xf32, #tpu.memory_space<smem>>
    memref.store %add3A_2834, %arg6[%swap3A_2836, %swap3A_2837] : memref<9x16xf32, #tpu.memory_space<smem>>
    %get3A_2839 = arith.constant 14 : i32
    %get3A_2840 = arith.index_cast %add3A_100 : i32 to index
    %get3A_2841 = arith.index_cast %get3A_2839 : i32 to index
    %get3A_2842 = memref.load %arg6[%get3A_2840, %get3A_2841] : memref<9x16xf32, #tpu.memory_space<smem>>
    %get3A_2843 = arith.constant 14 : i32
    %get3A_2844 = arith.constant 7 : i32
    %get3A_2845 = arith.index_cast %get3A_2843 : i32 to index
    %get3A_2846 = arith.index_cast %get3A_2844 : i32 to index
    %get3A_2847 = memref.load %arg4[%get3A_2845, %get3A_2846] : memref<15x9xf32, #tpu.memory_space<smem>>
    %add3A_2848 = arith.addf %get3A_2842, %get3A_2847 : f32
    %swap3A_2849 = arith.constant 14 : i32
    %swap3A_2850 = arith.index_cast %add3A_100 : i32 to index
    %swap3A_2851 = arith.index_cast %swap3A_2849 : i32 to index
    %swap3A_2852 = memref.load %arg6[%swap3A_2850, %swap3A_2851] : memref<9x16xf32, #tpu.memory_space<smem>>
    memref.store %add3A_2848, %arg6[%swap3A_2850, %swap3A_2851] : memref<9x16xf32, #tpu.memory_space<smem>>
    %get3A_2853 = arith.constant 14 : i32
    %get3A_2854 = arith.index_cast %add3A_113 : i32 to index
    %get3A_2855 = arith.index_cast %get3A_2853 : i32 to index
    %get3A_2856 = memref.load %arg6[%get3A_2854, %get3A_2855] : memref<9x16xf32, #tpu.memory_space<smem>>
    %get3A_2857 = arith.constant 14 : i32
    %get3A_2858 = arith.constant 8 : i32
    %get3A_2859 = arith.index_cast %get3A_2857 : i32 to index
    %get3A_2860 = arith.index_cast %get3A_2858 : i32 to index
    %get3A_2861 = memref.load %arg4[%get3A_2859, %get3A_2860] : memref<15x9xf32, #tpu.memory_space<smem>>
    %add3A_2862 = arith.addf %get3A_2856, %get3A_2861 : f32
    %swap3A_2863 = arith.constant 14 : i32
    %swap3A_2864 = arith.index_cast %add3A_113 : i32 to index
    %swap3A_2865 = arith.index_cast %swap3A_2863 : i32 to index
    %swap3A_2866 = memref.load %arg6[%swap3A_2864, %swap3A_2865] : memref<9x16xf32, #tpu.memory_space<smem>>
    memref.store %add3A_2862, %arg6[%swap3A_2864, %swap3A_2865] : memref<9x16xf32, #tpu.memory_space<smem>>
    "tpu.region"() ({
      %run_scoped3A = tpu.sem_alloc : memref<!tpu.dma_semaphore, #tpu.memory_space<semaphore_mem>>
      tpu.enqueue_dma source(%arg6 : memref<9x16xf32, #tpu.memory_space<smem>>) target(%arg3 : memref<9x16xf32, #tpu.memory_space<hbm>>) target_semaphore(%run_scoped3A : memref<!tpu.dma_semaphore, #tpu.memory_space<semaphore_mem>>)
      tpu.wait_dma2 semaphore(%run_scoped3A : memref<!tpu.dma_semaphore, #tpu.memory_space<semaphore_mem>>) src(%arg6 : memref<9x16xf32, #tpu.memory_space<smem>>) dst(%arg3 : memref<9x16xf32, #tpu.memory_space<hbm>>)
      tpu.yield
    }) : () -> ()
    return
  }
}

module attributes {stable_mosaic.version = 14 : i64} {
  func.func @_tc_body(%arg0: memref<15x3x512xf32, #tpu.memory_space<vmem>>, %arg1: memref<512x32xf32, #tpu.memory_space<vmem>>, %arg2: memref<512x32xf32, #tpu.memory_space<vmem>>, %arg3: memref<64x32xf32, #tpu.memory_space<vmem>>, %arg4: memref<64x32xf32, #tpu.memory_space<vmem>>, %arg5: memref<1x32xf32, #tpu.memory_space<vmem>>, %arg6: memref<1x32xf32, #tpu.memory_space<vmem>>, %arg7: memref<1x32xf32, #tpu.memory_space<vmem>>, %arg8: memref<1x32xf32, #tpu.memory_space<vmem>>, %arg9: memref<9x16xf32, #tpu.memory_space<vmem>>, %arg10: memref<96x2xf32, #tpu.memory_space<vmem>>, %arg11: memref<1x2xf32, #tpu.memory_space<vmem>>, %arg12: memref<1x2xf32, #tpu.memory_space<vmem>>) attributes {dimension_semantics = [], scalar_prefetch = 0 : i64, scratch_operands = 0 : i64, tpu.core_type = #tpu.core_type<tc>} {
    %get3A = arith.constant 0 : index
    %get3A_0 = arith.constant 0 : index
    %get3A_1 = arith.constant 0 : index
    %get3A_2 = vector.load %arg0[%get3A, %get3A_0, %get3A_1] : memref<15x3x512xf32, #tpu.memory_space<vmem>>, vector<15x3x512xf32>
    %transpose3A = tpu.transpose %get3A_2, [1, 0, 2] : vector<15x3x512xf32> -> vector<3x15x512xf32>
    %reshape3A = vector.shape_cast %transpose3A : vector<3x15x512xf32> to vector<45x512xf32>
    %get3A_3 = arith.constant 0 : index
    %get3A_4 = arith.constant 0 : index
    %get3A_5 = vector.load %arg1[%get3A_3, %get3A_4] : memref<512x32xf32, #tpu.memory_space<vmem>>, vector<512x32xf32>
    %get3A_6 = arith.constant 0 : index
    %get3A_7 = arith.constant 0 : index
    %get3A_8 = vector.load %arg2[%get3A_6, %get3A_7] : memref<512x32xf32, #tpu.memory_space<vmem>>, vector<512x32xf32>
    %concatenate3A = tpu.concatenate %get3A_5, %get3A_8 in 1 : vector<512x32xf32>, vector<512x32xf32> -> vector<512x64xf32>
    %dot_general3A = arith.constant dense<0.000000e+00> : vector<45x64xf32>
    %dot_general3A_9 = tpu.matmul %reshape3A, %concatenate3A, %dot_general3A {dimension_numbers = #tpu.dot_dimension_numbers<[1], [0], [0], [1], [0, 0, 1, 1], [], []>, transpose_lhs_hint = false} : vector<45x512xf32>, vector<512x64xf32>, vector<45x64xf32> -> vector<45x64xf32>
    %get3A_10 = arith.constant 0 : index
    %get3A_11 = arith.constant 0 : index
    %get3A_12 = vector.load %arg9[%get3A_10, %get3A_11] : memref<9x16xf32, #tpu.memory_space<vmem>>, vector<9x16xf32>
    %slice3A = vector.extract_strided_slice %get3A_12 {offsets = [0, 0], sizes = [1, 16], strides = [1, 1]} : vector<9x16xf32> to vector<1x16xf32>
    %slice3A_13 = vector.extract_strided_slice %get3A_12 {offsets = [1, 0], sizes = [1, 16], strides = [1, 1]} : vector<9x16xf32> to vector<1x16xf32>
    %add3A = arith.addf %slice3A, %slice3A_13 : vector<1x16xf32>
    %slice3A_14 = vector.extract_strided_slice %get3A_12 {offsets = [2, 0], sizes = [1, 16], strides = [1, 1]} : vector<9x16xf32> to vector<1x16xf32>
    %add3A_15 = arith.addf %add3A, %slice3A_14 : vector<1x16xf32>
    %slice3A_16 = vector.extract_strided_slice %get3A_12 {offsets = [3, 0], sizes = [1, 16], strides = [1, 1]} : vector<9x16xf32> to vector<1x16xf32>
    %slice3A_17 = vector.extract_strided_slice %get3A_12 {offsets = [4, 0], sizes = [1, 16], strides = [1, 1]} : vector<9x16xf32> to vector<1x16xf32>
    %add3A_18 = arith.addf %slice3A_16, %slice3A_17 : vector<1x16xf32>
    %slice3A_19 = vector.extract_strided_slice %get3A_12 {offsets = [5, 0], sizes = [1, 16], strides = [1, 1]} : vector<9x16xf32> to vector<1x16xf32>
    %add3A_20 = arith.addf %add3A_18, %slice3A_19 : vector<1x16xf32>
    %slice3A_21 = vector.extract_strided_slice %get3A_12 {offsets = [6, 0], sizes = [1, 16], strides = [1, 1]} : vector<9x16xf32> to vector<1x16xf32>
    %slice3A_22 = vector.extract_strided_slice %get3A_12 {offsets = [7, 0], sizes = [1, 16], strides = [1, 1]} : vector<9x16xf32> to vector<1x16xf32>
    %add3A_23 = arith.addf %slice3A_21, %slice3A_22 : vector<1x16xf32>
    %slice3A_24 = vector.extract_strided_slice %get3A_12 {offsets = [8, 0], sizes = [1, 16], strides = [1, 1]} : vector<9x16xf32> to vector<1x16xf32>
    %add3A_25 = arith.addf %add3A_23, %slice3A_24 : vector<1x16xf32>
    %concatenate3A_26 = tpu.concatenate %add3A_15, %add3A_20, %add3A_25 in 0 : vector<1x16xf32>, vector<1x16xf32>, vector<1x16xf32> -> vector<3x16xf32>
    %add3A_27 = arith.constant 1.000000e+00 : f32
    %add3A_28 = vector.broadcast %add3A_27 : f32 to vector<3x16xf32>
    %add3A_29 = arith.addf %concatenate3A_26, %add3A_28 : vector<3x16xf32>
    %rsqrt3A = math.rsqrt %add3A_29 : vector<3x16xf32>
    %slice3A_30 = vector.extract_strided_slice %rsqrt3A {offsets = [0, 0], sizes = [1, 16], strides = [1, 1]} : vector<3x16xf32> to vector<1x16xf32>
    %slice3A_31 = vector.extract_strided_slice %rsqrt3A {offsets = [0, 0], sizes = [1, 16], strides = [1, 1]} : vector<3x16xf32> to vector<1x16xf32>
    %mul3A = arith.mulf %slice3A_30, %slice3A_31 : vector<1x16xf32>
    %slice3A_32 = vector.extract_strided_slice %get3A_12 {offsets = [0, 0], sizes = [1, 16], strides = [1, 1]} : vector<9x16xf32> to vector<1x16xf32>
    %mul3A_33 = arith.mulf %mul3A, %slice3A_32 : vector<1x16xf32>
    %slice3A_34 = vector.extract_strided_slice %rsqrt3A {offsets = [0, 0], sizes = [1, 16], strides = [1, 1]} : vector<3x16xf32> to vector<1x16xf32>
    %slice3A_35 = vector.extract_strided_slice %rsqrt3A {offsets = [0, 0], sizes = [1, 16], strides = [1, 1]} : vector<3x16xf32> to vector<1x16xf32>
    %mul3A_36 = arith.mulf %slice3A_34, %slice3A_35 : vector<1x16xf32>
    %add3A_37 = arith.addf %mul3A_33, %mul3A_36 : vector<1x16xf32>
    %slice3A_38 = vector.extract_strided_slice %rsqrt3A {offsets = [0, 0], sizes = [1, 16], strides = [1, 1]} : vector<3x16xf32> to vector<1x16xf32>
    %slice3A_39 = vector.extract_strided_slice %rsqrt3A {offsets = [1, 0], sizes = [1, 16], strides = [1, 1]} : vector<3x16xf32> to vector<1x16xf32>
    %mul3A_40 = arith.mulf %slice3A_38, %slice3A_39 : vector<1x16xf32>
    %slice3A_41 = vector.extract_strided_slice %get3A_12 {offsets = [1, 0], sizes = [1, 16], strides = [1, 1]} : vector<9x16xf32> to vector<1x16xf32>
    %mul3A_42 = arith.mulf %mul3A_40, %slice3A_41 : vector<1x16xf32>
    %slice3A_43 = vector.extract_strided_slice %rsqrt3A {offsets = [0, 0], sizes = [1, 16], strides = [1, 1]} : vector<3x16xf32> to vector<1x16xf32>
    %slice3A_44 = vector.extract_strided_slice %rsqrt3A {offsets = [2, 0], sizes = [1, 16], strides = [1, 1]} : vector<3x16xf32> to vector<1x16xf32>
    %mul3A_45 = arith.mulf %slice3A_43, %slice3A_44 : vector<1x16xf32>
    %slice3A_46 = vector.extract_strided_slice %get3A_12 {offsets = [2, 0], sizes = [1, 16], strides = [1, 1]} : vector<9x16xf32> to vector<1x16xf32>
    %mul3A_47 = arith.mulf %mul3A_45, %slice3A_46 : vector<1x16xf32>
    %slice3A_48 = vector.extract_strided_slice %rsqrt3A {offsets = [1, 0], sizes = [1, 16], strides = [1, 1]} : vector<3x16xf32> to vector<1x16xf32>
    %slice3A_49 = vector.extract_strided_slice %rsqrt3A {offsets = [0, 0], sizes = [1, 16], strides = [1, 1]} : vector<3x16xf32> to vector<1x16xf32>
    %mul3A_50 = arith.mulf %slice3A_48, %slice3A_49 : vector<1x16xf32>
    %slice3A_51 = vector.extract_strided_slice %get3A_12 {offsets = [3, 0], sizes = [1, 16], strides = [1, 1]} : vector<9x16xf32> to vector<1x16xf32>
    %mul3A_52 = arith.mulf %mul3A_50, %slice3A_51 : vector<1x16xf32>
    %slice3A_53 = vector.extract_strided_slice %rsqrt3A {offsets = [1, 0], sizes = [1, 16], strides = [1, 1]} : vector<3x16xf32> to vector<1x16xf32>
    %slice3A_54 = vector.extract_strided_slice %rsqrt3A {offsets = [1, 0], sizes = [1, 16], strides = [1, 1]} : vector<3x16xf32> to vector<1x16xf32>
    %mul3A_55 = arith.mulf %slice3A_53, %slice3A_54 : vector<1x16xf32>
    %slice3A_56 = vector.extract_strided_slice %get3A_12 {offsets = [4, 0], sizes = [1, 16], strides = [1, 1]} : vector<9x16xf32> to vector<1x16xf32>
    %mul3A_57 = arith.mulf %mul3A_55, %slice3A_56 : vector<1x16xf32>
    %slice3A_58 = vector.extract_strided_slice %rsqrt3A {offsets = [1, 0], sizes = [1, 16], strides = [1, 1]} : vector<3x16xf32> to vector<1x16xf32>
    %slice3A_59 = vector.extract_strided_slice %rsqrt3A {offsets = [1, 0], sizes = [1, 16], strides = [1, 1]} : vector<3x16xf32> to vector<1x16xf32>
    %mul3A_60 = arith.mulf %slice3A_58, %slice3A_59 : vector<1x16xf32>
    %add3A_61 = arith.addf %mul3A_57, %mul3A_60 : vector<1x16xf32>
    %slice3A_62 = vector.extract_strided_slice %rsqrt3A {offsets = [1, 0], sizes = [1, 16], strides = [1, 1]} : vector<3x16xf32> to vector<1x16xf32>
    %slice3A_63 = vector.extract_strided_slice %rsqrt3A {offsets = [2, 0], sizes = [1, 16], strides = [1, 1]} : vector<3x16xf32> to vector<1x16xf32>
    %mul3A_64 = arith.mulf %slice3A_62, %slice3A_63 : vector<1x16xf32>
    %slice3A_65 = vector.extract_strided_slice %get3A_12 {offsets = [5, 0], sizes = [1, 16], strides = [1, 1]} : vector<9x16xf32> to vector<1x16xf32>
    %mul3A_66 = arith.mulf %mul3A_64, %slice3A_65 : vector<1x16xf32>
    %slice3A_67 = vector.extract_strided_slice %rsqrt3A {offsets = [2, 0], sizes = [1, 16], strides = [1, 1]} : vector<3x16xf32> to vector<1x16xf32>
    %slice3A_68 = vector.extract_strided_slice %rsqrt3A {offsets = [0, 0], sizes = [1, 16], strides = [1, 1]} : vector<3x16xf32> to vector<1x16xf32>
    %mul3A_69 = arith.mulf %slice3A_67, %slice3A_68 : vector<1x16xf32>
    %slice3A_70 = vector.extract_strided_slice %get3A_12 {offsets = [6, 0], sizes = [1, 16], strides = [1, 1]} : vector<9x16xf32> to vector<1x16xf32>
    %mul3A_71 = arith.mulf %mul3A_69, %slice3A_70 : vector<1x16xf32>
    %slice3A_72 = vector.extract_strided_slice %rsqrt3A {offsets = [2, 0], sizes = [1, 16], strides = [1, 1]} : vector<3x16xf32> to vector<1x16xf32>
    %slice3A_73 = vector.extract_strided_slice %rsqrt3A {offsets = [1, 0], sizes = [1, 16], strides = [1, 1]} : vector<3x16xf32> to vector<1x16xf32>
    %mul3A_74 = arith.mulf %slice3A_72, %slice3A_73 : vector<1x16xf32>
    %slice3A_75 = vector.extract_strided_slice %get3A_12 {offsets = [7, 0], sizes = [1, 16], strides = [1, 1]} : vector<9x16xf32> to vector<1x16xf32>
    %mul3A_76 = arith.mulf %mul3A_74, %slice3A_75 : vector<1x16xf32>
    %slice3A_77 = vector.extract_strided_slice %rsqrt3A {offsets = [2, 0], sizes = [1, 16], strides = [1, 1]} : vector<3x16xf32> to vector<1x16xf32>
    %slice3A_78 = vector.extract_strided_slice %rsqrt3A {offsets = [2, 0], sizes = [1, 16], strides = [1, 1]} : vector<3x16xf32> to vector<1x16xf32>
    %mul3A_79 = arith.mulf %slice3A_77, %slice3A_78 : vector<1x16xf32>
    %slice3A_80 = vector.extract_strided_slice %get3A_12 {offsets = [8, 0], sizes = [1, 16], strides = [1, 1]} : vector<9x16xf32> to vector<1x16xf32>
    %mul3A_81 = arith.mulf %mul3A_79, %slice3A_80 : vector<1x16xf32>
    %slice3A_82 = vector.extract_strided_slice %rsqrt3A {offsets = [2, 0], sizes = [1, 16], strides = [1, 1]} : vector<3x16xf32> to vector<1x16xf32>
    %slice3A_83 = vector.extract_strided_slice %rsqrt3A {offsets = [2, 0], sizes = [1, 16], strides = [1, 1]} : vector<3x16xf32> to vector<1x16xf32>
    %mul3A_84 = arith.mulf %slice3A_82, %slice3A_83 : vector<1x16xf32>
    %add3A_85 = arith.addf %mul3A_81, %mul3A_84 : vector<1x16xf32>
    %concatenate3A_86 = tpu.concatenate %add3A_37, %mul3A_42, %mul3A_47, %mul3A_52, %add3A_61, %mul3A_66, %mul3A_71, %mul3A_76, %add3A_85 in 0 : vector<1x16xf32>, vector<1x16xf32>, vector<1x16xf32>, vector<1x16xf32>, vector<1x16xf32>, vector<1x16xf32>, vector<1x16xf32>, vector<1x16xf32>, vector<1x16xf32> -> vector<9x16xf32>
    %slice3A_87 = vector.extract_strided_slice %concatenate3A_86 {offsets = [0, 0], sizes = [9, 15], strides = [1, 1]} : vector<9x16xf32> to vector<9x15xf32>
    %transpose3A_88 = tpu.transpose %slice3A_87, [1, 0] : vector<9x15xf32> -> vector<15x9xf32>
    %slice3A_89 = vector.extract_strided_slice %transpose3A_88 {offsets = [0, 0], sizes = [15, 1], strides = [1, 1]} : vector<15x9xf32> to vector<15x1xf32>
    %slice3A_90 = vector.extract_strided_slice %dot_general3A_9 {offsets = [0, 0], sizes = [15, 64], strides = [1, 1]} : vector<45x64xf32> to vector<15x64xf32>
    %mul3A_91 = vector.broadcast %slice3A_89 : vector<15x1xf32> to vector<15x64xf32>
    %mul3A_92 = arith.mulf %mul3A_91, %slice3A_90 : vector<15x64xf32>
    %slice3A_93 = vector.extract_strided_slice %transpose3A_88 {offsets = [0, 1], sizes = [15, 1], strides = [1, 1]} : vector<15x9xf32> to vector<15x1xf32>
    %slice3A_94 = vector.extract_strided_slice %dot_general3A_9 {offsets = [15, 0], sizes = [15, 64], strides = [1, 1]} : vector<45x64xf32> to vector<15x64xf32>
    %mul3A_95 = vector.broadcast %slice3A_93 : vector<15x1xf32> to vector<15x64xf32>
    %mul3A_96 = arith.mulf %mul3A_95, %slice3A_94 : vector<15x64xf32>
    %add3A_97 = arith.addf %mul3A_92, %mul3A_96 : vector<15x64xf32>
    %slice3A_98 = vector.extract_strided_slice %transpose3A_88 {offsets = [0, 2], sizes = [15, 1], strides = [1, 1]} : vector<15x9xf32> to vector<15x1xf32>
    %slice3A_99 = vector.extract_strided_slice %dot_general3A_9 {offsets = [30, 0], sizes = [15, 64], strides = [1, 1]} : vector<45x64xf32> to vector<15x64xf32>
    %mul3A_100 = vector.broadcast %slice3A_98 : vector<15x1xf32> to vector<15x64xf32>
    %mul3A_101 = arith.mulf %mul3A_100, %slice3A_99 : vector<15x64xf32>
    %add3A_102 = arith.addf %add3A_97, %mul3A_101 : vector<15x64xf32>
    %slice3A_103 = vector.extract_strided_slice %transpose3A_88 {offsets = [0, 3], sizes = [15, 1], strides = [1, 1]} : vector<15x9xf32> to vector<15x1xf32>
    %slice3A_104 = vector.extract_strided_slice %dot_general3A_9 {offsets = [0, 0], sizes = [15, 64], strides = [1, 1]} : vector<45x64xf32> to vector<15x64xf32>
    %mul3A_105 = vector.broadcast %slice3A_103 : vector<15x1xf32> to vector<15x64xf32>
    %mul3A_106 = arith.mulf %mul3A_105, %slice3A_104 : vector<15x64xf32>
    %slice3A_107 = vector.extract_strided_slice %transpose3A_88 {offsets = [0, 4], sizes = [15, 1], strides = [1, 1]} : vector<15x9xf32> to vector<15x1xf32>
    %slice3A_108 = vector.extract_strided_slice %dot_general3A_9 {offsets = [15, 0], sizes = [15, 64], strides = [1, 1]} : vector<45x64xf32> to vector<15x64xf32>
    %mul3A_109 = vector.broadcast %slice3A_107 : vector<15x1xf32> to vector<15x64xf32>
    %mul3A_110 = arith.mulf %mul3A_109, %slice3A_108 : vector<15x64xf32>
    %add3A_111 = arith.addf %mul3A_106, %mul3A_110 : vector<15x64xf32>
    %slice3A_112 = vector.extract_strided_slice %transpose3A_88 {offsets = [0, 5], sizes = [15, 1], strides = [1, 1]} : vector<15x9xf32> to vector<15x1xf32>
    %slice3A_113 = vector.extract_strided_slice %dot_general3A_9 {offsets = [30, 0], sizes = [15, 64], strides = [1, 1]} : vector<45x64xf32> to vector<15x64xf32>
    %mul3A_114 = vector.broadcast %slice3A_112 : vector<15x1xf32> to vector<15x64xf32>
    %mul3A_115 = arith.mulf %mul3A_114, %slice3A_113 : vector<15x64xf32>
    %add3A_116 = arith.addf %add3A_111, %mul3A_115 : vector<15x64xf32>
    %slice3A_117 = vector.extract_strided_slice %transpose3A_88 {offsets = [0, 6], sizes = [15, 1], strides = [1, 1]} : vector<15x9xf32> to vector<15x1xf32>
    %slice3A_118 = vector.extract_strided_slice %dot_general3A_9 {offsets = [0, 0], sizes = [15, 64], strides = [1, 1]} : vector<45x64xf32> to vector<15x64xf32>
    %mul3A_119 = vector.broadcast %slice3A_117 : vector<15x1xf32> to vector<15x64xf32>
    %mul3A_120 = arith.mulf %mul3A_119, %slice3A_118 : vector<15x64xf32>
    %slice3A_121 = vector.extract_strided_slice %transpose3A_88 {offsets = [0, 7], sizes = [15, 1], strides = [1, 1]} : vector<15x9xf32> to vector<15x1xf32>
    %slice3A_122 = vector.extract_strided_slice %dot_general3A_9 {offsets = [15, 0], sizes = [15, 64], strides = [1, 1]} : vector<45x64xf32> to vector<15x64xf32>
    %mul3A_123 = vector.broadcast %slice3A_121 : vector<15x1xf32> to vector<15x64xf32>
    %mul3A_124 = arith.mulf %mul3A_123, %slice3A_122 : vector<15x64xf32>
    %add3A_125 = arith.addf %mul3A_120, %mul3A_124 : vector<15x64xf32>
    %slice3A_126 = vector.extract_strided_slice %transpose3A_88 {offsets = [0, 8], sizes = [15, 1], strides = [1, 1]} : vector<15x9xf32> to vector<15x1xf32>
    %slice3A_127 = vector.extract_strided_slice %dot_general3A_9 {offsets = [30, 0], sizes = [15, 64], strides = [1, 1]} : vector<45x64xf32> to vector<15x64xf32>
    %mul3A_128 = vector.broadcast %slice3A_126 : vector<15x1xf32> to vector<15x64xf32>
    %mul3A_129 = arith.mulf %mul3A_128, %slice3A_127 : vector<15x64xf32>
    %add3A_130 = arith.addf %add3A_125, %mul3A_129 : vector<15x64xf32>
    %concatenate3A_131 = tpu.concatenate %add3A_102, %add3A_116, %add3A_130 in 0 : vector<15x64xf32>, vector<15x64xf32>, vector<15x64xf32> -> vector<45x64xf32>
    %slice3A_132 = vector.extract_strided_slice %concatenate3A_131 {offsets = [0, 0], sizes = [45, 32], strides = [1, 1]} : vector<45x64xf32> to vector<45x32xf32>
    %get3A_133 = arith.constant 0 : index
    %get3A_134 = arith.constant 0 : index
    %get3A_135 = vector.load %arg5[%get3A_133, %get3A_134] : memref<1x32xf32, #tpu.memory_space<vmem>>, vector<1x32xf32>
    %add3A_136 = vector.broadcast %get3A_135 : vector<1x32xf32> to vector<45x32xf32>
    %add3A_137 = arith.addf %slice3A_132, %add3A_136 : vector<45x32xf32>
    %slice3A_138 = vector.extract_strided_slice %concatenate3A_131 {offsets = [0, 32], sizes = [45, 32], strides = [1, 1]} : vector<45x64xf32> to vector<45x32xf32>
    %get3A_139 = arith.constant 0 : index
    %get3A_140 = arith.constant 0 : index
    %get3A_141 = vector.load %arg6[%get3A_139, %get3A_140] : memref<1x32xf32, #tpu.memory_space<vmem>>, vector<1x32xf32>
    %add3A_142 = vector.broadcast %get3A_141 : vector<1x32xf32> to vector<45x32xf32>
    %add3A_143 = arith.addf %slice3A_138, %add3A_142 : vector<45x32xf32>
    %get3A_144 = arith.constant 0 : index
    %get3A_145 = arith.constant 0 : index
    %get3A_146 = vector.load %arg3[%get3A_144, %get3A_145] : memref<64x32xf32, #tpu.memory_space<vmem>>, vector<32x32xf32>
    %dot_general3A_147 = arith.constant dense<0.000000e+00> : vector<45x32xf32>
    %dot_general3A_148 = tpu.matmul %add3A_137, %get3A_146, %dot_general3A_147 {dimension_numbers = #tpu.dot_dimension_numbers<[1], [0], [0], [1], [0, 0, 1, 1], [], []>, transpose_lhs_hint = false} : vector<45x32xf32>, vector<32x32xf32>, vector<45x32xf32> -> vector<45x32xf32>
    %get3A_149 = arith.constant 0 : index
    %get3A_150 = arith.constant 0 : index
    %get3A_151 = vector.load %arg7[%get3A_149, %get3A_150] : memref<1x32xf32, #tpu.memory_space<vmem>>, vector<1x32xf32>
    %add3A_152 = vector.broadcast %get3A_151 : vector<1x32xf32> to vector<45x32xf32>
    %add3A_153 = arith.addf %dot_general3A_148, %add3A_152 : vector<45x32xf32>
    %logistic3A = arith.negf %add3A_153 : vector<45x32xf32>
    %logistic3A_154 = math.exp %logistic3A : vector<45x32xf32>
    %logistic3A_155 = arith.constant 1.000000e+00 : f32
    %logistic3A_156 = vector.broadcast %logistic3A_155 : f32 to vector<45x32xf32>
    %logistic3A_157 = arith.addf %logistic3A_156, %logistic3A_154 : vector<45x32xf32>
    %logistic3A_158 = arith.divf %logistic3A_156, %logistic3A_157 : vector<45x32xf32>
    %get3A_159 = arith.constant 0 : index
    %get3A_160 = arith.constant 0 : index
    %get3A_161 = vector.load %arg4[%get3A_159, %get3A_160] : memref<64x32xf32, #tpu.memory_space<vmem>>, vector<32x32xf32>
    %dot_general3A_162 = arith.constant dense<0.000000e+00> : vector<45x32xf32>
    %dot_general3A_163 = tpu.matmul %add3A_143, %get3A_161, %dot_general3A_162 {dimension_numbers = #tpu.dot_dimension_numbers<[1], [0], [0], [1], [0, 0, 1, 1], [], []>, transpose_lhs_hint = false} : vector<45x32xf32>, vector<32x32xf32>, vector<45x32xf32> -> vector<45x32xf32>
    %get3A_164 = arith.constant 0 : index
    %get3A_165 = arith.constant 0 : index
    %get3A_166 = vector.load %arg8[%get3A_164, %get3A_165] : memref<1x32xf32, #tpu.memory_space<vmem>>, vector<1x32xf32>
    %add3A_167 = vector.broadcast %get3A_166 : vector<1x32xf32> to vector<45x32xf32>
    %add3A_168 = arith.addf %dot_general3A_163, %add3A_167 : vector<45x32xf32>
    %tanh3A = math.tanh %add3A_168 : vector<45x32xf32>
    %sub3A = arith.constant 1.000000e+00 : f32
    %sub3A_169 = vector.broadcast %sub3A : f32 to vector<45x32xf32>
    %sub3A_170 = arith.subf %sub3A_169, %logistic3A_158 : vector<45x32xf32>
    %mul3A_171 = arith.mulf %sub3A_170, %tanh3A : vector<45x32xf32>
    %max3A = arith.constant 0.000000e+00 : f32
    %max3A_172 = vector.broadcast %max3A : f32 to vector<45x32xf32>
    %max3A_173 = arith.maximumf %mul3A_171, %max3A_172 : vector<45x32xf32>
    %iota3A = tpu.iota {dimensions = array<i32: 0>} : vector<32x96xi32>
    %iota3A_174 = tpu.iota {dimensions = array<i32: 1>} : vector<32x96xi32>
    %broadcast_in_dim3A = arith.constant 0.000000e+00 : f32
    %broadcast_in_dim3A_175 = vector.broadcast %broadcast_in_dim3A : f32 to vector<1x96xf32>
    %slice3A_176 = vector.extract_strided_slice %max3A_173 {offsets = [0, 0], sizes = [15, 32], strides = [1, 1]} : vector<45x32xf32> to vector<15x32xf32>
    %reduce_sum3A = arith.constant dense<0.000000e+00> : vector<32xf32>
    %reduce_sum3A_177 = vector.multi_reduction <add>, %slice3A_176, %reduce_sum3A [0] : vector<15x32xf32> to vector<32xf32>
    %broadcast_in_dim3A_178 = vector.shape_cast %reduce_sum3A_177 : vector<32xf32> to vector<1x32xf32>
    %mul3A_179 = arith.constant 0.0666666701 : f32
    %mul3A_180 = vector.broadcast %mul3A_179 : f32 to vector<1x32xf32>
    %mul3A_181 = arith.mulf %broadcast_in_dim3A_178, %mul3A_180 : vector<1x32xf32>
    %mul3A_182 = arith.constant 3 : i32
    %mul3A_183 = vector.broadcast %mul3A_182 : i32 to vector<32x96xi32>
    %mul3A_184 = arith.muli %mul3A_183, %iota3A : vector<32x96xi32>
    %add3A_185 = arith.constant 0 : i32
    %add3A_186 = vector.broadcast %add3A_185 : i32 to vector<32x96xi32>
    %add3A_187 = arith.addi %mul3A_184, %add3A_186 : vector<32x96xi32>
    %eq3A = arith.cmpi eq, %iota3A_174, %add3A_187 : vector<32x96xi32>
    %jit3A = arith.constant 1.000000e+00 : f32
    %jit3A_188 = arith.constant 0.000000e+00 : f32
    %broadcast_in_dim3A_189 = vector.broadcast %jit3A : f32 to vector<32x96xf32>
    %broadcast_in_dim3A_190 = vector.broadcast %jit3A_188 : f32 to vector<32x96xf32>
    %select_n3A = arith.select %eq3A, %broadcast_in_dim3A_189, %broadcast_in_dim3A_190 : vector<32x96xi1>, vector<32x96xf32>
    %dot_general3A_191 = arith.constant dense<0.000000e+00> : vector<1x96xf32>
    %dot_general3A_192 = tpu.matmul %mul3A_181, %select_n3A, %dot_general3A_191 {dimension_numbers = #tpu.dot_dimension_numbers<[1], [0], [0], [1], [0, 0, 1, 1], [], []>, transpose_lhs_hint = false} : vector<1x32xf32>, vector<32x96xf32>, vector<1x96xf32> -> vector<1x96xf32>
    %add3A_193 = arith.addf %broadcast_in_dim3A_175, %dot_general3A_192 : vector<1x96xf32>
    %slice3A_194 = vector.extract_strided_slice %max3A_173 {offsets = [15, 0], sizes = [15, 32], strides = [1, 1]} : vector<45x32xf32> to vector<15x32xf32>
    %reduce_sum3A_195 = arith.constant dense<0.000000e+00> : vector<32xf32>
    %reduce_sum3A_196 = vector.multi_reduction <add>, %slice3A_194, %reduce_sum3A_195 [0] : vector<15x32xf32> to vector<32xf32>
    %broadcast_in_dim3A_197 = vector.shape_cast %reduce_sum3A_196 : vector<32xf32> to vector<1x32xf32>
    %mul3A_198 = arith.constant 0.0666666701 : f32
    %mul3A_199 = vector.broadcast %mul3A_198 : f32 to vector<1x32xf32>
    %mul3A_200 = arith.mulf %broadcast_in_dim3A_197, %mul3A_199 : vector<1x32xf32>
    %mul3A_201 = arith.constant 3 : i32
    %mul3A_202 = vector.broadcast %mul3A_201 : i32 to vector<32x96xi32>
    %mul3A_203 = arith.muli %mul3A_202, %iota3A : vector<32x96xi32>
    %add3A_204 = arith.constant 1 : i32
    %add3A_205 = vector.broadcast %add3A_204 : i32 to vector<32x96xi32>
    %add3A_206 = arith.addi %mul3A_203, %add3A_205 : vector<32x96xi32>
    %eq3A_207 = arith.cmpi eq, %iota3A_174, %add3A_206 : vector<32x96xi32>
    %jit3A_208 = arith.constant 1.000000e+00 : f32
    %jit3A_209 = arith.constant 0.000000e+00 : f32
    %broadcast_in_dim3A_210 = vector.broadcast %jit3A_208 : f32 to vector<32x96xf32>
    %broadcast_in_dim3A_211 = vector.broadcast %jit3A_209 : f32 to vector<32x96xf32>
    %select_n3A_212 = arith.select %eq3A_207, %broadcast_in_dim3A_210, %broadcast_in_dim3A_211 : vector<32x96xi1>, vector<32x96xf32>
    %dot_general3A_213 = arith.constant dense<0.000000e+00> : vector<1x96xf32>
    %dot_general3A_214 = tpu.matmul %mul3A_200, %select_n3A_212, %dot_general3A_213 {dimension_numbers = #tpu.dot_dimension_numbers<[1], [0], [0], [1], [0, 0, 1, 1], [], []>, transpose_lhs_hint = false} : vector<1x32xf32>, vector<32x96xf32>, vector<1x96xf32> -> vector<1x96xf32>
    %add3A_215 = arith.addf %add3A_193, %dot_general3A_214 : vector<1x96xf32>
    %slice3A_216 = vector.extract_strided_slice %max3A_173 {offsets = [30, 0], sizes = [15, 32], strides = [1, 1]} : vector<45x32xf32> to vector<15x32xf32>
    %reduce_sum3A_217 = arith.constant dense<0.000000e+00> : vector<32xf32>
    %reduce_sum3A_218 = vector.multi_reduction <add>, %slice3A_216, %reduce_sum3A_217 [0] : vector<15x32xf32> to vector<32xf32>
    %broadcast_in_dim3A_219 = vector.shape_cast %reduce_sum3A_218 : vector<32xf32> to vector<1x32xf32>
    %mul3A_220 = arith.constant 0.0666666701 : f32
    %mul3A_221 = vector.broadcast %mul3A_220 : f32 to vector<1x32xf32>
    %mul3A_222 = arith.mulf %broadcast_in_dim3A_219, %mul3A_221 : vector<1x32xf32>
    %mul3A_223 = arith.constant 3 : i32
    %mul3A_224 = vector.broadcast %mul3A_223 : i32 to vector<32x96xi32>
    %mul3A_225 = arith.muli %mul3A_224, %iota3A : vector<32x96xi32>
    %add3A_226 = arith.constant 2 : i32
    %add3A_227 = vector.broadcast %add3A_226 : i32 to vector<32x96xi32>
    %add3A_228 = arith.addi %mul3A_225, %add3A_227 : vector<32x96xi32>
    %eq3A_229 = arith.cmpi eq, %iota3A_174, %add3A_228 : vector<32x96xi32>
    %jit3A_230 = arith.constant 1.000000e+00 : f32
    %jit3A_231 = arith.constant 0.000000e+00 : f32
    %broadcast_in_dim3A_232 = vector.broadcast %jit3A_230 : f32 to vector<32x96xf32>
    %broadcast_in_dim3A_233 = vector.broadcast %jit3A_231 : f32 to vector<32x96xf32>
    %select_n3A_234 = arith.select %eq3A_229, %broadcast_in_dim3A_232, %broadcast_in_dim3A_233 : vector<32x96xi1>, vector<32x96xf32>
    %dot_general3A_235 = arith.constant dense<0.000000e+00> : vector<1x96xf32>
    %dot_general3A_236 = tpu.matmul %mul3A_222, %select_n3A_234, %dot_general3A_235 {dimension_numbers = #tpu.dot_dimension_numbers<[1], [0], [0], [1], [0, 0, 1, 1], [], []>, transpose_lhs_hint = false} : vector<1x32xf32>, vector<32x96xf32>, vector<1x96xf32> -> vector<1x96xf32>
    %add3A_237 = arith.addf %add3A_215, %dot_general3A_236 : vector<1x96xf32>
    %get3A_238 = arith.constant 0 : index
    %get3A_239 = arith.constant 0 : index
    %get3A_240 = vector.load %arg10[%get3A_238, %get3A_239] : memref<96x2xf32, #tpu.memory_space<vmem>>, vector<96x2xf32>
    %dot_general3A_241 = arith.constant dense<0.000000e+00> : vector<1x2xf32>
    %dot_general3A_242 = tpu.matmul %add3A_237, %get3A_240, %dot_general3A_241 {dimension_numbers = #tpu.dot_dimension_numbers<[1], [0], [0], [1], [0, 0, 1, 1], [], []>, transpose_lhs_hint = false} : vector<1x96xf32>, vector<96x2xf32>, vector<1x2xf32> -> vector<1x2xf32>
    %get3A_243 = arith.constant 0 : index
    %get3A_244 = arith.constant 0 : index
    %get3A_245 = vector.load %arg11[%get3A_243, %get3A_244] : memref<1x2xf32, #tpu.memory_space<vmem>>, vector<1x2xf32>
    %add3A_246 = arith.addf %dot_general3A_242, %get3A_245 : vector<1x2xf32>
    %swap3A = arith.constant 0 : index
    %swap3A_247 = arith.constant 0 : index
    %swap3A_248 = vector.load %arg12[%swap3A, %swap3A_247] : memref<1x2xf32, #tpu.memory_space<vmem>>, vector<1x2xf32>
    tpu.vector_store %arg12[%swap3A, %swap3A_247], %add3A_246 {strides = array<i32>} : memref<1x2xf32, #tpu.memory_space<vmem>>, vector<1x2xf32>,
    return
  }
}

</mosaic_0001>

<sc_bundles>
// kernel: kernel.4.cloned.1.call-start
scs
__scs_entry_jumppad:
0x0: {  	(pc) =	sbr.rel $0x88, $3  }
0x1: {  	(tag) =	ssettag $0x0;
	lr =	simm.s32 $0x1  }
0x2: {  	[smem:$0x3F94] =	sst lr;
	_ =	strace $0xD0000000  }
0x3: {  	_ = 	snop  }
0x4: {  	_ = 	snop  }
0x5: {  	_ = 	snop  }
0x6: {  	_ = 	snop  }
0x7: {  	_ = 	snop  }
__scs_overlays_trampoline_lowered:
0x8: {  	[smem:$0x3FA3] =	sst s0  }
0x9: {  	[smem:$0x3FA4] =	sst s1  }
0xa: {  	[smem:$0x3FA5] =	sst s2  }
0xb: {  	[smem:$0x3FA6] =	sst s3  }
0xc: {  	[smem:$0x3FA7] =	sst s4  }
0xd: {  	[smem:$0x3FA8] =	sst s5  }
0xe: {  	[smem:$0x3FA9] =	sst s6  }
0xf: {  	[smem:$0x3FAA] =	sst s7  }
0x10: {  	[smem:$0x3FAB] =	sst s8  }
0x11: {  	[smem:$0x3FAC] =	sst s9;
	s0 =	simm.s32 @!p0 $0x0  }
0x12: {  	s1 =	sld [smem:$0x3F92];
	s0 =	simm.s32 @p0 $0x1  }
0x13: {  	[smem:$0x3FAD] =	sst s0;
	s0 =	simm.s32 @!p1 $0x0  }
0x14: {  	s2 =	sld [smem:$0x3F91];
	s0 =	simm.s32 @p1 $0x1  }
0x15: {  	[smem:$0x3FAE] =	sst s0;
	s0 =	simm.s32 @!p2 $0x0  }
0x16: {  	s3 =	sld [smem:$0x3FDB];
	s0 =	simm.s32 @p2 $0x1  }
0x17: {  	s4 =	simm.s32 $0x1BF5;
	[smem:$0x3FB0] =	sst s0  }
0x18: {  	s0 =	sld [smem:$0x3F93];
	_ =	swait.ge [sflag:s4], $0x0  }
0x19: {  	s7 =	sld [smem:$0x3F94]  }
0x1a: {  	s8 =	sadd.s32 $0xFFFFE003, lr  }
0x1b: {  	s9 =	sadd.s32 $0xFFFFFEF7, lr;
	s5 =	simm.s32 $0xFFFFFFFF;
	p2 =	slt.u32 s8, $0xFFFFF086  }
0x1c: {  	p1 =	slt.u32 s9, $0xF7A;
	s5 =	simm.s32 @!p2 $0x0  }
0x1d: {  	s5 =	simm.s32 @p1 $0x1;
	p0 =	seq.s32 s7, s2  }
0x1e: {  	s7 =	smul.u32 @!p0 $0xF7A, s2;
	p2 =	seq.s32 @!p0 s5, $0x0  }
0x1f: {  	s9 =	smul.u32 $0xF7A, s1;
	s8 =	simm.s32 @!p0 $0x1BF5;
	p2 =	por !p2, p0  }
0x20: {  	[sflag:s8] =	ssyncset.s32 @!p0 $0xFFFFF086;
	s6 =	sadd.s32 @!p0 s3, s7;
	s7 =	simm.s32 @!p0 $0x108  }
0x21: {  	s3 =	sadd.s32 s3, s9;
	s6 =	sadd.s32 @!p0 $0x88, s6;
	s7 =	simm.s32 @p2 $0x1082  }
0x22: {  	[simem:s7], [sflag:s8] =	dma.local @!p0 [hbm:s6], $0xF7A  }
0x23: {  	s9 =	sor.u32 $0xD0000000, s2;
	s6 =	simm.s32 $0x108;
	_ =	swait.ge @!p0 [sflag:s8], $0x0  }
0x24: {  	s3 =	sadd.s32 $0x88, s3;
	s6 =	simm.s32 @!p1 $0x1082;
	[sflag:s4] =	ssyncset.s32 $0xFFFFF086  }
0x25: {  	[simem:s6], [sflag:s4] =	dma.local [hbm:s3], $0xF7A  }
0x26: {  	[smem:$0x3F94] =	sst s1;
	(tag) =	ssettag s2;
	_ =	strace s9  }
0x27: {  	s1 =	sld [smem:$0x3FA4]  }
0x28: {  	s2 =	sld [smem:$0x3FA5]  }
0x29: {  	s4 =	sld [smem:$0x3FA7]  }
0x2a: {  	p0 =	seq.s32 s5, $0x0;
	s5 =	sld [smem:$0x3FA8]  }
0x2b: {  	s6 =	sld [smem:$0x3FA9]  }
0x2c: {  	s7 =	sld [smem:$0x3FAA]  }
0x2d: {  	s3 =	simm.s32 $0x108;
	s8 =	sld [smem:$0x3FAB]  }
0x2e: {  	s3 =	simm.s32 @!p0 $0x1082;
	s9 =	sld [smem:$0x3FAC]  }
0x2f: {  	lr =	sadd.s32 s0, s3;
	s0 =	sld [smem:$0x3FA3]  }
0x30: {  	s3 =	sld [smem:$0x3FA6]  }
0x31: {  	[smem:$0x3FAF] =	sst s10  }
0x32: {  	s10 =	sld [smem:$0x3FAD];
	_ =	sdelay $0x3  }
0x33: {  	p0 =	seq.s32 s10, $0x1;
	s10 =	sld [smem:$0x3FAF];
	_ =	sdelay $0x3  }
0x34: {  	[smem:$0x3FAF] =	sst s10  }
0x35: {  	s10 =	sld [smem:$0x3FAE];
	_ =	sdelay $0x3  }
0x36: {  	p1 =	seq.s32 s10, $0x1;
	s10 =	sld [smem:$0x3FAF];
	_ =	sdelay $0x3  }
0x37: {  	[smem:$0x3FAF] =	sst s10  }
0x38: {  	s10 =	sld [smem:$0x3FB0]  }
0x39: {  	_ = 	snop;
	(pc) =	sbr.ind lr, $3  }
0x3a: {  	_ = 	snop  }
0x3b: {  	_ = 	snop  }
0x3c: {  	p2 =	seq.s32 s10, $0x1;
	s10 =	sld [smem:$0x3FAF]  }
0x3d: {  	_ =	shalt  }
0x3e: {  	_ =	shalt  }
0x3f: {  	_ =	shalt  }
0x40: {  	_ =	shalt  }
0x41: {  	_ =	shalt  }
0x42: {  	_ =	shalt  }
0x43: {  	_ =	shalt  }
0x44: {  	_ =	shalt  }
0x45: {  	_ =	shalt  }
0x46: {  	_ =	shalt  }
0x47: {  	_ =	shalt  }
0x48: {  	_ =	shalt  }
0x49: {  	_ =	shalt  }
0x4a: {  	_ =	shalt  }
0x4b: {  	_ =	shalt  }
0x4c: {  	_ =	shalt  }
0x4d: {  	_ =	shalt  }
0x4e: {  	_ =	shalt  }
0x4f: {  	_ =	shalt  }
0x50: {  	_ =	shalt  }
0x51: {  	_ =	shalt  }
0x52: {  	_ =	shalt  }
0x53: {  	_ =	shalt  }
0x54: {  	_ =	shalt  }
0x55: {  	_ =	shalt  }
0x56: {  	_ =	shalt  }
0x57: {  	_ =	shalt  }
0x58: {  	_ =	shalt  }
0x59: {  	_ =	shalt  }
0x5a: {  	_ =	shalt  }
0x5b: {  	_ =	shalt  }
0x5c: {  	_ =	shalt  }
0x5d: {  	_ =	shalt  }
0x5e: {  	_ =	shalt  }
0x5f: {  	_ =	shalt  }
0x60: {  	_ =	shalt  }
0x61: {  	_ =	shalt  }
0x62: {  	_ =	shalt  }
0x63: {  	_ =	shalt  }
0x64: {  	_ =	shalt  }
0x65: {  	_ =	shalt  }
0x66: {  	_ =	shalt  }
0x67: {  	_ =	shalt  }
0x68: {  	_ =	shalt  }
0x69: {  	_ =	shalt  }
0x6a: {  	_ =	shalt  }
0x6b: {  	_ =	shalt  }
0x6c: {  	_ =	shalt  }
0x6d: {  	_ =	shalt  }
0x6e: {  	_ =	shalt  }
0x6f: {  	_ =	shalt  }
0x70: {  	_ =	shalt  }
0x71: {  	_ =	shalt  }
0x72: {  	_ =	shalt  }
0x73: {  	_ =	shalt  }
0x74: {  	_ =	shalt  }
0x75: {  	_ =	shalt  }
0x76: {  	_ =	shalt  }
0x77: {  	_ =	shalt  }
0x78: {  	_ =	shalt  }
0x79: {  	_ =	shalt  }
0x7a: {  	_ =	shalt  }
0x7b: {  	_ =	shalt  }
0x7c: {  	_ =	shalt  }
0x7d: {  	_ =	shalt  }
0x7e: {  	_ =	shalt  }
0x7f: {  	_ =	shalt  }
0x80: {  	_ =	shalt  }
0x81: {  	_ =	shalt  }
0x82: {  	_ =	shalt  }
0x83: {  	_ =	shalt  }
0x84: {  	_ =	shalt  }
0x85: {  	_ =	shalt  }
0x86: {  	_ =	shalt  }
0x87: {  	_ =	shalt  }
.Lfunc_end0:
.L_simem_size_0:
called_computation_lowered:
.L_overlay_start_0:
0x88: {  	s0 =	sld [smem:$0x3FD9]  }
0x89: {  	s1 =	sld [smem:$0x3FFE];
	_ =	sdelay $0x3  }
0x8a: {  	s0 =	sadd.s32 s1, s0  }
0x8b: {  	[smem:$0x3FBB] =	sst s0  }
0x8c: {  	_ = 	snop  }
0x8d: {  	s2 =	sld [smem:$0x3FC8]  }
0x8e: {  	s3 =	sld [smem:$0x3FC7];
	(tm) =	ssettm $0x1  }
0x8f: {  	s17 =	sld [smem:$0x3FFB];
	_ =	sdelay $0x3  }
0x90: {  	_ =	strace s17  }
0x91: {  	s0 =	sld [smem:$0x3FFC];
	_ =	sdelay $0x3  }
0x92: {  	_ =	strace s0  }
0x93: {  	s0 =	sld [smem:$0x3FFD];
	_ =	sdelay $0x3  }
0x94: {  	_ =	strace s0  }
0x95: {  	s18 =	simm.s32 $0x1B8B;
	_ =	strace $0x8FFFFFFF  }
0x96: {  	_ =	swait.ge [sflag:s18], $0x1  }
0x97: {  	[sflag:s18] =	ssyncset.done $0x0  }
0x98: {  	s19 =	simm.s32 $0x1B8E;
	[sflag:s18] =	ssyncadd.s32 $0xFFFFFFFF  }
0x99: {  	s4 =	simm.s32 $0x10;
	[smem:$0x3FD2] =	sst s19  }
0x9a: {  	s0 =	simm.s32 $0x9;
	s1 =	sld [smem:$0x3FFE];
	_ =	strace $0x80000046  }
0x9b: {  	[smem:s4], [sflag:s0] =	dma.local [hbm:s3], $0xF0  }
0x9c: {  	_ =	swait.ge [sflag:s0], $0xF0  }
0x9d: {  	[sflag:s0] =	ssyncset.done $0x0  }
0x9e: {  	[sflag:s0] =	ssyncadd.s32 $0xFFFFFF10  }
0x9f: {  	s20 =	simm.s32 $0x810  }
0xa0: {  	[smem:s20], [sflag:s0] =	dma.local [hbm:s2], $0x20  }
0xa1: {  	_ =	swait.ge [sflag:s0], $0x20  }
0xa2: {  	[sflag:s0] =	ssyncset.done $0x0  }
0xa3: {  	[sflag:s0] =	ssyncadd.s32 $0xFFFFFFE0  }
0xa4: {  	s19 =	sld [smem:$0x890]  }
0xa5: {  	s21 =	sld [smem:$0x810]  }
0xa6: {  	s22 =	sld [smem:$0x891]  }
0xa7: {  	s18 =	sld [smem:$0x811]  }
0xa8: {  	s23 =	sld [smem:$0x892]  }
0xa9: {  	s17 =	sld [smem:$0x812]  }
0xaa: {  	s5 =	sld [smem:$0x893]  }
0xab: {  	s16 =	sld [smem:$0x813]  }
0xac: {  	s6 =	sld [smem:$0x894]  }
0xad: {  	s15 =	sld [smem:$0x814]  }
0xae: {  	s7 =	sld [smem:$0x895]  }
0xaf: {  	s14 =	sld [smem:$0x815]  }
0xb0: {  	s8 =	sld [smem:$0x896]  }
0xb1: {  	s13 =	sld [smem:$0x816]  }
0xb2: {  	s9 =	sld [smem:$0x897]  }
0xb3: {  	s12 =	sld [smem:$0x817]  }
0xb4: {  	s10 =	sld [smem:$0x898]  }
0xb5: {  	s20 =	simm.s32 $0x0;
	s11 =	sld [smem:$0x818]  }
0xb6: {  	[smem:$0x910] =	sst s20  }
0xb7: {  	[smem:$0x990] =	sst s20  }
0xb8: {  	[smem:$0xA10] =	sst s20  }
0xb9: {  	[smem:$0xA90] =	sst s20  }
0xba: {  	[smem:$0x911] =	sst s20  }
0xbb: {  	[smem:$0x991] =	sst s20  }
0xbc: {  	[smem:$0xA11] =	sst s20  }
0xbd: {  	[smem:$0xA91] =	sst s20  }
0xbe: {  	[smem:$0x912] =	sst s20  }
0xbf: {  	[smem:$0x992] =	sst s20  }
0xc0: {  	[smem:$0xA12] =	sst s20  }
0xc1: {  	[smem:$0xA92] =	sst s20  }
0xc2: {  	[smem:$0x913] =	sst s20  }
0xc3: {  	[smem:$0x993] =	sst s20  }
0xc4: {  	[smem:$0xA13] =	sst s20  }
0xc5: {  	[smem:$0xA93] =	sst s20  }
0xc6: {  	[smem:$0x914] =	sst s20  }
0xc7: {  	[smem:$0x994] =	sst s20  }
0xc8: {  	[smem:$0xA14] =	sst s20  }
0xc9: {  	[smem:$0xA94] =	sst s20  }
0xca: {  	[smem:$0x915] =	sst s20  }
0xcb: {  	[smem:$0x995] =	sst s20  }
0xcc: {  	[smem:$0xA15] =	sst s20  }
0xcd: {  	[smem:$0x916] =	sst s20  }
0xce: {  	[smem:$0x996] =	sst s20  }
0xcf: {  	[smem:$0xA16] =	sst s20  }
0xd0: {  	[smem:$0x917] =	sst s20  }
0xd1: {  	[smem:$0x997] =	sst s20  }
0xd2: {  	[smem:$0xA17] =	sst s20  }
0xd3: {  	[smem:$0x918] =	sst s20  }
0xd4: {  	[smem:$0x998] =	sst s20  }
0xd5: {  	[smem:$0xA18] =	sst s20  }
0xd6: {  	[smem:$0x919] =	sst s20  }
0xd7: {  	[smem:$0x999] =	sst s20  }
0xd8: {  	[smem:$0xA19] =	sst s20  }
0xd9: {  	[smem:$0x91A] =	sst s20  }
0xda: {  	[smem:$0x99A] =	sst s20  }
0xdb: {  	[smem:$0xA1A] =	sst s20  }
0xdc: {  	[smem:$0x91B] =	sst s20  }
0xdd: {  	[smem:$0x99B] =	sst s20  }
0xde: {  	[smem:$0xA1B] =	sst s20  }
0xdf: {  	[smem:$0x91C] =	sst s20  }
0xe0: {  	[smem:$0x99C] =	sst s20  }
0xe1: {  	[smem:$0xA1C] =	sst s20  }
0xe2: {  	[smem:$0x91D] =	sst s20  }
0xe3: {  	[smem:$0x99D] =	sst s20  }
0xe4: {  	[smem:$0xA1D] =	sst s20  }
0xe5: {  	[smem:$0x91E] =	sst s20  }
0xe6: {  	[smem:$0x99E] =	sst s20  }
0xe7: {  	[smem:$0xA1E] =	sst s20  }
0xe8: {  	[smem:$0x91F] =	sst s20  }
0xe9: {  	[smem:$0x99F] =	sst s20  }
0xea: {  	[smem:$0xA1F] =	sst s20  }
0xeb: {  	[smem:$0xA95] =	sst s20  }
0xec: {  	[smem:$0xA96] =	sst s20  }
0xed: {  	[smem:$0xB10] =	sst s20  }
0xee: {  	[smem:$0xB90] =	sst s20  }
0xef: {  	[smem:$0xC10] =	sst s20  }
0xf0: {  	[smem:$0xC90] =	sst s20  }
0xf1: {  	[smem:$0xD10] =	sst s20  }
0xf2: {  	[smem:$0xA97] =	sst s20  }
0xf3: {  	[smem:$0xB11] =	sst s20  }
0xf4: {  	[smem:$0xB91] =	sst s20  }
0xf5: {  	[smem:$0xC11] =	sst s20  }
0xf6: {  	[smem:$0xC91] =	sst s20  }
0xf7: {  	[smem:$0xD11] =	sst s20  }
0xf8: {  	[smem:$0xA98] =	sst s20  }
0xf9: {  	[smem:$0xB12] =	sst s20  }
0xfa: {  	[smem:$0xB92] =	sst s20  }
0xfb: {  	[smem:$0xC12] =	sst s20  }
0xfc: {  	[smem:$0xC92] =	sst s20  }
0xfd: {  	[smem:$0xD12] =	sst s20  }
0xfe: {  	[smem:$0xA99] =	sst s20  }
0xff: {  	[smem:$0xB13] =	sst s20  }
0x100: {  	[smem:$0xB93] =	sst s20  }
0x101: {  	[smem:$0xC13] =	sst s20  }
0x102: {  	[smem:$0xC93] =	sst s20  }
0x103: {  	[smem:$0xD13] =	sst s20  }
0x104: {  	[smem:$0xA9A] =	sst s20  }
0x105: {  	s19 =	smul.u32 $0x3, s19;
	[smem:$0xB14] =	sst s20  }
0x106: {  	[smem:$0xB94] =	sst s20  }
0x107: {  	s2 =	sadd.s32 s21, s19;
	[smem:$0xC14] =	sst s20  }
0x108: {  	s2 =	sshll.u32 s2, $0x7;
	[smem:$0xC94] =	sst s20  }
0x109: {  	s2 =	sand.u32 $0x3FFFFF80, s2;
	[smem:$0xD14] =	sst s20  }
0x10a: {  	s24 =	sld [smem:s2+$0x910]  }
0x10b: {  	[smem:$0xA9B] =	sst s20  }
0x10c: {  	[smem:$0xB15] =	sst s20  }
0x10d: {  	[smem:$0xB95] =	sst s20  }
0x10e: {  	[smem:$0xC15] =	sst s20  }
0x10f: {  	[smem:$0xC95] =	sst s20  }
0x110: {  	[smem:$0xD15] =	sst s20  }
0x111: {  	[smem:$0xA9C] =	sst s20  }
0x112: {  	[smem:$0xB16] =	sst s20  }
0x113: {  	[smem:$0xB96] =	sst s20  }
0x114: {  	[smem:$0xC16] =	sst s20  }
0x115: {  	[smem:$0xC96] =	sst s20  }
0x116: {  	[smem:$0xD16] =	sst s20  }
0x117: {  	[smem:$0xA9D] =	sst s20  }
0x118: {  	[smem:$0xB17] =	sst s20  }
0x119: {  	[smem:$0xB97] =	sst s20  }
0x11a: {  	[smem:$0xC17] =	sst s20  }
0x11b: {  	[smem:$0xC97] =	sst s20  }
0x11c: {  	[smem:$0xD17] =	sst s20  }
0x11d: {  	[smem:$0xA9E] =	sst s20  }
0x11e: {  	[smem:$0xB18] =	sst s20  }
0x11f: {  	[smem:$0xB98] =	sst s20  }
0x120: {  	[smem:$0xC18] =	sst s20  }
0x121: {  	[smem:$0xC98] =	sst s20  }
0x122: {  	[smem:$0xD18] =	sst s20  }
0x123: {  	[smem:$0xA9F] =	sst s20  }
0x124: {  	[smem:$0xB19] =	sst s20  }
0x125: {  	[smem:$0xB99] =	sst s20  }
0x126: {  	[smem:$0xC19] =	sst s20  }
0x127: {  	[smem:$0xC99] =	sst s20  }
0x128: {  	[smem:$0xD19] =	sst s20  }
0x129: {  	[smem:$0xB1A] =	sst s20  }
0x12a: {  	[smem:$0xB9A] =	sst s20  }
0x12b: {  	[smem:$0xC1A] =	sst s20  }
0x12c: {  	[smem:$0xC9A] =	sst s20  }
0x12d: {  	[smem:$0xD1A] =	sst s20  }
0x12e: {  	[smem:$0xB1B] =	sst s20  }
0x12f: {  	[smem:$0xB9B] =	sst s20  }
0x130: {  	[smem:$0xC1B] =	sst s20  }
0x131: {  	[smem:$0xC9B] =	sst s20  }
0x132: {  	[smem:$0xD1B] =	sst s20  }
0x133: {  	[smem:$0xB1C] =	sst s20  }
0x134: {  	[smem:$0xB9C] =	sst s20  }
0x135: {  	[smem:$0xC1C] =	sst s20  }
0x136: {  	[smem:$0xC9C] =	sst s20  }
0x137: {  	[smem:$0xD1C] =	sst s20  }
0x138: {  	[smem:$0xB1D] =	sst s20  }
0x139: {  	[smem:$0xB9D] =	sst s20  }
0x13a: {  	[smem:$0xC1D] =	sst s20  }
0x13b: {  	[smem:$0xC9D] =	sst s20  }
0x13c: {  	[smem:$0xD1D] =	sst s20  }
0x13d: {  	[smem:$0xB1E] =	sst s20  }
0x13e: {  	[smem:$0xB9E] =	sst s20  }
0x13f: {  	[smem:$0xC1E] =	sst s20  }
0x140: {  	[smem:$0xC9E] =	sst s20  }
0x141: {  	[smem:$0xD1E] =	sst s20  }
0x142: {  	[smem:$0xB1F] =	sst s20  }
0x143: {  	[smem:$0xB9F] =	sst s20  }
0x144: {  	[smem:$0xC1F] =	sst s20  }
0x145: {  	[smem:$0xC9F] =	sst s20  }
0x146: {  	[smem:$0xD1F] =	sst s20  }
0x147: {  	s20 =	sld [smem:$0x10];
	_ =	sdelay $0x1  }
0x148: {  	s3 =	smul.u32 $0x3, s22;
	_ =	sdelay $0x1  }
0x149: {  	s3 =	sadd.s32 s18, s3;
	s25 =	sadd.f32 s20, s24  }
0x14a: {  	s3 =	sshll.u32 s3, $0x7;
	s26 =	sadd.s32 $0x910, s2  }
0x14b: {  	s3 =	sand.u32 $0x3FFFFF80, s3;
	[smem:s26] =	sst s25  }
0x14c: {  	s18 =	sld [smem:s3+$0x910]  }
0x14d: {  	s19 =	sld [smem:$0x11];
	_ =	sdelay $0x1  }
0x14e: {  	s4 =	smul.u32 $0x3, s23;
	_ =	sdelay $0x1  }
0x14f: {  	s4 =	sadd.s32 s17, s4;
	s28 =	sadd.f32 s19, s18  }
0x150: {  	s4 =	sshll.u32 s4, $0x7;
	s29 =	sadd.s32 $0x910, s3  }
0x151: {  	s4 =	sand.u32 $0x3FFFFF80, s4;
	[smem:s29] =	sst s28  }
0x152: {  	s17 =	sld [smem:s4+$0x910]  }
0x153: {  	s18 =	sld [smem:$0x12];
	_ =	sdelay $0x1  }
0x154: {  	s5 =	smul.u32 $0x3, s5;
	_ =	sdelay $0x1  }
0x155: {  	s5 =	sadd.s32 s16, s5;
	s30 =	sadd.f32 s18, s17  }
0x156: {  	s5 =	sshll.u32 s5, $0x7;
	s31 =	sadd.s32 $0x910, s4  }
0x157: {  	s5 =	sand.u32 $0x3FFFFF80, s5;
	[smem:s31] =	sst s30  }
0x158: {  	s16 =	sld [smem:s5+$0x910]  }
0x159: {  	s17 =	sld [smem:$0x13];
	_ =	sdelay $0x1  }
0x15a: {  	s6 =	smul.u32 $0x3, s6;
	_ =	sdelay $0x1  }
0x15b: {  	s6 =	sadd.s32 s15, s6;
	s17 =	sadd.f32 s17, s16  }
0x15c: {  	s6 =	sshll.u32 s6, $0x7;
	s18 =	sadd.s32 $0x910, s5  }
0x15d: {  	s6 =	sand.u32 $0x3FFFFF80, s6;
	[smem:s18] =	sst s17  }
0x15e: {  	s15 =	sld [smem:s6+$0x910]  }
0x15f: {  	s16 =	sld [smem:$0x14];
	_ =	sdelay $0x1  }
0x160: {  	s7 =	smul.u32 $0x3, s7;
	_ =	sdelay $0x1  }
0x161: {  	s7 =	sadd.s32 s14, s7;
	s19 =	sadd.f32 s16, s15  }
0x162: {  	s7 =	sshll.u32 s7, $0x7;
	s20 =	sadd.s32 $0x910, s6  }
0x163: {  	s7 =	sand.u32 $0x3FFFFF80, s7;
	[smem:s20] =	sst s19  }
0x164: {  	s14 =	sld [smem:s7+$0x910]  }
0x165: {  	s15 =	sld [smem:$0x15];
	_ =	sdelay $0x1  }
0x166: {  	s8 =	smul.u32 $0x3, s8;
	_ =	sdelay $0x1  }
0x167: {  	s8 =	sadd.s32 s13, s8;
	s21 =	sadd.f32 s15, s14  }
0x168: {  	s8 =	sshll.u32 s8, $0x7;
	s22 =	sadd.s32 $0x910, s7  }
0x169: {  	s8 =	sand.u32 $0x3FFFFF80, s8;
	[smem:s22] =	sst s21  }
0x16a: {  	s13 =	sld [smem:s8+$0x910]  }
0x16b: {  	s14 =	sld [smem:$0x16];
	_ =	sdelay $0x1  }
0x16c: {  	s9 =	smul.u32 $0x3, s9;
	_ =	sdelay $0x1  }
0x16d: {  	s9 =	sadd.s32 s12, s9;
	s23 =	sadd.f32 s14, s13  }
0x16e: {  	s9 =	sshll.u32 s9, $0x7;
	s24 =	sadd.s32 $0x910, s8  }
0x16f: {  	s9 =	sand.u32 $0x3FFFFF80, s9;
	[smem:s24] =	sst s23  }
0x170: {  	s12 =	sld [smem:s9+$0x910]  }
0x171: {  	s13 =	sld [smem:$0x17];
	_ =	sdelay $0x1  }
0x172: {  	s10 =	smul.u32 $0x3, s10;
	_ =	sdelay $0x1  }
0x173: {  	s10 =	sadd.s32 s11, s10;
	s25 =	sadd.f32 s13, s12  }
0x174: {  	s10 =	sshll.u32 s10, $0x7;
	s26 =	sadd.s32 $0x910, s9  }
0x175: {  	s10 =	sand.u32 $0x3FFFFF80, s10;
	[smem:s26] =	sst s25  }
0x176: {  	s11 =	sld [smem:s10+$0x910]  }
0x177: {  	s12 =	sld [smem:$0x18];
	_ =	sdelay $0x3  }
0x178: {  	s11 =	sadd.f32 s12, s11  }
0x179: {  	s28 =	sadd.s32 $0x910, s10  }
0x17a: {  	[smem:s28] =	sst s11  }
0x17b: {  	s11 =	sld [smem:s2+$0x911]  }
0x17c: {  	s12 =	sld [smem:$0x90];
	_ =	sdelay $0x3  }
0x17d: {  	s11 =	sadd.f32 s12, s11  }
0x17e: {  	s29 =	sadd.s32 $0x911, s2  }
0x17f: {  	[smem:s29] =	sst s11  }
0x180: {  	s11 =	sld [smem:s3+$0x911]  }
0x181: {  	s12 =	sld [smem:$0x91];
	_ =	sdelay $0x3  }
0x182: {  	s11 =	sadd.f32 s12, s11  }
0x183: {  	s30 =	sadd.s32 $0x911, s3  }
0x184: {  	[smem:s30] =	sst s11  }
0x185: {  	s11 =	sld [smem:s4+$0x911]  }
0x186: {  	s12 =	sld [smem:$0x92];
	_ =	sdelay $0x3  }
0x187: {  	s11 =	sadd.f32 s12, s11  }
0x188: {  	s31 =	sadd.s32 $0x911, s4  }
0x189: {  	[smem:s31] =	sst s11  }
0x18a: {  	s11 =	sld [smem:s5+$0x911]  }
0x18b: {  	s12 =	sld [smem:$0x93];
	_ =	sdelay $0x3  }
0x18c: {  	s11 =	sadd.f32 s12, s11  }
0x18d: {  	s13 =	sadd.s32 $0x911, s5  }
0x18e: {  	[smem:s13] =	sst s11  }
0x18f: {  	s11 =	sld [smem:s6+$0x911]  }
0x190: {  	s12 =	sld [smem:$0x94];
	_ =	sdelay $0x3  }
0x191: {  	s11 =	sadd.f32 s12, s11  }
0x192: {  	s14 =	sadd.s32 $0x911, s6  }
0x193: {  	[smem:s14] =	sst s11  }
0x194: {  	s11 =	sld [smem:s7+$0x911]  }
0x195: {  	s12 =	sld [smem:$0x95];
	_ =	sdelay $0x3  }
0x196: {  	s11 =	sadd.f32 s12, s11  }
0x197: {  	s15 =	sadd.s32 $0x911, s7  }
0x198: {  	[smem:s15] =	sst s11  }
0x199: {  	s11 =	sld [smem:s8+$0x911]  }
0x19a: {  	s12 =	sld [smem:$0x96];
	_ =	sdelay $0x3  }
0x19b: {  	s11 =	sadd.f32 s12, s11  }
0x19c: {  	s16 =	sadd.s32 $0x911, s8  }
0x19d: {  	[smem:s16] =	sst s11  }
0x19e: {  	s11 =	sld [smem:s9+$0x911]  }
0x19f: {  	s12 =	sld [smem:$0x97];
	_ =	sdelay $0x3  }
0x1a0: {  	s11 =	sadd.f32 s12, s11  }
0x1a1: {  	s17 =	sadd.s32 $0x911, s9  }
0x1a2: {  	[smem:s17] =	sst s11  }
0x1a3: {  	s11 =	sld [smem:s10+$0x911]  }
0x1a4: {  	s12 =	sld [smem:$0x98];
	_ =	sdelay $0x3  }
0x1a5: {  	s11 =	sadd.f32 s12, s11  }
0x1a6: {  	s18 =	sadd.s32 $0x911, s10  }
0x1a7: {  	[smem:s18] =	sst s11  }
0x1a8: {  	s11 =	sld [smem:s2+$0x912]  }
0x1a9: {  	s12 =	sld [smem:$0x110];
	_ =	sdelay $0x3  }
0x1aa: {  	s11 =	sadd.f32 s12, s11  }
0x1ab: {  	s19 =	sadd.s32 $0x912, s2  }
0x1ac: {  	[smem:s19] =	sst s11  }
0x1ad: {  	s11 =	sld [smem:s3+$0x912]  }
0x1ae: {  	s12 =	sld [smem:$0x111];
	_ =	sdelay $0x3  }
0x1af: {  	s11 =	sadd.f32 s12, s11  }
0x1b0: {  	s20 =	sadd.s32 $0x912, s3  }
0x1b1: {  	[smem:s20] =	sst s11  }
0x1b2: {  	s11 =	sld [smem:s4+$0x912]  }
0x1b3: {  	s12 =	sld [smem:$0x112];
	_ =	sdelay $0x3  }
0x1b4: {  	s11 =	sadd.f32 s12, s11  }
0x1b5: {  	s21 =	sadd.s32 $0x912, s4  }
0x1b6: {  	[smem:s21] =	sst s11  }
0x1b7: {  	s11 =	sld [smem:s5+$0x912]  }
0x1b8: {  	s12 =	sld [smem:$0x113];
	_ =	sdelay $0x3  }
0x1b9: {  	s11 =	sadd.f32 s12, s11  }
0x1ba: {  	s22 =	sadd.s32 $0x912, s5  }
0x1bb: {  	[smem:s22] =	sst s11  }
0x1bc: {  	s11 =	sld [smem:s6+$0x912]  }
0x1bd: {  	s12 =	sld [smem:$0x114];
	_ =	sdelay $0x3  }
0x1be: {  	s11 =	sadd.f32 s12, s11  }
0x1bf: {  	s23 =	sadd.s32 $0x912, s6  }
0x1c0: {  	[smem:s23] =	sst s11  }
0x1c1: {  	s11 =	sld [smem:s7+$0x912]  }
0x1c2: {  	s12 =	sld [smem:$0x115];
	_ =	sdelay $0x3  }
0x1c3: {  	s11 =	sadd.f32 s12, s11  }
0x1c4: {  	s24 =	sadd.s32 $0x912, s7  }
0x1c5: {  	[smem:s24] =	sst s11  }
0x1c6: {  	s11 =	sld [smem:s8+$0x912]  }
0x1c7: {  	s12 =	sld [smem:$0x116];
	_ =	sdelay $0x3  }
0x1c8: {  	s11 =	sadd.f32 s12, s11  }
0x1c9: {  	s25 =	sadd.s32 $0x912, s8  }
0x1ca: {  	[smem:s25] =	sst s11  }
0x1cb: {  	s11 =	sld [smem:s9+$0x912]  }
0x1cc: {  	s12 =	sld [smem:$0x117];
	_ =	sdelay $0x3  }
0x1cd: {  	s11 =	sadd.f32 s12, s11  }
0x1ce: {  	s26 =	sadd.s32 $0x912, s9  }
0x1cf: {  	[smem:s26] =	sst s11  }
0x1d0: {  	s11 =	sld [smem:s10+$0x912]  }
0x1d1: {  	s12 =	sld [smem:$0x118];
	_ =	sdelay $0x3  }
0x1d2: {  	s11 =	sadd.f32 s12, s11  }
0x1d3: {  	s28 =	sadd.s32 $0x912, s10  }
0x1d4: {  	[smem:s28] =	sst s11  }
0x1d5: {  	s11 =	sld [smem:s2+$0x913]  }
0x1d6: {  	s12 =	sld [smem:$0x190];
	_ =	sdelay $0x3  }
0x1d7: {  	s11 =	sadd.f32 s12, s11  }
0x1d8: {  	s29 =	sadd.s32 $0x913, s2  }
0x1d9: {  	[smem:s29] =	sst s11  }
0x1da: {  	s11 =	sld [smem:s3+$0x913]  }
0x1db: {  	s12 =	sld [smem:$0x191];
	_ =	sdelay $0x3  }
0x1dc: {  	s11 =	sadd.f32 s12, s11  }
0x1dd: {  	s30 =	sadd.s32 $0x913, s3  }
0x1de: {  	[smem:s30] =	sst s11  }
0x1df: {  	s11 =	sld [smem:s4+$0x913]  }
0x1e0: {  	s12 =	sld [smem:$0x192];
	_ =	sdelay $0x3  }
0x1e1: {  	s11 =	sadd.f32 s12, s11  }
0x1e2: {  	s31 =	sadd.s32 $0x913, s4  }
0x1e3: {  	[smem:s31] =	sst s11  }
0x1e4: {  	s11 =	sld [smem:s5+$0x913]  }
0x1e5: {  	s12 =	sld [smem:$0x193];
	_ =	sdelay $0x3  }
0x1e6: {  	s11 =	sadd.f32 s12, s11  }
0x1e7: {  	s13 =	sadd.s32 $0x913, s5  }
0x1e8: {  	[smem:s13] =	sst s11  }
0x1e9: {  	s11 =	sld [smem:s6+$0x913]  }
0x1ea: {  	s12 =	sld [smem:$0x194];
	_ =	sdelay $0x3  }
0x1eb: {  	s11 =	sadd.f32 s12, s11  }
0x1ec: {  	s14 =	sadd.s32 $0x913, s6  }
0x1ed: {  	[smem:s14] =	sst s11  }
0x1ee: {  	s11 =	sld [smem:s7+$0x913]  }
0x1ef: {  	s12 =	sld [smem:$0x195];
	_ =	sdelay $0x3  }
0x1f0: {  	s11 =	sadd.f32 s12, s11  }
0x1f1: {  	s15 =	sadd.s32 $0x913, s7  }
0x1f2: {  	[smem:s15] =	sst s11  }
0x1f3: {  	s11 =	sld [smem:s8+$0x913]  }
0x1f4: {  	s12 =	sld [smem:$0x196];
	_ =	sdelay $0x3  }
0x1f5: {  	s11 =	sadd.f32 s12, s11  }
0x1f6: {  	s16 =	sadd.s32 $0x913, s8  }
0x1f7: {  	[smem:s16] =	sst s11  }
0x1f8: {  	s11 =	sld [smem:s9+$0x913]  }
0x1f9: {  	s12 =	sld [smem:$0x197];
	_ =	sdelay $0x3  }
0x1fa: {  	s11 =	sadd.f32 s12, s11  }
0x1fb: {  	s17 =	sadd.s32 $0x913, s9  }
0x1fc: {  	[smem:s17] =	sst s11  }
0x1fd: {  	s11 =	sld [smem:s10+$0x913]  }
0x1fe: {  	s12 =	sld [smem:$0x198];
	_ =	sdelay $0x3  }
0x1ff: {  	s11 =	sadd.f32 s12, s11  }
0x200: {  	s18 =	sadd.s32 $0x913, s10  }
0x201: {  	[smem:s18] =	sst s11  }
0x202: {  	s11 =	sld [smem:s2+$0x914]  }
0x203: {  	s12 =	sld [smem:$0x210];
	_ =	sdelay $0x3  }
0x204: {  	s11 =	sadd.f32 s12, s11  }
0x205: {  	s19 =	sadd.s32 $0x914, s2  }
0x206: {  	[smem:s19] =	sst s11  }
0x207: {  	s11 =	sld [smem:s3+$0x914]  }
0x208: {  	s12 =	sld [smem:$0x211];
	_ =	sdelay $0x3  }
0x209: {  	s11 =	sadd.f32 s12, s11  }
0x20a: {  	s20 =	sadd.s32 $0x914, s3  }
0x20b: {  	[smem:s20] =	sst s11  }
0x20c: {  	s11 =	sld [smem:s4+$0x914]  }
0x20d: {  	s12 =	sld [smem:$0x212];
	_ =	sdelay $0x3  }
0x20e: {  	s11 =	sadd.f32 s12, s11  }
0x20f: {  	s21 =	sadd.s32 $0x914, s4  }
0x210: {  	[smem:s21] =	sst s11  }
0x211: {  	s11 =	sld [smem:s5+$0x914]  }
0x212: {  	s12 =	sld [smem:$0x213];
	_ =	sdelay $0x3  }
0x213: {  	s11 =	sadd.f32 s12, s11  }
0x214: {  	s22 =	sadd.s32 $0x914, s5  }
0x215: {  	[smem:s22] =	sst s11  }
0x216: {  	s11 =	sld [smem:s6+$0x914]  }
0x217: {  	s12 =	sld [smem:$0x214];
	_ =	sdelay $0x3  }
0x218: {  	s11 =	sadd.f32 s12, s11  }
0x219: {  	s23 =	sadd.s32 $0x914, s6  }
0x21a: {  	[smem:s23] =	sst s11  }
0x21b: {  	s11 =	sld [smem:s7+$0x914]  }
0x21c: {  	s12 =	sld [smem:$0x215];
	_ =	sdelay $0x3  }
0x21d: {  	s11 =	sadd.f32 s12, s11  }
0x21e: {  	s24 =	sadd.s32 $0x914, s7  }
0x21f: {  	[smem:s24] =	sst s11  }
0x220: {  	s11 =	sld [smem:s8+$0x914]  }
0x221: {  	s12 =	sld [smem:$0x216];
	_ =	sdelay $0x3  }
0x222: {  	s11 =	sadd.f32 s12, s11  }
0x223: {  	s25 =	sadd.s32 $0x914, s8  }
0x224: {  	[smem:s25] =	sst s11  }
0x225: {  	s11 =	sld [smem:s9+$0x914]  }
0x226: {  	s12 =	sld [smem:$0x217];
	_ =	sdelay $0x3  }
0x227: {  	s11 =	sadd.f32 s12, s11  }
0x228: {  	s26 =	sadd.s32 $0x914, s9  }
0x229: {  	[smem:s26] =	sst s11  }
0x22a: {  	s11 =	sld [smem:s10+$0x914]  }
0x22b: {  	s12 =	sld [smem:$0x218];
	_ =	sdelay $0x3  }
0x22c: {  	s11 =	sadd.f32 s12, s11  }
0x22d: {  	s28 =	sadd.s32 $0x914, s10  }
0x22e: {  	[smem:s28] =	sst s11  }
0x22f: {  	s11 =	sld [smem:s2+$0x915]  }
0x230: {  	s12 =	sld [smem:$0x290];
	_ =	sdelay $0x3  }
0x231: {  	s11 =	sadd.f32 s12, s11  }
0x232: {  	s29 =	sadd.s32 $0x915, s2  }
0x233: {  	[smem:s29] =	sst s11  }
0x234: {  	s11 =	sld [smem:s3+$0x915]  }
0x235: {  	s12 =	sld [smem:$0x291];
	_ =	sdelay $0x3  }
0x236: {  	s11 =	sadd.f32 s12, s11  }
0x237: {  	s30 =	sadd.s32 $0x915, s3  }
0x238: {  	[smem:s30] =	sst s11  }
0x239: {  	s11 =	sld [smem:s4+$0x915]  }
0x23a: {  	s12 =	sld [smem:$0x292];
	_ =	sdelay $0x3  }
0x23b: {  	s11 =	sadd.f32 s12, s11  }
0x23c: {  	s31 =	sadd.s32 $0x915, s4  }
0x23d: {  	[smem:s31] =	sst s11  }
0x23e: {  	s11 =	sld [smem:s5+$0x915]  }
0x23f: {  	s12 =	sld [smem:$0x293];
	_ =	sdelay $0x3  }
0x240: {  	s11 =	sadd.f32 s12, s11  }
0x241: {  	s13 =	sadd.s32 $0x915, s5  }
0x242: {  	[smem:s13] =	sst s11  }
0x243: {  	s11 =	sld [smem:s6+$0x915]  }
0x244: {  	s12 =	sld [smem:$0x294];
	_ =	sdelay $0x3  }
0x245: {  	s11 =	sadd.f32 s12, s11  }
0x246: {  	s14 =	sadd.s32 $0x915, s6  }
0x247: {  	[smem:s14] =	sst s11  }
0x248: {  	s11 =	sld [smem:s7+$0x915]  }
0x249: {  	s12 =	sld [smem:$0x295];
	_ =	sdelay $0x3  }
0x24a: {  	s11 =	sadd.f32 s12, s11  }
0x24b: {  	s15 =	sadd.s32 $0x915, s7  }
0x24c: {  	[smem:s15] =	sst s11  }
0x24d: {  	s11 =	sld [smem:s8+$0x915]  }
0x24e: {  	s12 =	sld [smem:$0x296];
	_ =	sdelay $0x3  }
0x24f: {  	s11 =	sadd.f32 s12, s11  }
0x250: {  	s16 =	sadd.s32 $0x915, s8  }
0x251: {  	[smem:s16] =	sst s11  }
0x252: {  	s11 =	sld [smem:s9+$0x915]  }
0x253: {  	s12 =	sld [smem:$0x297];
	_ =	sdelay $0x3  }
0x254: {  	s11 =	sadd.f32 s12, s11  }
0x255: {  	s17 =	sadd.s32 $0x915, s9  }
0x256: {  	[smem:s17] =	sst s11  }
0x257: {  	s11 =	sld [smem:s10+$0x915]  }
0x258: {  	s12 =	sld [smem:$0x298];
	_ =	sdelay $0x3  }
0x259: {  	s11 =	sadd.f32 s12, s11  }
0x25a: {  	s18 =	sadd.s32 $0x915, s10  }
0x25b: {  	[smem:s18] =	sst s11  }
0x25c: {  	s11 =	sld [smem:s2+$0x916]  }
0x25d: {  	s12 =	sld [smem:$0x310];
	_ =	sdelay $0x3  }
0x25e: {  	s11 =	sadd.f32 s12, s11  }
0x25f: {  	s19 =	sadd.s32 $0x916, s2  }
0x260: {  	[smem:s19] =	sst s11  }
0x261: {  	s11 =	sld [smem:s3+$0x916]  }
0x262: {  	s12 =	sld [smem:$0x311];
	_ =	sdelay $0x3  }
0x263: {  	s11 =	sadd.f32 s12, s11  }
0x264: {  	s20 =	sadd.s32 $0x916, s3  }
0x265: {  	[smem:s20] =	sst s11  }
0x266: {  	s11 =	sld [smem:s4+$0x916]  }
0x267: {  	s12 =	sld [smem:$0x312];
	_ =	sdelay $0x3  }
0x268: {  	s11 =	sadd.f32 s12, s11  }
0x269: {  	s21 =	sadd.s32 $0x916, s4  }
0x26a: {  	[smem:s21] =	sst s11  }
0x26b: {  	s11 =	sld [smem:s5+$0x916]  }
0x26c: {  	s12 =	sld [smem:$0x313];
	_ =	sdelay $0x3  }
0x26d: {  	s11 =	sadd.f32 s12, s11  }
0x26e: {  	s22 =	sadd.s32 $0x916, s5  }
0x26f: {  	[smem:s22] =	sst s11  }
0x270: {  	s11 =	sld [smem:s6+$0x916]  }
0x271: {  	s12 =	sld [smem:$0x314];
	_ =	sdelay $0x3  }
0x272: {  	s11 =	sadd.f32 s12, s11  }
0x273: {  	s23 =	sadd.s32 $0x916, s6  }
0x274: {  	[smem:s23] =	sst s11  }
0x275: {  	s11 =	sld [smem:s7+$0x916]  }
0x276: {  	s12 =	sld [smem:$0x315];
	_ =	sdelay $0x3  }
0x277: {  	s11 =	sadd.f32 s12, s11  }
0x278: {  	s24 =	sadd.s32 $0x916, s7  }
0x279: {  	[smem:s24] =	sst s11  }
0x27a: {  	s11 =	sld [smem:s8+$0x916]  }
0x27b: {  	s12 =	sld [smem:$0x316];
	_ =	sdelay $0x3  }
0x27c: {  	s11 =	sadd.f32 s12, s11  }
0x27d: {  	s25 =	sadd.s32 $0x916, s8  }
0x27e: {  	[smem:s25] =	sst s11  }
0x27f: {  	s11 =	sld [smem:s9+$0x916]  }
0x280: {  	s12 =	sld [smem:$0x317];
	_ =	sdelay $0x3  }
0x281: {  	s11 =	sadd.f32 s12, s11  }
0x282: {  	s26 =	sadd.s32 $0x916, s9  }
0x283: {  	[smem:s26] =	sst s11  }
0x284: {  	s11 =	sld [smem:s10+$0x916]  }
0x285: {  	s12 =	sld [smem:$0x318];
	_ =	sdelay $0x3  }
0x286: {  	s11 =	sadd.f32 s12, s11  }
0x287: {  	s28 =	sadd.s32 $0x916, s10  }
0x288: {  	[smem:s28] =	sst s11  }
0x289: {  	s11 =	sld [smem:s2+$0x917]  }
0x28a: {  	s12 =	sld [smem:$0x390];
	_ =	sdelay $0x3  }
0x28b: {  	s11 =	sadd.f32 s12, s11  }
0x28c: {  	s29 =	sadd.s32 $0x917, s2  }
0x28d: {  	[smem:s29] =	sst s11  }
0x28e: {  	s11 =	sld [smem:s3+$0x917]  }
0x28f: {  	s12 =	sld [smem:$0x391];
	_ =	sdelay $0x3  }
0x290: {  	s11 =	sadd.f32 s12, s11  }
0x291: {  	s30 =	sadd.s32 $0x917, s3  }
0x292: {  	[smem:s30] =	sst s11  }
0x293: {  	s11 =	sld [smem:s4+$0x917]  }
0x294: {  	s12 =	sld [smem:$0x392];
	_ =	sdelay $0x3  }
0x295: {  	s11 =	sadd.f32 s12, s11  }
0x296: {  	s31 =	sadd.s32 $0x917, s4  }
0x297: {  	[smem:s31] =	sst s11  }
0x298: {  	s11 =	sld [smem:s5+$0x917]  }
0x299: {  	s12 =	sld [smem:$0x393];
	_ =	sdelay $0x3  }
0x29a: {  	s11 =	sadd.f32 s12, s11  }
0x29b: {  	s13 =	sadd.s32 $0x917, s5  }
0x29c: {  	[smem:s13] =	sst s11  }
0x29d: {  	s11 =	sld [smem:s6+$0x917]  }
0x29e: {  	s12 =	sld [smem:$0x394];
	_ =	sdelay $0x3  }
0x29f: {  	s11 =	sadd.f32 s12, s11  }
0x2a0: {  	s14 =	sadd.s32 $0x917, s6  }
0x2a1: {  	[smem:s14] =	sst s11  }
0x2a2: {  	s11 =	sld [smem:s7+$0x917]  }
0x2a3: {  	s12 =	sld [smem:$0x395];
	_ =	sdelay $0x3  }
0x2a4: {  	s11 =	sadd.f32 s12, s11  }
0x2a5: {  	s15 =	sadd.s32 $0x917, s7  }
0x2a6: {  	[smem:s15] =	sst s11  }
0x2a7: {  	s11 =	sld [smem:s8+$0x917]  }
0x2a8: {  	s12 =	sld [smem:$0x396];
	_ =	sdelay $0x3  }
0x2a9: {  	s11 =	sadd.f32 s12, s11  }
0x2aa: {  	s16 =	sadd.s32 $0x917, s8  }
0x2ab: {  	[smem:s16] =	sst s11  }
0x2ac: {  	s11 =	sld [smem:s9+$0x917]  }
0x2ad: {  	s12 =	sld [smem:$0x397];
	_ =	sdelay $0x3  }
0x2ae: {  	s11 =	sadd.f32 s12, s11  }
0x2af: {  	s17 =	sadd.s32 $0x917, s9  }
0x2b0: {  	[smem:s17] =	sst s11  }
0x2b1: {  	s11 =	sld [smem:s10+$0x917]  }
0x2b2: {  	s12 =	sld [smem:$0x398];
	_ =	sdelay $0x3  }
0x2b3: {  	s11 =	sadd.f32 s12, s11  }
0x2b4: {  	s18 =	sadd.s32 $0x917, s10  }
0x2b5: {  	[smem:s18] =	sst s11  }
0x2b6: {  	s11 =	sld [smem:s2+$0x918]  }
0x2b7: {  	s12 =	sld [smem:$0x410];
	_ =	sdelay $0x3  }
0x2b8: {  	s11 =	sadd.f32 s12, s11  }
0x2b9: {  	s19 =	sadd.s32 $0x918, s2  }
0x2ba: {  	[smem:s19] =	sst s11  }
0x2bb: {  	s11 =	sld [smem:s3+$0x918]  }
0x2bc: {  	s12 =	sld [smem:$0x411];
	_ =	sdelay $0x3  }
0x2bd: {  	s11 =	sadd.f32 s12, s11  }
0x2be: {  	s20 =	sadd.s32 $0x918, s3  }
0x2bf: {  	[smem:s20] =	sst s11  }
0x2c0: {  	s11 =	sld [smem:s4+$0x918]  }
0x2c1: {  	s12 =	sld [smem:$0x412];
	_ =	sdelay $0x3  }
0x2c2: {  	s11 =	sadd.f32 s12, s11  }
0x2c3: {  	s21 =	sadd.s32 $0x918, s4  }
0x2c4: {  	[smem:s21] =	sst s11  }
0x2c5: {  	s11 =	sld [smem:s5+$0x918]  }
0x2c6: {  	s12 =	sld [smem:$0x413];
	_ =	sdelay $0x3  }
0x2c7: {  	s11 =	sadd.f32 s12, s11  }
0x2c8: {  	s22 =	sadd.s32 $0x918, s5  }
0x2c9: {  	[smem:s22] =	sst s11  }
0x2ca: {  	s11 =	sld [smem:s6+$0x918]  }
0x2cb: {  	s12 =	sld [smem:$0x414];
	_ =	sdelay $0x3  }
0x2cc: {  	s11 =	sadd.f32 s12, s11  }
0x2cd: {  	s23 =	sadd.s32 $0x918, s6  }
0x2ce: {  	[smem:s23] =	sst s11  }
0x2cf: {  	s11 =	sld [smem:s7+$0x918]  }
0x2d0: {  	s12 =	sld [smem:$0x415];
	_ =	sdelay $0x3  }
0x2d1: {  	s11 =	sadd.f32 s12, s11  }
0x2d2: {  	s24 =	sadd.s32 $0x918, s7  }
0x2d3: {  	[smem:s24] =	sst s11  }
0x2d4: {  	s11 =	sld [smem:s8+$0x918]  }
0x2d5: {  	s12 =	sld [smem:$0x416];
	_ =	sdelay $0x3  }
0x2d6: {  	s11 =	sadd.f32 s12, s11  }
0x2d7: {  	s25 =	sadd.s32 $0x918, s8  }
0x2d8: {  	[smem:s25] =	sst s11  }
0x2d9: {  	s11 =	sld [smem:s9+$0x918]  }
0x2da: {  	s12 =	sld [smem:$0x417];
	_ =	sdelay $0x3  }
0x2db: {  	s11 =	sadd.f32 s12, s11  }
0x2dc: {  	s26 =	sadd.s32 $0x918, s9  }
0x2dd: {  	[smem:s26] =	sst s11  }
0x2de: {  	s11 =	sld [smem:s10+$0x918]  }
0x2df: {  	s12 =	sld [smem:$0x418];
	_ =	sdelay $0x3  }
0x2e0: {  	s11 =	sadd.f32 s12, s11  }
0x2e1: {  	s28 =	sadd.s32 $0x918, s10  }
0x2e2: {  	[smem:s28] =	sst s11  }
0x2e3: {  	s11 =	sld [smem:s2+$0x919]  }
0x2e4: {  	s12 =	sld [smem:$0x490];
	_ =	sdelay $0x3  }
0x2e5: {  	s11 =	sadd.f32 s12, s11  }
0x2e6: {  	s29 =	sadd.s32 $0x919, s2  }
0x2e7: {  	[smem:s29] =	sst s11  }
0x2e8: {  	s11 =	sld [smem:s3+$0x919]  }
0x2e9: {  	s12 =	sld [smem:$0x491];
	_ =	sdelay $0x3  }
0x2ea: {  	s11 =	sadd.f32 s12, s11  }
0x2eb: {  	s30 =	sadd.s32 $0x919, s3  }
0x2ec: {  	[smem:s30] =	sst s11  }
0x2ed: {  	s11 =	sld [smem:s4+$0x919]  }
0x2ee: {  	s12 =	sld [smem:$0x492];
	_ =	sdelay $0x3  }
0x2ef: {  	s11 =	sadd.f32 s12, s11  }
0x2f0: {  	s31 =	sadd.s32 $0x919, s4  }
0x2f1: {  	[smem:s31] =	sst s11  }
0x2f2: {  	s11 =	sld [smem:s5+$0x919]  }
0x2f3: {  	s12 =	sld [smem:$0x493];
	_ =	sdelay $0x3  }
0x2f4: {  	s11 =	sadd.f32 s12, s11  }
0x2f5: {  	s13 =	sadd.s32 $0x919, s5  }
0x2f6: {  	[smem:s13] =	sst s11  }
0x2f7: {  	s11 =	sld [smem:s6+$0x919]  }
0x2f8: {  	s12 =	sld [smem:$0x494];
	_ =	sdelay $0x3  }
0x2f9: {  	s11 =	sadd.f32 s12, s11  }
0x2fa: {  	s14 =	sadd.s32 $0x919, s6  }
0x2fb: {  	[smem:s14] =	sst s11  }
0x2fc: {  	s11 =	sld [smem:s7+$0x919]  }
0x2fd: {  	s12 =	sld [smem:$0x495];
	_ =	sdelay $0x3  }
0x2fe: {  	s11 =	sadd.f32 s12, s11  }
0x2ff: {  	s15 =	sadd.s32 $0x919, s7  }
0x300: {  	[smem:s15] =	sst s11  }
0x301: {  	s11 =	sld [smem:s8+$0x919]  }
0x302: {  	s12 =	sld [smem:$0x496];
	_ =	sdelay $0x3  }
0x303: {  	s11 =	sadd.f32 s12, s11  }
0x304: {  	s16 =	sadd.s32 $0x919, s8  }
0x305: {  	[smem:s16] =	sst s11  }
0x306: {  	s11 =	sld [smem:s9+$0x919]  }
0x307: {  	s12 =	sld [smem:$0x497];
	_ =	sdelay $0x3  }
0x308: {  	s11 =	sadd.f32 s12, s11  }
0x309: {  	s17 =	sadd.s32 $0x919, s9  }
0x30a: {  	[smem:s17] =	sst s11  }
0x30b: {  	s11 =	sld [smem:s10+$0x919]  }
0x30c: {  	s12 =	sld [smem:$0x498];
	_ =	sdelay $0x3  }
0x30d: {  	s11 =	sadd.f32 s12, s11  }
0x30e: {  	s18 =	sadd.s32 $0x919, s10  }
0x30f: {  	[smem:s18] =	sst s11  }
0x310: {  	s11 =	sld [smem:s2+$0x91A]  }
0x311: {  	s12 =	sld [smem:$0x510];
	_ =	sdelay $0x3  }
0x312: {  	s11 =	sadd.f32 s12, s11  }
0x313: {  	s19 =	sadd.s32 $0x91A, s2  }
0x314: {  	[smem:s19] =	sst s11  }
0x315: {  	s11 =	sld [smem:s3+$0x91A]  }
0x316: {  	s12 =	sld [smem:$0x511];
	_ =	sdelay $0x3  }
0x317: {  	s11 =	sadd.f32 s12, s11  }
0x318: {  	s20 =	sadd.s32 $0x91A, s3  }
0x319: {  	[smem:s20] =	sst s11  }
0x31a: {  	s11 =	sld [smem:s4+$0x91A]  }
0x31b: {  	s12 =	sld [smem:$0x512];
	_ =	sdelay $0x3  }
0x31c: {  	s11 =	sadd.f32 s12, s11  }
0x31d: {  	s21 =	sadd.s32 $0x91A, s4  }
0x31e: {  	[smem:s21] =	sst s11  }
0x31f: {  	s11 =	sld [smem:s5+$0x91A]  }
0x320: {  	s12 =	sld [smem:$0x513];
	_ =	sdelay $0x3  }
0x321: {  	s11 =	sadd.f32 s12, s11  }
0x322: {  	s22 =	sadd.s32 $0x91A, s5  }
0x323: {  	[smem:s22] =	sst s11  }
0x324: {  	s11 =	sld [smem:s6+$0x91A]  }
0x325: {  	s12 =	sld [smem:$0x514];
	_ =	sdelay $0x3  }
0x326: {  	s11 =	sadd.f32 s12, s11  }
0x327: {  	s23 =	sadd.s32 $0x91A, s6  }
0x328: {  	[smem:s23] =	sst s11  }
0x329: {  	s11 =	sld [smem:s7+$0x91A]  }
0x32a: {  	s12 =	sld [smem:$0x515];
	_ =	sdelay $0x3  }
0x32b: {  	s11 =	sadd.f32 s12, s11  }
0x32c: {  	s24 =	sadd.s32 $0x91A, s7  }
0x32d: {  	[smem:s24] =	sst s11  }
0x32e: {  	s11 =	sld [smem:s8+$0x91A]  }
0x32f: {  	s12 =	sld [smem:$0x516];
	_ =	sdelay $0x3  }
0x330: {  	s11 =	sadd.f32 s12, s11  }
0x331: {  	s25 =	sadd.s32 $0x91A, s8  }
0x332: {  	[smem:s25] =	sst s11  }
0x333: {  	s11 =	sld [smem:s9+$0x91A]  }
0x334: {  	s12 =	sld [smem:$0x517];
	_ =	sdelay $0x3  }
0x335: {  	s11 =	sadd.f32 s12, s11  }
0x336: {  	s26 =	sadd.s32 $0x91A, s9  }
0x337: {  	[smem:s26] =	sst s11  }
0x338: {  	s11 =	sld [smem:s10+$0x91A]  }
0x339: {  	s12 =	sld [smem:$0x518];
	_ =	sdelay $0x3  }
0x33a: {  	s11 =	sadd.f32 s12, s11  }
0x33b: {  	s28 =	sadd.s32 $0x91A, s10  }
0x33c: {  	[smem:s28] =	sst s11  }
0x33d: {  	s11 =	sld [smem:s2+$0x91B]  }
0x33e: {  	s12 =	sld [smem:$0x590];
	_ =	sdelay $0x3  }
0x33f: {  	s11 =	sadd.f32 s12, s11  }
0x340: {  	s29 =	sadd.s32 $0x91B, s2  }
0x341: {  	[smem:s29] =	sst s11  }
0x342: {  	s11 =	sld [smem:s3+$0x91B]  }
0x343: {  	s12 =	sld [smem:$0x591];
	_ =	sdelay $0x3  }
0x344: {  	s11 =	sadd.f32 s12, s11  }
0x345: {  	s30 =	sadd.s32 $0x91B, s3  }
0x346: {  	[smem:s30] =	sst s11  }
0x347: {  	s11 =	sld [smem:s4+$0x91B]  }
0x348: {  	s12 =	sld [smem:$0x592];
	_ =	sdelay $0x3  }
0x349: {  	s11 =	sadd.f32 s12, s11  }
0x34a: {  	s31 =	sadd.s32 $0x91B, s4  }
0x34b: {  	[smem:s31] =	sst s11  }
0x34c: {  	s11 =	sld [smem:s5+$0x91B]  }
0x34d: {  	s12 =	sld [smem:$0x593];
	_ =	sdelay $0x3  }
0x34e: {  	s11 =	sadd.f32 s12, s11  }
0x34f: {  	s13 =	sadd.s32 $0x91B, s5  }
0x350: {  	[smem:s13] =	sst s11  }
0x351: {  	s11 =	sld [smem:s6+$0x91B]  }
0x352: {  	s12 =	sld [smem:$0x594];
	_ =	sdelay $0x3  }
0x353: {  	s11 =	sadd.f32 s12, s11  }
0x354: {  	s14 =	sadd.s32 $0x91B, s6  }
0x355: {  	[smem:s14] =	sst s11  }
0x356: {  	s11 =	sld [smem:s7+$0x91B]  }
0x357: {  	s12 =	sld [smem:$0x595];
	_ =	sdelay $0x3  }
0x358: {  	s11 =	sadd.f32 s12, s11  }
0x359: {  	s15 =	sadd.s32 $0x91B, s7  }
0x35a: {  	[smem:s15] =	sst s11  }
0x35b: {  	s11 =	sld [smem:s8+$0x91B]  }
0x35c: {  	s12 =	sld [smem:$0x596];
	_ =	sdelay $0x3  }
0x35d: {  	s11 =	sadd.f32 s12, s11  }
0x35e: {  	s16 =	sadd.s32 $0x91B, s8  }
0x35f: {  	[smem:s16] =	sst s11  }
0x360: {  	s11 =	sld [smem:s9+$0x91B]  }
0x361: {  	s12 =	sld [smem:$0x597];
	_ =	sdelay $0x3  }
0x362: {  	s11 =	sadd.f32 s12, s11  }
0x363: {  	s17 =	sadd.s32 $0x91B, s9  }
0x364: {  	[smem:s17] =	sst s11  }
0x365: {  	s11 =	sld [smem:s10+$0x91B]  }
0x366: {  	s12 =	sld [smem:$0x598];
	_ =	sdelay $0x3  }
0x367: {  	s11 =	sadd.f32 s12, s11  }
0x368: {  	s18 =	sadd.s32 $0x91B, s10  }
0x369: {  	[smem:s18] =	sst s11  }
0x36a: {  	s11 =	sld [smem:s2+$0x91C]  }
0x36b: {  	s12 =	sld [smem:$0x610];
	_ =	sdelay $0x3  }
0x36c: {  	s11 =	sadd.f32 s12, s11  }
0x36d: {  	s19 =	sadd.s32 $0x91C, s2  }
0x36e: {  	[smem:s19] =	sst s11  }
0x36f: {  	s11 =	sld [smem:s3+$0x91C]  }
0x370: {  	s12 =	sld [smem:$0x611];
	_ =	sdelay $0x3  }
0x371: {  	s11 =	sadd.f32 s12, s11  }
0x372: {  	s20 =	sadd.s32 $0x91C, s3  }
0x373: {  	[smem:s20] =	sst s11  }
0x374: {  	s11 =	sld [smem:s4+$0x91C]  }
0x375: {  	s12 =	sld [smem:$0x612];
	_ =	sdelay $0x3  }
0x376: {  	s11 =	sadd.f32 s12, s11  }
0x377: {  	s21 =	sadd.s32 $0x91C, s4  }
0x378: {  	[smem:s21] =	sst s11  }
0x379: {  	s11 =	sld [smem:s5+$0x91C]  }
0x37a: {  	s12 =	sld [smem:$0x613];
	_ =	sdelay $0x3  }
0x37b: {  	s11 =	sadd.f32 s12, s11  }
0x37c: {  	s22 =	sadd.s32 $0x91C, s5  }
0x37d: {  	[smem:s22] =	sst s11  }
0x37e: {  	s11 =	sld [smem:s6+$0x91C]  }
0x37f: {  	s12 =	sld [smem:$0x614];
	_ =	sdelay $0x3  }
0x380: {  	s11 =	sadd.f32 s12, s11  }
0x381: {  	s23 =	sadd.s32 $0x91C, s6  }
0x382: {  	[smem:s23] =	sst s11  }
0x383: {  	s11 =	sld [smem:s7+$0x91C]  }
0x384: {  	s12 =	sld [smem:$0x615];
	_ =	sdelay $0x3  }
0x385: {  	s11 =	sadd.f32 s12, s11  }
0x386: {  	s24 =	sadd.s32 $0x91C, s7  }
0x387: {  	[smem:s24] =	sst s11  }
0x388: {  	s11 =	sld [smem:s8+$0x91C]  }
0x389: {  	s12 =	sld [smem:$0x616];
	_ =	sdelay $0x3  }
0x38a: {  	s11 =	sadd.f32 s12, s11  }
0x38b: {  	s25 =	sadd.s32 $0x91C, s8  }
0x38c: {  	[smem:s25] =	sst s11  }
0x38d: {  	s11 =	sld [smem:s9+$0x91C]  }
0x38e: {  	s12 =	sld [smem:$0x617];
	_ =	sdelay $0x3  }
0x38f: {  	s11 =	sadd.f32 s12, s11  }
0x390: {  	s26 =	sadd.s32 $0x91C, s9  }
0x391: {  	[smem:s26] =	sst s11  }
0x392: {  	s11 =	sld [smem:s10+$0x91C]  }
0x393: {  	s12 =	sld [smem:$0x618];
	_ =	sdelay $0x3  }
0x394: {  	s11 =	sadd.f32 s12, s11  }
0x395: {  	s28 =	sadd.s32 $0x91C, s10  }
0x396: {  	[smem:s28] =	sst s11  }
0x397: {  	s11 =	sld [smem:s2+$0x91D]  }
0x398: {  	s12 =	sld [smem:$0x690];
	_ =	sdelay $0x3  }
0x399: {  	s11 =	sadd.f32 s12, s11  }
0x39a: {  	s29 =	sadd.s32 $0x91D, s2  }
0x39b: {  	[smem:s29] =	sst s11  }
0x39c: {  	s11 =	sld [smem:s3+$0x91D]  }
0x39d: {  	s12 =	sld [smem:$0x691];
	_ =	sdelay $0x3  }
0x39e: {  	s11 =	sadd.f32 s12, s11  }
0x39f: {  	s30 =	sadd.s32 $0x91D, s3  }
0x3a0: {  	[smem:s30] =	sst s11  }
0x3a1: {  	s11 =	sld [smem:s4+$0x91D]  }
0x3a2: {  	s12 =	sld [smem:$0x692];
	_ =	sdelay $0x3  }
0x3a3: {  	s11 =	sadd.f32 s12, s11  }
0x3a4: {  	s31 =	sadd.s32 $0x91D, s4  }
0x3a5: {  	[smem:s31] =	sst s11  }
0x3a6: {  	s11 =	sld [smem:s5+$0x91D]  }
0x3a7: {  	s12 =	sld [smem:$0x693];
	_ =	sdelay $0x3  }
0x3a8: {  	s11 =	sadd.f32 s12, s11  }
0x3a9: {  	s13 =	sadd.s32 $0x91D, s5  }
0x3aa: {  	[smem:s13] =	sst s11  }
0x3ab: {  	s11 =	sld [smem:s6+$0x91D]  }
0x3ac: {  	s12 =	sld [smem:$0x694];
	_ =	sdelay $0x3  }
0x3ad: {  	s11 =	sadd.f32 s12, s11  }
0x3ae: {  	s14 =	sadd.s32 $0x91D, s6  }
0x3af: {  	[smem:s14] =	sst s11  }
0x3b0: {  	s11 =	sld [smem:s7+$0x91D]  }
0x3b1: {  	s12 =	sld [smem:$0x695];
	_ =	sdelay $0x3  }
0x3b2: {  	s11 =	sadd.f32 s12, s11  }
0x3b3: {  	s15 =	sadd.s32 $0x91D, s7  }
0x3b4: {  	[smem:s15] =	sst s11  }
0x3b5: {  	s11 =	sld [smem:s8+$0x91D]  }
0x3b6: {  	s12 =	sld [smem:$0x696];
	_ =	sdelay $0x3  }
0x3b7: {  	s11 =	sadd.f32 s12, s11  }
0x3b8: {  	s16 =	sadd.s32 $0x91D, s8  }
0x3b9: {  	[smem:s16] =	sst s11  }
0x3ba: {  	s11 =	sld [smem:s9+$0x91D]  }
0x3bb: {  	s12 =	sld [smem:$0x697];
	_ =	sdelay $0x3  }
0x3bc: {  	s11 =	sadd.f32 s12, s11  }
0x3bd: {  	s17 =	sadd.s32 $0x91D, s9  }
0x3be: {  	[smem:s17] =	sst s11  }
0x3bf: {  	s11 =	sld [smem:s10+$0x91D]  }
0x3c0: {  	s12 =	sld [smem:$0x698];
	_ =	sdelay $0x3  }
0x3c1: {  	s11 =	sadd.f32 s12, s11  }
0x3c2: {  	s18 =	sadd.s32 $0x91D, s10  }
0x3c3: {  	[smem:s18] =	sst s11  }
0x3c4: {  	s11 =	sld [smem:s2+$0x91E]  }
0x3c5: {  	s12 =	sld [smem:$0x710];
	_ =	sdelay $0x3  }
0x3c6: {  	s11 =	sadd.f32 s12, s11  }
0x3c7: {  	s2 =	sadd.s32 $0x91E, s2  }
0x3c8: {  	[smem:s2] =	sst s11  }
0x3c9: {  	s2 =	sld [smem:s3+$0x91E]  }
0x3ca: {  	s11 =	sld [smem:$0x711];
	_ =	sdelay $0x3  }
0x3cb: {  	s2 =	sadd.f32 s11, s2  }
0x3cc: {  	s3 =	sadd.s32 $0x91E, s3  }
0x3cd: {  	[smem:s3] =	sst s2  }
0x3ce: {  	s2 =	sld [smem:s4+$0x91E]  }
0x3cf: {  	s3 =	sld [smem:$0x712];
	_ =	sdelay $0x3  }
0x3d0: {  	s2 =	sadd.f32 s3, s2  }
0x3d1: {  	s19 =	sadd.s32 $0x91E, s4  }
0x3d2: {  	[smem:s19] =	sst s2  }
0x3d3: {  	s2 =	sld [smem:s5+$0x91E]  }
0x3d4: {  	s3 =	sld [smem:$0x713];
	_ =	sdelay $0x3  }
0x3d5: {  	s2 =	sadd.f32 s3, s2  }
0x3d6: {  	s20 =	sadd.s32 $0x91E, s5  }
0x3d7: {  	[smem:s20] =	sst s2  }
0x3d8: {  	s2 =	sld [smem:s6+$0x91E]  }
0x3d9: {  	s3 =	sld [smem:$0x714];
	_ =	sdelay $0x3  }
0x3da: {  	s2 =	sadd.f32 s3, s2  }
0x3db: {  	s21 =	sadd.s32 $0x91E, s6  }
0x3dc: {  	[smem:s21] =	sst s2  }
0x3dd: {  	s2 =	sld [smem:s7+$0x91E]  }
0x3de: {  	s3 =	sld [smem:$0x715];
	_ =	sdelay $0x3  }
0x3df: {  	s2 =	sadd.f32 s3, s2  }
0x3e0: {  	s22 =	sadd.s32 $0x91E, s7  }
0x3e1: {  	[smem:s22] =	sst s2  }
0x3e2: {  	s2 =	sld [smem:s8+$0x91E]  }
0x3e3: {  	s3 =	sld [smem:$0x716];
	_ =	sdelay $0x3  }
0x3e4: {  	s2 =	sadd.f32 s3, s2  }
0x3e5: {  	s23 =	sadd.s32 $0x91E, s8  }
0x3e6: {  	[smem:s23] =	sst s2  }
0x3e7: {  	s2 =	sld [smem:s9+$0x91E]  }
0x3e8: {  	s3 =	sld [smem:$0x717];
	_ =	sdelay $0x3  }
0x3e9: {  	s2 =	sadd.f32 s3, s2  }
0x3ea: {  	s24 =	sadd.s32 $0x91E, s9  }
0x3eb: {  	[smem:s24] =	sst s2  }
0x3ec: {  	s2 =	sld [smem:s10+$0x91E]  }
0x3ed: {  	s3 =	sld [smem:$0x718];
	_ =	sdelay $0x3  }
0x3ee: {  	s2 =	sadd.f32 s3, s2  }
0x3ef: {  	s25 =	sadd.s32 $0x91E, s10  }
0x3f0: {  	s1 =	sadd.s32 $0x1800, s1;
	s26 =	simm.s32 $0x910;
	[smem:s25] =	sst s2  }
0x3f1: {  	[hbm:s1], [sflag:s0] =	dma.local [smem:s26], $0x90  }
0x3f2: {  	_ =	swait.ge [sflag:s0], $0x90  }
0x3f3: {  	[sflag:s0] =	ssyncset.done $0x0  }
0x3f4: {  	[sflag:s0] =	ssyncadd.s32 $0xFFFFFF70  }
0x3f5: {  	_ =	strace $0x90000046  }
0x3f6: {  	_ =	sfence  }
0x3f7: {  	s28 =	sld [smem:$0x0];
	_ =	sdelay $0x1  }
0x3f8: {  	s29 =	srdreg.scid  }
0x3f9: {  	s30 =	sshll.u32 s29, $0xD;
	s31 =	sshrl.u32 s29, $0x2  }
0x3fa: {  	s2 =	sand.u32 $0x4000, s30;
	s1 =	sand.u32 $0x1, s29;
	s0 =	sadd.s32 s31, s28  }
0x3fb: {  	s1 =	sor.u32 s2, s1;
	s0 =	sshll.u32 s0, $0x11  }
0x3fc: {  	s0 =	sor.u32 s0, s1  }
0x3fd: {  	s0 =	sadd.s32 $0x8F2B, s0;
	(pc) =	sbr.abs _section_cstart, $3  }
0x3fe: {  	[sflag:s0] =	ssyncadd.remote.s32 $0x1  }
0x3ff: {  	_ =	strace $0x9FFFFFFF  }
0x400: {  	(tm) =	ssettm $0x7FFFFFFF  }
0x401: {  	_ =	shalt  }

</sc_bundles>
